<compile_context>
chip_gen: v7x
topology: tpu7x:2x2x1
jax: 0.10.2.dev20260603
libtpu: 0.0.44.dev20260713+nightly
codegen_flags: <defaults>
</compile_context>

<pallas_src>
import functools

import jax
import jax.numpy as jnp
from jax import lax
from jax.experimental import pallas as pl
from jax.experimental.pallas import tpu as pltpu
from jax.experimental.pallas import tpu_sc as plsc

_B, _S, _D = 4, 2048, 1024
_NC, _NS = 2, 16
_NW = _NC * _NS
_SPW = _S // _NW
_SUB = 16
_NSUB = _SPW // _SUB
_STEPS = _NSUB * _B
_NXB = 5
_AHEAD = 3
_NEB = 2
_VECS = _SUB * _D // 16

_mesh = plsc.VectorSubcoreMesh(core_axis_name="c", subcore_axis_name="s")


@functools.partial(
    pl.kernel,
    mesh=_mesh,
    out_type=jax.ShapeDtypeStruct((_B, _S, _D), jnp.float32),
    compiler_params=pltpu.CompilerParams(use_tc_tiling_on_sc=True),
    scratch_types=[
        pltpu.VMEM((_NXB, _SUB, _D), jnp.float32),
        pltpu.VMEM((_NEB, _SUB, _D), jnp.float32),
        pltpu.SemaphoreType.DMA((_NXB,)),
        pltpu.SemaphoreType.DMA((_NXB,)),
        pltpu.SemaphoreType.DMA((_NEB,)),
    ],
)
def _sc_add(x_hbm, emb_hbm, out_hbm, xbuf, ebuf, xsem, osem, esem):
    wid = lax.axis_index("s") * _NC + lax.axis_index("c")
    s0 = wid * _SPW

    def rows(j):
        return pl.ds(s0 + j * _SUB, _SUB)

    def fire_x(t):
        j, b = divmod(t, _B)
        k = t % _NXB
        return pltpu.async_copy(x_hbm.at[b, rows(j)], xbuf.at[k], xsem.at[k])

    def fire_e(j):
        je = j % _NEB
        return pltpu.async_copy(emb_hbm.at[rows(j)], ebuf.at[je], esem.at[je])

    x_copies = {t: fire_x(t) for t in range(_AHEAD)}
    e_copies = {j: fire_e(j) for j in range(_NEB)}
    out_copies = {}

    for t in range(_STEPS):
        j, b = divmod(t, _B)
        k = t % _NXB
        if b == 0:
            e_copies.pop(j).wait()
        x_copies.pop(t).wait()
        t3 = t + _AHEAD
        if t3 < _STEPS:
            if t3 - _NXB in out_copies:
                out_copies.pop(t3 - _NXB).wait()
            x_copies[t3] = fire_x(t3)

        je = j % _NEB

        @plsc.parallel_loop(0, _VECS, unroll=8)
        def _add(i):
            r = i >> 6
            c = (i & 63) * 16
            plsc.addupdate(xbuf.at[k, r, pl.ds(c, 16)], ebuf[je, r, pl.ds(c, 16)])

        out_copies[t] = pltpu.async_copy(
            xbuf.at[k], out_hbm.at[b, rows(j)], osem.at[k])
        if b == _B - 1 and j + _NEB < _NSUB:
            e_copies[j + _NEB] = fire_e(j + _NEB)

    for t in sorted(out_copies):
        out_copies.pop(t).wait()


def kernel(x, emb):
    return _sc_add(x, emb)

# --- scband reference (transcript-rebuilt; emitter-appended) ---
"""Pipeline reference for scband-learned-positional-encoding-41128606827063 (READ-ONLY COPY).

The authoritative reference and input builder live on the scoring server;
editing this copy changes nothing except your own understanding.
"""

import jax, jax.numpy as jnp
import numpy as np

NUM_MODALS = 2048
NUM_HIDDENS = 1024

def setup_inputs(seed: int = 0) -> dict:
    key = jax.random.key(seed)
    k1, k2 = jax.random.split(key)
    x = jax.random.normal(k1, (4, 2048, 1024), dtype=jnp.float32)
    emb = jax.random.normal(k2, (NUM_MODALS, NUM_HIDDENS), dtype=jnp.float32) * 0.02
    return {"x": x, "emb": emb}

def reference(x, emb):
    # position_ids = arange(num_modals)[: x.size(-2)]
    pos = jnp.arange(emb.shape[0])[: x.shape[-2]]
    # embedding lookup (gather rows)
    pe = jnp.take(emb, pos, axis=0)
    # x + emb(position_ids)[None, :x.shape[1], :]
    out = x + pe[None, : x.shape[1], :]
    # dropout p=0.0 -> identity (eval-mode semantics)
    return out

if __name__ == "__main__":
    import jax
    _d = setup_inputs()
    print(jax.jit(kernel)(*tuple(_d.values())))

</pallas_src>

<mosaic_0001>
#map = affine_map<(d0, d1) -> (0, 0, 0)>
#map1 = affine_map<(d0, d1) -> (0, 0)>
module attributes {stable_mosaic.version = 14 : i64} {
  func.func @_sc_add(%arg0: i32, %arg1: i32, %arg2: memref<4x2048x1024xf32, #tpu.memory_space<hbm>>, %arg3: memref<2048x1024xf32, #tpu.memory_space<hbm>>, %arg4: memref<4x2048x1024xf32, #tpu.memory_space<hbm>>, %arg5: memref<5x16x1024xf32, #tpu.memory_space<vmem>>, %arg6: memref<2x16x1024xf32, #tpu.memory_space<vmem>>, %arg7: memref<5x!tpu.dma_semaphore, #tpu.memory_space<semaphore_mem>>, %arg8: memref<5x!tpu.dma_semaphore, #tpu.memory_space<semaphore_mem>>, %arg9: memref<2x!tpu.dma_semaphore, #tpu.memory_space<semaphore_mem>>) attributes {dimension_semantics = [#tpu.dimension_semantics<core_parallel>, #tpu.dimension_semantics<subcore_parallel>], iteration_bounds = array<i64: 2, 16>, scalar_prefetch = 0 : i64, scratch_operands = 5 : i64, tpu.core_type = #tpu.core_type<sc_vector_subcore>, window_params = [{transform_indices = #map}, {transform_indices = #map1}, {transform_indices = #map}]} {
    %mul3A = arith.constant 2 : i32
    %mul3A_0 = arith.muli %arg1, %mul3A : i32
    %add3A = arith.addi %mul3A_0, %arg0 : i32
    %mul3A_1 = arith.constant 64 : i32
    %mul3A_2 = arith.muli %add3A, %mul3A_1 : i32
    %add3A_3 = arith.constant 0 : i32
    %add3A_4 = arith.addi %mul3A_2, %add3A_3 : i32
    %dma_start3A = arith.constant 0 : i32
    %dma_start3A_5 = arith.constant 0 : i32
    %dma_start3A_6 = arith.constant 0 : i32
    %dma_start3A_7 = arith.constant 0 : i32
    %dma_start3A_8 = arith.constant 0 : i32
    %dma_start3A_9 = tpu.memref_slice %arg5[%dma_start3A_5, %dma_start3A_7, %dma_start3A_8] : memref<5x16x1024xf32, #tpu.memory_space<vmem>> -> memref<1x16x1024xf32, #tpu.memory_space<vmem>>
    %dma_start3A_10 = tpu.memref_squeeze %dma_start3A_9 : memref<1x16x1024xf32, #tpu.memory_space<vmem>> -> memref<16x1024xf32, #tpu.memory_space<vmem>>
    %dma_start3A_11 = arith.constant 0 : i32
    %dma_start3A_12 = tpu.memref_slice %arg2[%dma_start3A, %add3A_4, %dma_start3A_11] : memref<4x2048x1024xf32, #tpu.memory_space<hbm>> -> memref<1x16x1024xf32, #tpu.memory_space<hbm>>
    %dma_start3A_13 = tpu.memref_squeeze %dma_start3A_12 : memref<1x16x1024xf32, #tpu.memory_space<hbm>> -> memref<16x1024xf32, #tpu.memory_space<hbm>>
    %dma_start3A_14 = tpu.memref_slice %arg7[%dma_start3A_6] : memref<5x!tpu.dma_semaphore, #tpu.memory_space<semaphore_mem>> -> memref<1x!tpu.dma_semaphore, #tpu.memory_space<semaphore_mem>>
    %dma_start3A_15 = tpu.memref_squeeze %dma_start3A_14 : memref<1x!tpu.dma_semaphore, #tpu.memory_space<semaphore_mem>> -> memref<!tpu.dma_semaphore, #tpu.memory_space<semaphore_mem>>
    %dma_start3A_16 = arith.constant 0 : i32
    %dma_start3A_17 = arith.constant 0 : i32
    %dma_start3A_18 = tpu.memref_slice %arg5[%dma_start3A_5, %dma_start3A_16, %dma_start3A_17] : memref<5x16x1024xf32, #tpu.memory_space<vmem>> -> memref<1x16x1024xf32, #tpu.memory_space<vmem>>
    %dma_start3A_19 = tpu.memref_squeeze %dma_start3A_18 : memref<1x16x1024xf32, #tpu.memory_space<vmem>> -> memref<16x1024xf32, #tpu.memory_space<vmem>>
    %dma_start3A_20 = arith.constant 0 : i32
    %dma_start3A_21 = tpu.memref_slice %arg2[%dma_start3A, %add3A_4, %dma_start3A_20] : memref<4x2048x1024xf32, #tpu.memory_space<hbm>> -> memref<1x16x1024xf32, #tpu.memory_space<hbm>>
    %dma_start3A_22 = tpu.memref_squeeze %dma_start3A_21 : memref<1x16x1024xf32, #tpu.memory_space<hbm>> -> memref<16x1024xf32, #tpu.memory_space<hbm>>
    tpu.enqueue_dma source(%dma_start3A_22 : memref<16x1024xf32, #tpu.memory_space<hbm>>) target(%dma_start3A_19 : memref<16x1024xf32, #tpu.memory_space<vmem>>) target_semaphore(%dma_start3A_15 : memref<!tpu.dma_semaphore, #tpu.memory_space<semaphore_mem>>)
    %add3A_23 = arith.constant 0 : i32
    %add3A_24 = arith.addi %mul3A_2, %add3A_23 : i32
    %dma_start3A_25 = arith.constant 1 : i32
    %dma_start3A_26 = arith.constant 1 : i32
    %dma_start3A_27 = arith.constant 1 : i32
    %dma_start3A_28 = arith.constant 0 : i32
    %dma_start3A_29 = arith.constant 0 : i32
    %dma_start3A_30 = tpu.memref_slice %arg5[%dma_start3A_26, %dma_start3A_28, %dma_start3A_29] : memref<5x16x1024xf32, #tpu.memory_space<vmem>> -> memref<1x16x1024xf32, #tpu.memory_space<vmem>>
    %dma_start3A_31 = tpu.memref_squeeze %dma_start3A_30 : memref<1x16x1024xf32, #tpu.memory_space<vmem>> -> memref<16x1024xf32, #tpu.memory_space<vmem>>
    %dma_start3A_32 = arith.constant 0 : i32
    %dma_start3A_33 = tpu.memref_slice %arg2[%dma_start3A_25, %add3A_24, %dma_start3A_32] : memref<4x2048x1024xf32, #tpu.memory_space<hbm>> -> memref<1x16x1024xf32, #tpu.memory_space<hbm>>
    %dma_start3A_34 = tpu.memref_squeeze %dma_start3A_33 : memref<1x16x1024xf32, #tpu.memory_space<hbm>> -> memref<16x1024xf32, #tpu.memory_space<hbm>>
    %dma_start3A_35 = tpu.memref_slice %arg7[%dma_start3A_27] : memref<5x!tpu.dma_semaphore, #tpu.memory_space<semaphore_mem>> -> memref<1x!tpu.dma_semaphore, #tpu.memory_space<semaphore_mem>>
    %dma_start3A_36 = tpu.memref_squeeze %dma_start3A_35 : memref<1x!tpu.dma_semaphore, #tpu.memory_space<semaphore_mem>> -> memref<!tpu.dma_semaphore, #tpu.memory_space<semaphore_mem>>
    %dma_start3A_37 = arith.constant 0 : i32
    %dma_start3A_38 = arith.constant 0 : i32
    %dma_start3A_39 = tpu.memref_slice %arg5[%dma_start3A_26, %dma_start3A_37, %dma_start3A_38] : memref<5x16x1024xf32, #tpu.memory_space<vmem>> -> memref<1x16x1024xf32, #tpu.memory_space<vmem>>
    %dma_start3A_40 = tpu.memref_squeeze %dma_start3A_39 : memref<1x16x1024xf32, #tpu.memory_space<vmem>> -> memref<16x1024xf32, #tpu.memory_space<vmem>>
    %dma_start3A_41 = arith.constant 0 : i32
    %dma_start3A_42 = tpu.memref_slice %arg2[%dma_start3A_25, %add3A_24, %dma_start3A_41] : memref<4x2048x1024xf32, #tpu.memory_space<hbm>> -> memref<1x16x1024xf32, #tpu.memory_space<hbm>>
    %dma_start3A_43 = tpu.memref_squeeze %dma_start3A_42 : memref<1x16x1024xf32, #tpu.memory_space<hbm>> -> memref<16x1024xf32, #tpu.memory_space<hbm>>
    tpu.enqueue_dma source(%dma_start3A_43 : memref<16x1024xf32, #tpu.memory_space<hbm>>) target(%dma_start3A_40 : memref<16x1024xf32, #tpu.memory_space<vmem>>) target_semaphore(%dma_start3A_36 : memref<!tpu.dma_semaphore, #tpu.memory_space<semaphore_mem>>)
    %add3A_44 = arith.constant 0 : i32
    %add3A_45 = arith.addi %mul3A_2, %add3A_44 : i32
    %dma_start3A_46 = arith.constant 2 : i32
    %dma_start3A_47 = arith.constant 2 : i32
    %dma_start3A_48 = arith.constant 2 : i32
    %dma_start3A_49 = arith.constant 0 : i32
    %dma_start3A_50 = arith.constant 0 : i32
    %dma_start3A_51 = tpu.memref_slice %arg5[%dma_start3A_47, %dma_start3A_49, %dma_start3A_50] : memref<5x16x1024xf32, #tpu.memory_space<vmem>> -> memref<1x16x1024xf32, #tpu.memory_space<vmem>>
    %dma_start3A_52 = tpu.memref_squeeze %dma_start3A_51 : memref<1x16x1024xf32, #tpu.memory_space<vmem>> -> memref<16x1024xf32, #tpu.memory_space<vmem>>
    %dma_start3A_53 = arith.constant 0 : i32
    %dma_start3A_54 = tpu.memref_slice %arg2[%dma_start3A_46, %add3A_45, %dma_start3A_53] : memref<4x2048x1024xf32, #tpu.memory_space<hbm>> -> memref<1x16x1024xf32, #tpu.memory_space<hbm>>
    %dma_start3A_55 = tpu.memref_squeeze %dma_start3A_54 : memref<1x16x1024xf32, #tpu.memory_space<hbm>> -> memref<16x1024xf32, #tpu.memory_space<hbm>>
    %dma_start3A_56 = tpu.memref_slice %arg7[%dma_start3A_48] : memref<5x!tpu.dma_semaphore, #tpu.memory_space<semaphore_mem>> -> memref<1x!tpu.dma_semaphore, #tpu.memory_space<semaphore_mem>>
    %dma_start3A_57 = tpu.memref_squeeze %dma_start3A_56 : memref<1x!tpu.dma_semaphore, #tpu.memory_space<semaphore_mem>> -> memref<!tpu.dma_semaphore, #tpu.memory_space<semaphore_mem>>
    %dma_start3A_58 = arith.constant 0 : i32
    %dma_start3A_59 = arith.constant 0 : i32
    %dma_start3A_60 = tpu.memref_slice %arg5[%dma_start3A_47, %dma_start3A_58, %dma_start3A_59] : memref<5x16x1024xf32, #tpu.memory_space<vmem>> -> memref<1x16x1024xf32, #tpu.memory_space<vmem>>
    %dma_start3A_61 = tpu.memref_squeeze %dma_start3A_60 : memref<1x16x1024xf32, #tpu.memory_space<vmem>> -> memref<16x1024xf32, #tpu.memory_space<vmem>>
    %dma_start3A_62 = arith.constant 0 : i32
    %dma_start3A_63 = tpu.memref_slice %arg2[%dma_start3A_46, %add3A_45, %dma_start3A_62] : memref<4x2048x1024xf32, #tpu.memory_space<hbm>> -> memref<1x16x1024xf32, #tpu.memory_space<hbm>>
    %dma_start3A_64 = tpu.memref_squeeze %dma_start3A_63 : memref<1x16x1024xf32, #tpu.memory_space<hbm>> -> memref<16x1024xf32, #tpu.memory_space<hbm>>
    tpu.enqueue_dma source(%dma_start3A_64 : memref<16x1024xf32, #tpu.memory_space<hbm>>) target(%dma_start3A_61 : memref<16x1024xf32, #tpu.memory_space<vmem>>) target_semaphore(%dma_start3A_57 : memref<!tpu.dma_semaphore, #tpu.memory_space<semaphore_mem>>)
    %add3A_65 = arith.constant 0 : i32
    %add3A_66 = arith.addi %mul3A_2, %add3A_65 : i32
    %dma_start3A_67 = arith.constant 0 : i32
    %dma_start3A_68 = arith.constant 0 : i32
    %dma_start3A_69 = arith.constant 0 : i32
    %dma_start3A_70 = arith.constant 0 : i32
    %dma_start3A_71 = tpu.memref_slice %arg6[%dma_start3A_67, %dma_start3A_69, %dma_start3A_70] : memref<2x16x1024xf32, #tpu.memory_space<vmem>> -> memref<1x16x1024xf32, #tpu.memory_space<vmem>>
    %dma_start3A_72 = tpu.memref_squeeze %dma_start3A_71 : memref<1x16x1024xf32, #tpu.memory_space<vmem>> -> memref<16x1024xf32, #tpu.memory_space<vmem>>
    %dma_start3A_73 = arith.constant 0 : i32
    %dma_start3A_74 = tpu.memref_slice %arg3[%add3A_66, %dma_start3A_73] : memref<2048x1024xf32, #tpu.memory_space<hbm>> -> memref<16x1024xf32, #tpu.memory_space<hbm>>
    %dma_start3A_75 = tpu.memref_slice %arg9[%dma_start3A_68] : memref<2x!tpu.dma_semaphore, #tpu.memory_space<semaphore_mem>> -> memref<1x!tpu.dma_semaphore, #tpu.memory_space<semaphore_mem>>
    %dma_start3A_76 = tpu.memref_squeeze %dma_start3A_75 : memref<1x!tpu.dma_semaphore, #tpu.memory_space<semaphore_mem>> -> memref<!tpu.dma_semaphore, #tpu.memory_space<semaphore_mem>>
    %dma_start3A_77 = arith.constant 0 : i32
    %dma_start3A_78 = arith.constant 0 : i32
    %dma_start3A_79 = tpu.memref_slice %arg6[%dma_start3A_67, %dma_start3A_77, %dma_start3A_78] : memref<2x16x1024xf32, #tpu.memory_space<vmem>> -> memref<1x16x1024xf32, #tpu.memory_space<vmem>>
    %dma_start3A_80 = tpu.memref_squeeze %dma_start3A_79 : memref<1x16x1024xf32, #tpu.memory_space<vmem>> -> memref<16x1024xf32, #tpu.memory_space<vmem>>
    %dma_start3A_81 = arith.constant 0 : i32
    %dma_start3A_82 = tpu.memref_slice %arg3[%add3A_66, %dma_start3A_81] : memref<2048x1024xf32, #tpu.memory_space<hbm>> -> memref<16x1024xf32, #tpu.memory_space<hbm>>
    tpu.enqueue_dma source(%dma_start3A_82 : memref<16x1024xf32, #tpu.memory_space<hbm>>) target(%dma_start3A_80 : memref<16x1024xf32, #tpu.memory_space<vmem>>) target_semaphore(%dma_start3A_76 : memref<!tpu.dma_semaphore, #tpu.memory_space<semaphore_mem>>)
    %add3A_83 = arith.constant 16 : i32
    %add3A_84 = arith.addi %mul3A_2, %add3A_83 : i32
    %dma_start3A_85 = arith.constant 1 : i32
    %dma_start3A_86 = arith.constant 1 : i32
    %dma_start3A_87 = arith.constant 0 : i32
    %dma_start3A_88 = arith.constant 0 : i32
    %dma_start3A_89 = tpu.memref_slice %arg6[%dma_start3A_85, %dma_start3A_87, %dma_start3A_88] : memref<2x16x1024xf32, #tpu.memory_space<vmem>> -> memref<1x16x1024xf32, #tpu.memory_space<vmem>>
    %dma_start3A_90 = tpu.memref_squeeze %dma_start3A_89 : memref<1x16x1024xf32, #tpu.memory_space<vmem>> -> memref<16x1024xf32, #tpu.memory_space<vmem>>
    %dma_start3A_91 = arith.constant 0 : i32
    %dma_start3A_92 = tpu.memref_slice %arg3[%add3A_84, %dma_start3A_91] : memref<2048x1024xf32, #tpu.memory_space<hbm>> -> memref<16x1024xf32, #tpu.memory_space<hbm>>
    %dma_start3A_93 = tpu.memref_slice %arg9[%dma_start3A_86] : memref<2x!tpu.dma_semaphore, #tpu.memory_space<semaphore_mem>> -> memref<1x!tpu.dma_semaphore, #tpu.memory_space<semaphore_mem>>
    %dma_start3A_94 = tpu.memref_squeeze %dma_start3A_93 : memref<1x!tpu.dma_semaphore, #tpu.memory_space<semaphore_mem>> -> memref<!tpu.dma_semaphore, #tpu.memory_space<semaphore_mem>>
    %dma_start3A_95 = arith.constant 0 : i32
    %dma_start3A_96 = arith.constant 0 : i32
    %dma_start3A_97 = tpu.memref_slice %arg6[%dma_start3A_85, %dma_start3A_95, %dma_start3A_96] : memref<2x16x1024xf32, #tpu.memory_space<vmem>> -> memref<1x16x1024xf32, #tpu.memory_space<vmem>>
    %dma_start3A_98 = tpu.memref_squeeze %dma_start3A_97 : memref<1x16x1024xf32, #tpu.memory_space<vmem>> -> memref<16x1024xf32, #tpu.memory_space<vmem>>
    %dma_start3A_99 = arith.constant 0 : i32
    %dma_start3A_100 = tpu.memref_slice %arg3[%add3A_84, %dma_start3A_99] : memref<2048x1024xf32, #tpu.memory_space<hbm>> -> memref<16x1024xf32, #tpu.memory_space<hbm>>
    tpu.enqueue_dma source(%dma_start3A_100 : memref<16x1024xf32, #tpu.memory_space<hbm>>) target(%dma_start3A_98 : memref<16x1024xf32, #tpu.memory_space<vmem>>) target_semaphore(%dma_start3A_94 : memref<!tpu.dma_semaphore, #tpu.memory_space<semaphore_mem>>)
    %dma_wait3A = arith.constant 0 : i32
    %dma_wait3A_101 = arith.constant 0 : i32
    %dma_wait3A_102 = arith.constant 0 : i32
    %dma_wait3A_103 = arith.constant 0 : i32
    %dma_wait3A_104 = tpu.memref_slice %arg6[%dma_wait3A, %dma_wait3A_102, %dma_wait3A_103] : memref<2x16x1024xf32, #tpu.memory_space<vmem>> -> memref<1x16x1024xf32, #tpu.memory_space<vmem>>
    %dma_wait3A_105 = tpu.memref_squeeze %dma_wait3A_104 : memref<1x16x1024xf32, #tpu.memory_space<vmem>> -> memref<16x1024xf32, #tpu.memory_space<vmem>>
    %dma_wait3A_106 = arith.constant 0 : i32
    %dma_wait3A_107 = tpu.memref_slice %arg3[%add3A_66, %dma_wait3A_106] : memref<2048x1024xf32, #tpu.memory_space<hbm>> -> memref<16x1024xf32, #tpu.memory_space<hbm>>
    %dma_wait3A_108 = tpu.memref_slice %arg9[%dma_wait3A_101] : memref<2x!tpu.dma_semaphore, #tpu.memory_space<semaphore_mem>> -> memref<1x!tpu.dma_semaphore, #tpu.memory_space<semaphore_mem>>
    %dma_wait3A_109 = tpu.memref_squeeze %dma_wait3A_108 : memref<1x!tpu.dma_semaphore, #tpu.memory_space<semaphore_mem>> -> memref<!tpu.dma_semaphore, #tpu.memory_space<semaphore_mem>>
    %dma_wait3A_110 = arith.constant 0 : i32
    %dma_wait3A_111 = arith.constant 0 : i32
    %dma_wait3A_112 = tpu.memref_slice %arg6[%dma_wait3A, %dma_wait3A_110, %dma_wait3A_111] : memref<2x16x1024xf32, #tpu.memory_space<vmem>> -> memref<1x16x1024xf32, #tpu.memory_space<vmem>>
    %dma_wait3A_113 = tpu.memref_squeeze %dma_wait3A_112 : memref<1x16x1024xf32, #tpu.memory_space<vmem>> -> memref<16x1024xf32, #tpu.memory_space<vmem>>
    %dma_wait3A_114 = arith.constant 0 : i32
    %dma_wait3A_115 = tpu.memref_slice %arg3[%add3A_66, %dma_wait3A_114] : memref<2048x1024xf32, #tpu.memory_space<hbm>> -> memref<16x1024xf32, #tpu.memory_space<hbm>>
    tpu.wait_dma2 semaphore(%dma_wait3A_109 : memref<!tpu.dma_semaphore, #tpu.memory_space<semaphore_mem>>) src(%dma_wait3A_115 : memref<16x1024xf32, #tpu.memory_space<hbm>>) dst(%dma_wait3A_113 : memref<16x1024xf32, #tpu.memory_space<vmem>>)
    %dma_wait3A_116 = arith.constant 0 : i32
    %dma_wait3A_117 = arith.constant 0 : i32
    %dma_wait3A_118 = arith.constant 0 : i32
    %dma_wait3A_119 = arith.constant 0 : i32
    %dma_wait3A_120 = arith.constant 0 : i32
    %dma_wait3A_121 = tpu.memref_slice %arg5[%dma_wait3A_117, %dma_wait3A_119, %dma_wait3A_120] : memref<5x16x1024xf32, #tpu.memory_space<vmem>> -> memref<1x16x1024xf32, #tpu.memory_space<vmem>>
    %dma_wait3A_122 = tpu.memref_squeeze %dma_wait3A_121 : memref<1x16x1024xf32, #tpu.memory_space<vmem>> -> memref<16x1024xf32, #tpu.memory_space<vmem>>
    %dma_wait3A_123 = arith.constant 0 : i32
    %dma_wait3A_124 = tpu.memref_slice %arg2[%dma_wait3A_116, %add3A_4, %dma_wait3A_123] : memref<4x2048x1024xf32, #tpu.memory_space<hbm>> -> memref<1x16x1024xf32, #tpu.memory_space<hbm>>
    %dma_wait3A_125 = tpu.memref_squeeze %dma_wait3A_124 : memref<1x16x1024xf32, #tpu.memory_space<hbm>> -> memref<16x1024xf32, #tpu.memory_space<hbm>>
    %dma_wait3A_126 = tpu.memref_slice %arg7[%dma_wait3A_118] : memref<5x!tpu.dma_semaphore, #tpu.memory_space<semaphore_mem>> -> memref<1x!tpu.dma_semaphore, #tpu.memory_space<semaphore_mem>>
    %dma_wait3A_127 = tpu.memref_squeeze %dma_wait3A_126 : memref<1x!tpu.dma_semaphore, #tpu.memory_space<semaphore_mem>> -> memref<!tpu.dma_semaphore, #tpu.memory_space<semaphore_mem>>
    %dma_wait3A_128 = arith.constant 0 : i32
    %dma_wait3A_129 = arith.constant 0 : i32
    %dma_wait3A_130 = tpu.memref_slice %arg5[%dma_wait3A_117, %dma_wait3A_128, %dma_wait3A_129] : memref<5x16x1024xf32, #tpu.memory_space<vmem>> -> memref<1x16x1024xf32, #tpu.memory_space<vmem>>
    %dma_wait3A_131 = tpu.memref_squeeze %dma_wait3A_130 : memref<1x16x1024xf32, #tpu.memory_space<vmem>> -> memref<16x1024xf32, #tpu.memory_space<vmem>>
    %dma_wait3A_132 = arith.constant 0 : i32
    %dma_wait3A_133 = tpu.memref_slice %arg2[%dma_wait3A_116, %add3A_4, %dma_wait3A_132] : memref<4x2048x1024xf32, #tpu.memory_space<hbm>> -> memref<1x16x1024xf32, #tpu.memory_space<hbm>>
    %dma_wait3A_134 = tpu.memref_squeeze %dma_wait3A_133 : memref<1x16x1024xf32, #tpu.memory_space<hbm>> -> memref<16x1024xf32, #tpu.memory_space<hbm>>
    tpu.wait_dma2 semaphore(%dma_wait3A_127 : memref<!tpu.dma_semaphore, #tpu.memory_space<semaphore_mem>>) src(%dma_wait3A_134 : memref<16x1024xf32, #tpu.memory_space<hbm>>) dst(%dma_wait3A_131 : memref<16x1024xf32, #tpu.memory_space<vmem>>)
    %add3A_135 = arith.constant 0 : i32
    %add3A_136 = arith.addi %mul3A_2, %add3A_135 : i32
    %dma_start3A_137 = arith.constant 3 : i32
    %dma_start3A_138 = arith.constant 3 : i32
    %dma_start3A_139 = arith.constant 3 : i32
    %dma_start3A_140 = arith.constant 0 : i32
    %dma_start3A_141 = arith.constant 0 : i32
    %dma_start3A_142 = tpu.memref_slice %arg5[%dma_start3A_138, %dma_start3A_140, %dma_start3A_141] : memref<5x16x1024xf32, #tpu.memory_space<vmem>> -> memref<1x16x1024xf32, #tpu.memory_space<vmem>>
    %dma_start3A_143 = tpu.memref_squeeze %dma_start3A_142 : memref<1x16x1024xf32, #tpu.memory_space<vmem>> -> memref<16x1024xf32, #tpu.memory_space<vmem>>
    %dma_start3A_144 = arith.constant 0 : i32
    %dma_start3A_145 = tpu.memref_slice %arg2[%dma_start3A_137, %add3A_136, %dma_start3A_144] : memref<4x2048x1024xf32, #tpu.memory_space<hbm>> -> memref<1x16x1024xf32, #tpu.memory_space<hbm>>
    %dma_start3A_146 = tpu.memref_squeeze %dma_start3A_145 : memref<1x16x1024xf32, #tpu.memory_space<hbm>> -> memref<16x1024xf32, #tpu.memory_space<hbm>>
    %dma_start3A_147 = tpu.memref_slice %arg7[%dma_start3A_139] : memref<5x!tpu.dma_semaphore, #tpu.memory_space<semaphore_mem>> -> memref<1x!tpu.dma_semaphore, #tpu.memory_space<semaphore_mem>>
    %dma_start3A_148 = tpu.memref_squeeze %dma_start3A_147 : memref<1x!tpu.dma_semaphore, #tpu.memory_space<semaphore_mem>> -> memref<!tpu.dma_semaphore, #tpu.memory_space<semaphore_mem>>
    %dma_start3A_149 = arith.constant 0 : i32
    %dma_start3A_150 = arith.constant 0 : i32
    %dma_start3A_151 = tpu.memref_slice %arg5[%dma_start3A_138, %dma_start3A_149, %dma_start3A_150] : memref<5x16x1024xf32, #tpu.memory_space<vmem>> -> memref<1x16x1024xf32, #tpu.memory_space<vmem>>
    %dma_start3A_152 = tpu.memref_squeeze %dma_start3A_151 : memref<1x16x1024xf32, #tpu.memory_space<vmem>> -> memref<16x1024xf32, #tpu.memory_space<vmem>>
    %dma_start3A_153 = arith.constant 0 : i32
    %dma_start3A_154 = tpu.memref_slice %arg2[%dma_start3A_137, %add3A_136, %dma_start3A_153] : memref<4x2048x1024xf32, #tpu.memory_space<hbm>> -> memref<1x16x1024xf32, #tpu.memory_space<hbm>>
    %dma_start3A_155 = tpu.memref_squeeze %dma_start3A_154 : memref<1x16x1024xf32, #tpu.memory_space<hbm>> -> memref<16x1024xf32, #tpu.memory_space<hbm>>
    tpu.enqueue_dma source(%dma_start3A_155 : memref<16x1024xf32, #tpu.memory_space<hbm>>) target(%dma_start3A_152 : memref<16x1024xf32, #tpu.memory_space<vmem>>) target_semaphore(%dma_start3A_148 : memref<!tpu.dma_semaphore, #tpu.memory_space<semaphore_mem>>)
    %parallel_loop3A = arith.constant 0 : i32
    %parallel_loop3A_156 = arith.constant 1024 : i32
    %parallel_loop3A_157 = arith.constant 1 : i32
    scf.for %parallel_loop3A_1464 = %parallel_loop3A to %parallel_loop3A_156 step %parallel_loop3A_157  : i32 {
      %parallel_loop3A_1465 = arith.constant 6 : i32
      %parallel_loop3A_1466 = arith.shrsi %parallel_loop3A_1464, %parallel_loop3A_1465 : i32
      %parallel_loop3A_1467 = arith.constant 63 : i32
      %parallel_loop3A_1468 = arith.andi %parallel_loop3A_1464, %parallel_loop3A_1467 : i32
      %parallel_loop3A_1469 = arith.constant 16 : i32
      %parallel_loop3A_1470 = arith.muli %parallel_loop3A_1468, %parallel_loop3A_1469 : i32
      %parallel_loop3A_1471 = arith.constant 0 : i32
      %parallel_loop3A_1472 = arith.index_cast %parallel_loop3A_1471 : i32 to index
      %parallel_loop3A_1473 = arith.index_cast %parallel_loop3A_1466 : i32 to index
      %parallel_loop3A_1474 = arith.index_cast %parallel_loop3A_1470 : i32 to index
      %parallel_loop3A_1475 = tpu.vector_load %arg6[%parallel_loop3A_1472, %parallel_loop3A_1473, %parallel_loop3A_1474] {strides = array<i32>} : memref<2x16x1024xf32, #tpu.memory_space<vmem>>, vector<1x1x16xf32>,
      %parallel_loop3A_1476 = vector.shape_cast %parallel_loop3A_1475 : vector<1x1x16xf32> to vector<16xf32>
      %parallel_loop3A_1477 = arith.constant 0 : i32
      %parallel_loop3A_1478 = arith.index_cast %parallel_loop3A_1477 : i32 to index
      %parallel_loop3A_1479 = arith.index_cast %parallel_loop3A_1466 : i32 to index
      %parallel_loop3A_1480 = arith.index_cast %parallel_loop3A_1470 : i32 to index
      %parallel_loop3A_1481 = tpu.vector_load %arg5[%parallel_loop3A_1478, %parallel_loop3A_1479, %parallel_loop3A_1480] {strides = array<i32>} : memref<5x16x1024xf32, #tpu.memory_space<vmem>>, vector<1x1x16xf32>,
      %parallel_loop3A_1482 = vector.shape_cast %parallel_loop3A_1481 : vector<1x1x16xf32> to vector<16xf32>
      %parallel_loop3A_1483 = vector.shape_cast %parallel_loop3A_1476 : vector<16xf32> to vector<1x1x16xf32>
      tpu.vector_store %arg5[%parallel_loop3A_1478, %parallel_loop3A_1479, %parallel_loop3A_1480], %parallel_loop3A_1483 {add = true, strides = array<i32>} : memref<5x16x1024xf32, #tpu.memory_space<vmem>>, vector<1x1x16xf32>,
    } {sc.loop_unroll_factor = 8 : i64, sc.parallel_access}
    %add3A_158 = arith.constant 0 : i32
    %add3A_159 = arith.addi %mul3A_2, %add3A_158 : i32
    %dma_start3A_160 = arith.constant 0 : i32
    %dma_start3A_161 = arith.constant 0 : i32
    %dma_start3A_162 = arith.constant 0 : i32
    %dma_start3A_163 = arith.constant 0 : i32
    %dma_start3A_164 = arith.constant 0 : i32
    %dma_start3A_165 = tpu.memref_slice %arg5[%dma_start3A_160, %dma_start3A_163, %dma_start3A_164] : memref<5x16x1024xf32, #tpu.memory_space<vmem>> -> memref<1x16x1024xf32, #tpu.memory_space<vmem>>
    %dma_start3A_166 = tpu.memref_squeeze %dma_start3A_165 : memref<1x16x1024xf32, #tpu.memory_space<vmem>> -> memref<16x1024xf32, #tpu.memory_space<vmem>>
    %dma_start3A_167 = arith.constant 0 : i32
    %dma_start3A_168 = tpu.memref_slice %arg4[%dma_start3A_161, %add3A_159, %dma_start3A_167] : memref<4x2048x1024xf32, #tpu.memory_space<hbm>> -> memref<1x16x1024xf32, #tpu.memory_space<hbm>>
    %dma_start3A_169 = tpu.memref_squeeze %dma_start3A_168 : memref<1x16x1024xf32, #tpu.memory_space<hbm>> -> memref<16x1024xf32, #tpu.memory_space<hbm>>
    %dma_start3A_170 = tpu.memref_slice %arg8[%dma_start3A_162] : memref<5x!tpu.dma_semaphore, #tpu.memory_space<semaphore_mem>> -> memref<1x!tpu.dma_semaphore, #tpu.memory_space<semaphore_mem>>
    %dma_start3A_171 = tpu.memref_squeeze %dma_start3A_170 : memref<1x!tpu.dma_semaphore, #tpu.memory_space<semaphore_mem>> -> memref<!tpu.dma_semaphore, #tpu.memory_space<semaphore_mem>>
    %dma_start3A_172 = arith.constant 0 : i32
    %dma_start3A_173 = tpu.memref_slice %arg4[%dma_start3A_161, %add3A_159, %dma_start3A_172] : memref<4x2048x1024xf32, #tpu.memory_space<hbm>> -> memref<1x16x1024xf32, #tpu.memory_space<hbm>>
    %dma_start3A_174 = tpu.memref_squeeze %dma_start3A_173 : memref<1x16x1024xf32, #tpu.memory_space<hbm>> -> memref<16x1024xf32, #tpu.memory_space<hbm>>
    %dma_start3A_175 = arith.constant 0 : i32
    %dma_start3A_176 = arith.constant 0 : i32
    %dma_start3A_177 = tpu.memref_slice %arg5[%dma_start3A_160, %dma_start3A_175, %dma_start3A_176] : memref<5x16x1024xf32, #tpu.memory_space<vmem>> -> memref<1x16x1024xf32, #tpu.memory_space<vmem>>
    %dma_start3A_178 = tpu.memref_squeeze %dma_start3A_177 : memref<1x16x1024xf32, #tpu.memory_space<vmem>> -> memref<16x1024xf32, #tpu.memory_space<vmem>>
    tpu.enqueue_dma source(%dma_start3A_178 : memref<16x1024xf32, #tpu.memory_space<vmem>>) target(%dma_start3A_174 : memref<16x1024xf32, #tpu.memory_space<hbm>>) target_semaphore(%dma_start3A_171 : memref<!tpu.dma_semaphore, #tpu.memory_space<semaphore_mem>>)
    %dma_wait3A_179 = arith.constant 1 : i32
    %dma_wait3A_180 = arith.constant 1 : i32
    %dma_wait3A_181 = arith.constant 1 : i32
    %dma_wait3A_182 = arith.constant 0 : i32
    %dma_wait3A_183 = arith.constant 0 : i32
    %dma_wait3A_184 = tpu.memref_slice %arg5[%dma_wait3A_180, %dma_wait3A_182, %dma_wait3A_183] : memref<5x16x1024xf32, #tpu.memory_space<vmem>> -> memref<1x16x1024xf32, #tpu.memory_space<vmem>>
    %dma_wait3A_185 = tpu.memref_squeeze %dma_wait3A_184 : memref<1x16x1024xf32, #tpu.memory_space<vmem>> -> memref<16x1024xf32, #tpu.memory_space<vmem>>
    %dma_wait3A_186 = arith.constant 0 : i32
    %dma_wait3A_187 = tpu.memref_slice %arg2[%dma_wait3A_179, %add3A_24, %dma_wait3A_186] : memref<4x2048x1024xf32, #tpu.memory_space<hbm>> -> memref<1x16x1024xf32, #tpu.memory_space<hbm>>
    %dma_wait3A_188 = tpu.memref_squeeze %dma_wait3A_187 : memref<1x16x1024xf32, #tpu.memory_space<hbm>> -> memref<16x1024xf32, #tpu.memory_space<hbm>>
    %dma_wait3A_189 = tpu.memref_slice %arg7[%dma_wait3A_181] : memref<5x!tpu.dma_semaphore, #tpu.memory_space<semaphore_mem>> -> memref<1x!tpu.dma_semaphore, #tpu.memory_space<semaphore_mem>>
    %dma_wait3A_190 = tpu.memref_squeeze %dma_wait3A_189 : memref<1x!tpu.dma_semaphore, #tpu.memory_space<semaphore_mem>> -> memref<!tpu.dma_semaphore, #tpu.memory_space<semaphore_mem>>
    %dma_wait3A_191 = arith.constant 0 : i32
    %dma_wait3A_192 = arith.constant 0 : i32
    %dma_wait3A_193 = tpu.memref_slice %arg5[%dma_wait3A_180, %dma_wait3A_191, %dma_wait3A_192] : memref<5x16x1024xf32, #tpu.memory_space<vmem>> -> memref<1x16x1024xf32, #tpu.memory_space<vmem>>
    %dma_wait3A_194 = tpu.memref_squeeze %dma_wait3A_193 : memref<1x16x1024xf32, #tpu.memory_space<vmem>> -> memref<16x1024xf32, #tpu.memory_space<vmem>>
    %dma_wait3A_195 = arith.constant 0 : i32
    %dma_wait3A_196 = tpu.memref_slice %arg2[%dma_wait3A_179, %add3A_24, %dma_wait3A_195] : memref<4x2048x1024xf32, #tpu.memory_space<hbm>> -> memref<1x16x1024xf32, #tpu.memory_space<hbm>>
    %dma_wait3A_197 = tpu.memref_squeeze %dma_wait3A_196 : memref<1x16x1024xf32, #tpu.memory_space<hbm>> -> memref<16x1024xf32, #tpu.memory_space<hbm>>
    tpu.wait_dma2 semaphore(%dma_wait3A_190 : memref<!tpu.dma_semaphore, #tpu.memory_space<semaphore_mem>>) src(%dma_wait3A_197 : memref<16x1024xf32, #tpu.memory_space<hbm>>) dst(%dma_wait3A_194 : memref<16x1024xf32, #tpu.memory_space<vmem>>)
    %add3A_198 = arith.constant 16 : i32
    %add3A_199 = arith.addi %mul3A_2, %add3A_198 : i32
    %dma_start3A_200 = arith.constant 0 : i32
    %dma_start3A_201 = arith.constant 4 : i32
    %dma_start3A_202 = arith.constant 4 : i32
    %dma_start3A_203 = arith.constant 0 : i32
    %dma_start3A_204 = arith.constant 0 : i32
    %dma_start3A_205 = tpu.memref_slice %arg5[%dma_start3A_201, %dma_start3A_203, %dma_start3A_204] : memref<5x16x1024xf32, #tpu.memory_space<vmem>> -> memref<1x16x1024xf32, #tpu.memory_space<vmem>>
    %dma_start3A_206 = tpu.memref_squeeze %dma_start3A_205 : memref<1x16x1024xf32, #tpu.memory_space<vmem>> -> memref<16x1024xf32, #tpu.memory_space<vmem>>
    %dma_start3A_207 = arith.constant 0 : i32
    %dma_start3A_208 = tpu.memref_slice %arg2[%dma_start3A_200, %add3A_199, %dma_start3A_207] : memref<4x2048x1024xf32, #tpu.memory_space<hbm>> -> memref<1x16x1024xf32, #tpu.memory_space<hbm>>
    %dma_start3A_209 = tpu.memref_squeeze %dma_start3A_208 : memref<1x16x1024xf32, #tpu.memory_space<hbm>> -> memref<16x1024xf32, #tpu.memory_space<hbm>>
    %dma_start3A_210 = tpu.memref_slice %arg7[%dma_start3A_202] : memref<5x!tpu.dma_semaphore, #tpu.memory_space<semaphore_mem>> -> memref<1x!tpu.dma_semaphore, #tpu.memory_space<semaphore_mem>>
    %dma_start3A_211 = tpu.memref_squeeze %dma_start3A_210 : memref<1x!tpu.dma_semaphore, #tpu.memory_space<semaphore_mem>> -> memref<!tpu.dma_semaphore, #tpu.memory_space<semaphore_mem>>
    %dma_start3A_212 = arith.constant 0 : i32
    %dma_start3A_213 = arith.constant 0 : i32
    %dma_start3A_214 = tpu.memref_slice %arg5[%dma_start3A_201, %dma_start3A_212, %dma_start3A_213] : memref<5x16x1024xf32, #tpu.memory_space<vmem>> -> memref<1x16x1024xf32, #tpu.memory_space<vmem>>
    %dma_start3A_215 = tpu.memref_squeeze %dma_start3A_214 : memref<1x16x1024xf32, #tpu.memory_space<vmem>> -> memref<16x1024xf32, #tpu.memory_space<vmem>>
    %dma_start3A_216 = arith.constant 0 : i32
    %dma_start3A_217 = tpu.memref_slice %arg2[%dma_start3A_200, %add3A_199, %dma_start3A_216] : memref<4x2048x1024xf32, #tpu.memory_space<hbm>> -> memref<1x16x1024xf32, #tpu.memory_space<hbm>>
    %dma_start3A_218 = tpu.memref_squeeze %dma_start3A_217 : memref<1x16x1024xf32, #tpu.memory_space<hbm>> -> memref<16x1024xf32, #tpu.memory_space<hbm>>
    tpu.enqueue_dma source(%dma_start3A_218 : memref<16x1024xf32, #tpu.memory_space<hbm>>) target(%dma_start3A_215 : memref<16x1024xf32, #tpu.memory_space<vmem>>) target_semaphore(%dma_start3A_211 : memref<!tpu.dma_semaphore, #tpu.memory_space<semaphore_mem>>)
    %parallel_loop3A_219 = arith.constant 0 : i32
    %parallel_loop3A_220 = arith.constant 1024 : i32
    %parallel_loop3A_221 = arith.constant 1 : i32
    scf.for %parallel_loop3A_1464 = %parallel_loop3A_219 to %parallel_loop3A_220 step %parallel_loop3A_221  : i32 {
      %parallel_loop3A_1465 = arith.constant 6 : i32
      %parallel_loop3A_1466 = arith.shrsi %parallel_loop3A_1464, %parallel_loop3A_1465 : i32
      %parallel_loop3A_1467 = arith.constant 63 : i32
      %parallel_loop3A_1468 = arith.andi %parallel_loop3A_1464, %parallel_loop3A_1467 : i32
      %parallel_loop3A_1469 = arith.constant 16 : i32
      %parallel_loop3A_1470 = arith.muli %parallel_loop3A_1468, %parallel_loop3A_1469 : i32
      %parallel_loop3A_1471 = arith.constant 0 : i32
      %parallel_loop3A_1472 = arith.index_cast %parallel_loop3A_1471 : i32 to index
      %parallel_loop3A_1473 = arith.index_cast %parallel_loop3A_1466 : i32 to index
      %parallel_loop3A_1474 = arith.index_cast %parallel_loop3A_1470 : i32 to index
      %parallel_loop3A_1475 = tpu.vector_load %arg6[%parallel_loop3A_1472, %parallel_loop3A_1473, %parallel_loop3A_1474] {strides = array<i32>} : memref<2x16x1024xf32, #tpu.memory_space<vmem>>, vector<1x1x16xf32>,
      %parallel_loop3A_1476 = vector.shape_cast %parallel_loop3A_1475 : vector<1x1x16xf32> to vector<16xf32>
      %parallel_loop3A_1477 = arith.constant 1 : i32
      %parallel_loop3A_1478 = arith.index_cast %parallel_loop3A_1477 : i32 to index
      %parallel_loop3A_1479 = arith.index_cast %parallel_loop3A_1466 : i32 to index
      %parallel_loop3A_1480 = arith.index_cast %parallel_loop3A_1470 : i32 to index
      %parallel_loop3A_1481 = tpu.vector_load %arg5[%parallel_loop3A_1478, %parallel_loop3A_1479, %parallel_loop3A_1480] {strides = array<i32>} : memref<5x16x1024xf32, #tpu.memory_space<vmem>>, vector<1x1x16xf32>,
      %parallel_loop3A_1482 = vector.shape_cast %parallel_loop3A_1481 : vector<1x1x16xf32> to vector<16xf32>
      %parallel_loop3A_1483 = vector.shape_cast %parallel_loop3A_1476 : vector<16xf32> to vector<1x1x16xf32>
      tpu.vector_store %arg5[%parallel_loop3A_1478, %parallel_loop3A_1479, %parallel_loop3A_1480], %parallel_loop3A_1483 {add = true, strides = array<i32>} : memref<5x16x1024xf32, #tpu.memory_space<vmem>>, vector<1x1x16xf32>,
    } {sc.loop_unroll_factor = 8 : i64, sc.parallel_access}
    %add3A_222 = arith.constant 0 : i32
    %add3A_223 = arith.addi %mul3A_2, %add3A_222 : i32
    %dma_start3A_224 = arith.constant 1 : i32
    %dma_start3A_225 = arith.constant 1 : i32
    %dma_start3A_226 = arith.constant 1 : i32
    %dma_start3A_227 = arith.constant 0 : i32
    %dma_start3A_228 = arith.constant 0 : i32
    %dma_start3A_229 = tpu.memref_slice %arg5[%dma_start3A_224, %dma_start3A_227, %dma_start3A_228] : memref<5x16x1024xf32, #tpu.memory_space<vmem>> -> memref<1x16x1024xf32, #tpu.memory_space<vmem>>
    %dma_start3A_230 = tpu.memref_squeeze %dma_start3A_229 : memref<1x16x1024xf32, #tpu.memory_space<vmem>> -> memref<16x1024xf32, #tpu.memory_space<vmem>>
    %dma_start3A_231 = arith.constant 0 : i32
    %dma_start3A_232 = tpu.memref_slice %arg4[%dma_start3A_225, %add3A_223, %dma_start3A_231] : memref<4x2048x1024xf32, #tpu.memory_space<hbm>> -> memref<1x16x1024xf32, #tpu.memory_space<hbm>>
    %dma_start3A_233 = tpu.memref_squeeze %dma_start3A_232 : memref<1x16x1024xf32, #tpu.memory_space<hbm>> -> memref<16x1024xf32, #tpu.memory_space<hbm>>
    %dma_start3A_234 = tpu.memref_slice %arg8[%dma_start3A_226] : memref<5x!tpu.dma_semaphore, #tpu.memory_space<semaphore_mem>> -> memref<1x!tpu.dma_semaphore, #tpu.memory_space<semaphore_mem>>
    %dma_start3A_235 = tpu.memref_squeeze %dma_start3A_234 : memref<1x!tpu.dma_semaphore, #tpu.memory_space<semaphore_mem>> -> memref<!tpu.dma_semaphore, #tpu.memory_space<semaphore_mem>>
    %dma_start3A_236 = arith.constant 0 : i32
    %dma_start3A_237 = tpu.memref_slice %arg4[%dma_start3A_225, %add3A_223, %dma_start3A_236] : memref<4x2048x1024xf32, #tpu.memory_space<hbm>> -> memref<1x16x1024xf32, #tpu.memory_space<hbm>>
    %dma_start3A_238 = tpu.memref_squeeze %dma_start3A_237 : memref<1x16x1024xf32, #tpu.memory_space<hbm>> -> memref<16x1024xf32, #tpu.memory_space<hbm>>
    %dma_start3A_239 = arith.constant 0 : i32
    %dma_start3A_240 = arith.constant 0 : i32
    %dma_start3A_241 = tpu.memref_slice %arg5[%dma_start3A_224, %dma_start3A_239, %dma_start3A_240] : memref<5x16x1024xf32, #tpu.memory_space<vmem>> -> memref<1x16x1024xf32, #tpu.memory_space<vmem>>
    %dma_start3A_242 = tpu.memref_squeeze %dma_start3A_241 : memref<1x16x1024xf32, #tpu.memory_space<vmem>> -> memref<16x1024xf32, #tpu.memory_space<vmem>>
    tpu.enqueue_dma source(%dma_start3A_242 : memref<16x1024xf32, #tpu.memory_space<vmem>>) target(%dma_start3A_238 : memref<16x1024xf32, #tpu.memory_space<hbm>>) target_semaphore(%dma_start3A_235 : memref<!tpu.dma_semaphore, #tpu.memory_space<semaphore_mem>>)
    %dma_wait3A_243 = arith.constant 2 : i32
    %dma_wait3A_244 = arith.constant 2 : i32
    %dma_wait3A_245 = arith.constant 2 : i32
    %dma_wait3A_246 = arith.constant 0 : i32
    %dma_wait3A_247 = arith.constant 0 : i32
    %dma_wait3A_248 = tpu.memref_slice %arg5[%dma_wait3A_244, %dma_wait3A_246, %dma_wait3A_247] : memref<5x16x1024xf32, #tpu.memory_space<vmem>> -> memref<1x16x1024xf32, #tpu.memory_space<vmem>>
    %dma_wait3A_249 = tpu.memref_squeeze %dma_wait3A_248 : memref<1x16x1024xf32, #tpu.memory_space<vmem>> -> memref<16x1024xf32, #tpu.memory_space<vmem>>
    %dma_wait3A_250 = arith.constant 0 : i32
    %dma_wait3A_251 = tpu.memref_slice %arg2[%dma_wait3A_243, %add3A_45, %dma_wait3A_250] : memref<4x2048x1024xf32, #tpu.memory_space<hbm>> -> memref<1x16x1024xf32, #tpu.memory_space<hbm>>
    %dma_wait3A_252 = tpu.memref_squeeze %dma_wait3A_251 : memref<1x16x1024xf32, #tpu.memory_space<hbm>> -> memref<16x1024xf32, #tpu.memory_space<hbm>>
    %dma_wait3A_253 = tpu.memref_slice %arg7[%dma_wait3A_245] : memref<5x!tpu.dma_semaphore, #tpu.memory_space<semaphore_mem>> -> memref<1x!tpu.dma_semaphore, #tpu.memory_space<semaphore_mem>>
    %dma_wait3A_254 = tpu.memref_squeeze %dma_wait3A_253 : memref<1x!tpu.dma_semaphore, #tpu.memory_space<semaphore_mem>> -> memref<!tpu.dma_semaphore, #tpu.memory_space<semaphore_mem>>
    %dma_wait3A_255 = arith.constant 0 : i32
    %dma_wait3A_256 = arith.constant 0 : i32
    %dma_wait3A_257 = tpu.memref_slice %arg5[%dma_wait3A_244, %dma_wait3A_255, %dma_wait3A_256] : memref<5x16x1024xf32, #tpu.memory_space<vmem>> -> memref<1x16x1024xf32, #tpu.memory_space<vmem>>
    %dma_wait3A_258 = tpu.memref_squeeze %dma_wait3A_257 : memref<1x16x1024xf32, #tpu.memory_space<vmem>> -> memref<16x1024xf32, #tpu.memory_space<vmem>>
    %dma_wait3A_259 = arith.constant 0 : i32
    %dma_wait3A_260 = tpu.memref_slice %arg2[%dma_wait3A_243, %add3A_45, %dma_wait3A_259] : memref<4x2048x1024xf32, #tpu.memory_space<hbm>> -> memref<1x16x1024xf32, #tpu.memory_space<hbm>>
    %dma_wait3A_261 = tpu.memref_squeeze %dma_wait3A_260 : memref<1x16x1024xf32, #tpu.memory_space<hbm>> -> memref<16x1024xf32, #tpu.memory_space<hbm>>
    tpu.wait_dma2 semaphore(%dma_wait3A_254 : memref<!tpu.dma_semaphore, #tpu.memory_space<semaphore_mem>>) src(%dma_wait3A_261 : memref<16x1024xf32, #tpu.memory_space<hbm>>) dst(%dma_wait3A_258 : memref<16x1024xf32, #tpu.memory_space<vmem>>)
    %dma_wait3A_262 = arith.constant 0 : i32
    %dma_wait3A_263 = arith.constant 0 : i32
    %dma_wait3A_264 = arith.constant 0 : i32
    %dma_wait3A_265 = arith.constant 0 : i32
    %dma_wait3A_266 = arith.constant 0 : i32
    %dma_wait3A_267 = tpu.memref_slice %arg5[%dma_wait3A_262, %dma_wait3A_265, %dma_wait3A_266] : memref<5x16x1024xf32, #tpu.memory_space<vmem>> -> memref<1x16x1024xf32, #tpu.memory_space<vmem>>
    %dma_wait3A_268 = tpu.memref_squeeze %dma_wait3A_267 : memref<1x16x1024xf32, #tpu.memory_space<vmem>> -> memref<16x1024xf32, #tpu.memory_space<vmem>>
    %dma_wait3A_269 = arith.constant 0 : i32
    %dma_wait3A_270 = tpu.memref_slice %arg4[%dma_wait3A_263, %add3A_159, %dma_wait3A_269] : memref<4x2048x1024xf32, #tpu.memory_space<hbm>> -> memref<1x16x1024xf32, #tpu.memory_space<hbm>>
    %dma_wait3A_271 = tpu.memref_squeeze %dma_wait3A_270 : memref<1x16x1024xf32, #tpu.memory_space<hbm>> -> memref<16x1024xf32, #tpu.memory_space<hbm>>
    %dma_wait3A_272 = tpu.memref_slice %arg8[%dma_wait3A_264] : memref<5x!tpu.dma_semaphore, #tpu.memory_space<semaphore_mem>> -> memref<1x!tpu.dma_semaphore, #tpu.memory_space<semaphore_mem>>
    %dma_wait3A_273 = tpu.memref_squeeze %dma_wait3A_272 : memref<1x!tpu.dma_semaphore, #tpu.memory_space<semaphore_mem>> -> memref<!tpu.dma_semaphore, #tpu.memory_space<semaphore_mem>>
    %dma_wait3A_274 = arith.constant 0 : i32
    %dma_wait3A_275 = tpu.memref_slice %arg4[%dma_wait3A_263, %add3A_159, %dma_wait3A_274] : memref<4x2048x1024xf32, #tpu.memory_space<hbm>> -> memref<1x16x1024xf32, #tpu.memory_space<hbm>>
    %dma_wait3A_276 = tpu.memref_squeeze %dma_wait3A_275 : memref<1x16x1024xf32, #tpu.memory_space<hbm>> -> memref<16x1024xf32, #tpu.memory_space<hbm>>
    %dma_wait3A_277 = arith.constant 0 : i32
    %dma_wait3A_278 = arith.constant 0 : i32
    %dma_wait3A_279 = tpu.memref_slice %arg5[%dma_wait3A_262, %dma_wait3A_277, %dma_wait3A_278] : memref<5x16x1024xf32, #tpu.memory_space<vmem>> -> memref<1x16x1024xf32, #tpu.memory_space<vmem>>
    %dma_wait3A_280 = tpu.memref_squeeze %dma_wait3A_279 : memref<1x16x1024xf32, #tpu.memory_space<vmem>> -> memref<16x1024xf32, #tpu.memory_space<vmem>>
    tpu.wait_dma2 semaphore(%dma_wait3A_273 : memref<!tpu.dma_semaphore, #tpu.memory_space<semaphore_mem>>) src(%dma_wait3A_280 : memref<16x1024xf32, #tpu.memory_space<vmem>>) dst(%dma_wait3A_276 : memref<16x1024xf32, #tpu.memory_space<hbm>>)
    %add3A_281 = arith.constant 16 : i32
    %add3A_282 = arith.addi %mul3A_2, %add3A_281 : i32
    %dma_start3A_283 = arith.constant 1 : i32
    %dma_start3A_284 = arith.constant 0 : i32
    %dma_start3A_285 = arith.constant 0 : i32
    %dma_start3A_286 = arith.constant 0 : i32
    %dma_start3A_287 = arith.constant 0 : i32
    %dma_start3A_288 = tpu.memref_slice %arg5[%dma_start3A_284, %dma_start3A_286, %dma_start3A_287] : memref<5x16x1024xf32, #tpu.memory_space<vmem>> -> memref<1x16x1024xf32, #tpu.memory_space<vmem>>
    %dma_start3A_289 = tpu.memref_squeeze %dma_start3A_288 : memref<1x16x1024xf32, #tpu.memory_space<vmem>> -> memref<16x1024xf32, #tpu.memory_space<vmem>>
    %dma_start3A_290 = arith.constant 0 : i32
    %dma_start3A_291 = tpu.memref_slice %arg2[%dma_start3A_283, %add3A_282, %dma_start3A_290] : memref<4x2048x1024xf32, #tpu.memory_space<hbm>> -> memref<1x16x1024xf32, #tpu.memory_space<hbm>>
    %dma_start3A_292 = tpu.memref_squeeze %dma_start3A_291 : memref<1x16x1024xf32, #tpu.memory_space<hbm>> -> memref<16x1024xf32, #tpu.memory_space<hbm>>
    %dma_start3A_293 = tpu.memref_slice %arg7[%dma_start3A_285] : memref<5x!tpu.dma_semaphore, #tpu.memory_space<semaphore_mem>> -> memref<1x!tpu.dma_semaphore, #tpu.memory_space<semaphore_mem>>
    %dma_start3A_294 = tpu.memref_squeeze %dma_start3A_293 : memref<1x!tpu.dma_semaphore, #tpu.memory_space<semaphore_mem>> -> memref<!tpu.dma_semaphore, #tpu.memory_space<semaphore_mem>>
    %dma_start3A_295 = arith.constant 0 : i32
    %dma_start3A_296 = arith.constant 0 : i32
    %dma_start3A_297 = tpu.memref_slice %arg5[%dma_start3A_284, %dma_start3A_295, %dma_start3A_296] : memref<5x16x1024xf32, #tpu.memory_space<vmem>> -> memref<1x16x1024xf32, #tpu.memory_space<vmem>>
    %dma_start3A_298 = tpu.memref_squeeze %dma_start3A_297 : memref<1x16x1024xf32, #tpu.memory_space<vmem>> -> memref<16x1024xf32, #tpu.memory_space<vmem>>
    %dma_start3A_299 = arith.constant 0 : i32
    %dma_start3A_300 = tpu.memref_slice %arg2[%dma_start3A_283, %add3A_282, %dma_start3A_299] : memref<4x2048x1024xf32, #tpu.memory_space<hbm>> -> memref<1x16x1024xf32, #tpu.memory_space<hbm>>
    %dma_start3A_301 = tpu.memref_squeeze %dma_start3A_300 : memref<1x16x1024xf32, #tpu.memory_space<hbm>> -> memref<16x1024xf32, #tpu.memory_space<hbm>>
    tpu.enqueue_dma source(%dma_start3A_301 : memref<16x1024xf32, #tpu.memory_space<hbm>>) target(%dma_start3A_298 : memref<16x1024xf32, #tpu.memory_space<vmem>>) target_semaphore(%dma_start3A_294 : memref<!tpu.dma_semaphore, #tpu.memory_space<semaphore_mem>>)
    %parallel_loop3A_302 = arith.constant 0 : i32
    %parallel_loop3A_303 = arith.constant 1024 : i32
    %parallel_loop3A_304 = arith.constant 1 : i32
    scf.for %parallel_loop3A_1464 = %parallel_loop3A_302 to %parallel_loop3A_303 step %parallel_loop3A_304  : i32 {
      %parallel_loop3A_1465 = arith.constant 6 : i32
      %parallel_loop3A_1466 = arith.shrsi %parallel_loop3A_1464, %parallel_loop3A_1465 : i32
      %parallel_loop3A_1467 = arith.constant 63 : i32
      %parallel_loop3A_1468 = arith.andi %parallel_loop3A_1464, %parallel_loop3A_1467 : i32
      %parallel_loop3A_1469 = arith.constant 16 : i32
      %parallel_loop3A_1470 = arith.muli %parallel_loop3A_1468, %parallel_loop3A_1469 : i32
      %parallel_loop3A_1471 = arith.constant 0 : i32
      %parallel_loop3A_1472 = arith.index_cast %parallel_loop3A_1471 : i32 to index
      %parallel_loop3A_1473 = arith.index_cast %parallel_loop3A_1466 : i32 to index
      %parallel_loop3A_1474 = arith.index_cast %parallel_loop3A_1470 : i32 to index
      %parallel_loop3A_1475 = tpu.vector_load %arg6[%parallel_loop3A_1472, %parallel_loop3A_1473, %parallel_loop3A_1474] {strides = array<i32>} : memref<2x16x1024xf32, #tpu.memory_space<vmem>>, vector<1x1x16xf32>,
      %parallel_loop3A_1476 = vector.shape_cast %parallel_loop3A_1475 : vector<1x1x16xf32> to vector<16xf32>
      %parallel_loop3A_1477 = arith.constant 2 : i32
      %parallel_loop3A_1478 = arith.index_cast %parallel_loop3A_1477 : i32 to index
      %parallel_loop3A_1479 = arith.index_cast %parallel_loop3A_1466 : i32 to index
      %parallel_loop3A_1480 = arith.index_cast %parallel_loop3A_1470 : i32 to index
      %parallel_loop3A_1481 = tpu.vector_load %arg5[%parallel_loop3A_1478, %parallel_loop3A_1479, %parallel_loop3A_1480] {strides = array<i32>} : memref<5x16x1024xf32, #tpu.memory_space<vmem>>, vector<1x1x16xf32>,
      %parallel_loop3A_1482 = vector.shape_cast %parallel_loop3A_1481 : vector<1x1x16xf32> to vector<16xf32>
      %parallel_loop3A_1483 = vector.shape_cast %parallel_loop3A_1476 : vector<16xf32> to vector<1x1x16xf32>
      tpu.vector_store %arg5[%parallel_loop3A_1478, %parallel_loop3A_1479, %parallel_loop3A_1480], %parallel_loop3A_1483 {add = true, strides = array<i32>} : memref<5x16x1024xf32, #tpu.memory_space<vmem>>, vector<1x1x16xf32>,
    } {sc.loop_unroll_factor = 8 : i64, sc.parallel_access}
    %add3A_305 = arith.constant 0 : i32
    %add3A_306 = arith.addi %mul3A_2, %add3A_305 : i32
    %dma_start3A_307 = arith.constant 2 : i32
    %dma_start3A_308 = arith.constant 2 : i32
    %dma_start3A_309 = arith.constant 2 : i32
    %dma_start3A_310 = arith.constant 0 : i32
    %dma_start3A_311 = arith.constant 0 : i32
    %dma_start3A_312 = tpu.memref_slice %arg5[%dma_start3A_307, %dma_start3A_310, %dma_start3A_311] : memref<5x16x1024xf32, #tpu.memory_space<vmem>> -> memref<1x16x1024xf32, #tpu.memory_space<vmem>>
    %dma_start3A_313 = tpu.memref_squeeze %dma_start3A_312 : memref<1x16x1024xf32, #tpu.memory_space<vmem>> -> memref<16x1024xf32, #tpu.memory_space<vmem>>
    %dma_start3A_314 = arith.constant 0 : i32
    %dma_start3A_315 = tpu.memref_slice %arg4[%dma_start3A_308, %add3A_306, %dma_start3A_314] : memref<4x2048x1024xf32, #tpu.memory_space<hbm>> -> memref<1x16x1024xf32, #tpu.memory_space<hbm>>
    %dma_start3A_316 = tpu.memref_squeeze %dma_start3A_315 : memref<1x16x1024xf32, #tpu.memory_space<hbm>> -> memref<16x1024xf32, #tpu.memory_space<hbm>>
    %dma_start3A_317 = tpu.memref_slice %arg8[%dma_start3A_309] : memref<5x!tpu.dma_semaphore, #tpu.memory_space<semaphore_mem>> -> memref<1x!tpu.dma_semaphore, #tpu.memory_space<semaphore_mem>>
    %dma_start3A_318 = tpu.memref_squeeze %dma_start3A_317 : memref<1x!tpu.dma_semaphore, #tpu.memory_space<semaphore_mem>> -> memref<!tpu.dma_semaphore, #tpu.memory_space<semaphore_mem>>
    %dma_start3A_319 = arith.constant 0 : i32
    %dma_start3A_320 = tpu.memref_slice %arg4[%dma_start3A_308, %add3A_306, %dma_start3A_319] : memref<4x2048x1024xf32, #tpu.memory_space<hbm>> -> memref<1x16x1024xf32, #tpu.memory_space<hbm>>
    %dma_start3A_321 = tpu.memref_squeeze %dma_start3A_320 : memref<1x16x1024xf32, #tpu.memory_space<hbm>> -> memref<16x1024xf32, #tpu.memory_space<hbm>>
    %dma_start3A_322 = arith.constant 0 : i32
    %dma_start3A_323 = arith.constant 0 : i32
    %dma_start3A_324 = tpu.memref_slice %arg5[%dma_start3A_307, %dma_start3A_322, %dma_start3A_323] : memref<5x16x1024xf32, #tpu.memory_space<vmem>> -> memref<1x16x1024xf32, #tpu.memory_space<vmem>>
    %dma_start3A_325 = tpu.memref_squeeze %dma_start3A_324 : memref<1x16x1024xf32, #tpu.memory_space<vmem>> -> memref<16x1024xf32, #tpu.memory_space<vmem>>
    tpu.enqueue_dma source(%dma_start3A_325 : memref<16x1024xf32, #tpu.memory_space<vmem>>) target(%dma_start3A_321 : memref<16x1024xf32, #tpu.memory_space<hbm>>) target_semaphore(%dma_start3A_318 : memref<!tpu.dma_semaphore, #tpu.memory_space<semaphore_mem>>)
    %dma_wait3A_326 = arith.constant 3 : i32
    %dma_wait3A_327 = arith.constant 3 : i32
    %dma_wait3A_328 = arith.constant 3 : i32
    %dma_wait3A_329 = arith.constant 0 : i32
    %dma_wait3A_330 = arith.constant 0 : i32
    %dma_wait3A_331 = tpu.memref_slice %arg5[%dma_wait3A_327, %dma_wait3A_329, %dma_wait3A_330] : memref<5x16x1024xf32, #tpu.memory_space<vmem>> -> memref<1x16x1024xf32, #tpu.memory_space<vmem>>
    %dma_wait3A_332 = tpu.memref_squeeze %dma_wait3A_331 : memref<1x16x1024xf32, #tpu.memory_space<vmem>> -> memref<16x1024xf32, #tpu.memory_space<vmem>>
    %dma_wait3A_333 = arith.constant 0 : i32
    %dma_wait3A_334 = tpu.memref_slice %arg2[%dma_wait3A_326, %add3A_136, %dma_wait3A_333] : memref<4x2048x1024xf32, #tpu.memory_space<hbm>> -> memref<1x16x1024xf32, #tpu.memory_space<hbm>>
    %dma_wait3A_335 = tpu.memref_squeeze %dma_wait3A_334 : memref<1x16x1024xf32, #tpu.memory_space<hbm>> -> memref<16x1024xf32, #tpu.memory_space<hbm>>
    %dma_wait3A_336 = tpu.memref_slice %arg7[%dma_wait3A_328] : memref<5x!tpu.dma_semaphore, #tpu.memory_space<semaphore_mem>> -> memref<1x!tpu.dma_semaphore, #tpu.memory_space<semaphore_mem>>
    %dma_wait3A_337 = tpu.memref_squeeze %dma_wait3A_336 : memref<1x!tpu.dma_semaphore, #tpu.memory_space<semaphore_mem>> -> memref<!tpu.dma_semaphore, #tpu.memory_space<semaphore_mem>>
    %dma_wait3A_338 = arith.constant 0 : i32
    %dma_wait3A_339 = arith.constant 0 : i32
    %dma_wait3A_340 = tpu.memref_slice %arg5[%dma_wait3A_327, %dma_wait3A_338, %dma_wait3A_339] : memref<5x16x1024xf32, #tpu.memory_space<vmem>> -> memref<1x16x1024xf32, #tpu.memory_space<vmem>>
    %dma_wait3A_341 = tpu.memref_squeeze %dma_wait3A_340 : memref<1x16x1024xf32, #tpu.memory_space<vmem>> -> memref<16x1024xf32, #tpu.memory_space<vmem>>
    %dma_wait3A_342 = arith.constant 0 : i32
    %dma_wait3A_343 = tpu.memref_slice %arg2[%dma_wait3A_326, %add3A_136, %dma_wait3A_342] : memref<4x2048x1024xf32, #tpu.memory_space<hbm>> -> memref<1x16x1024xf32, #tpu.memory_space<hbm>>
    %dma_wait3A_344 = tpu.memref_squeeze %dma_wait3A_343 : memref<1x16x1024xf32, #tpu.memory_space<hbm>> -> memref<16x1024xf32, #tpu.memory_space<hbm>>
    tpu.wait_dma2 semaphore(%dma_wait3A_337 : memref<!tpu.dma_semaphore, #tpu.memory_space<semaphore_mem>>) src(%dma_wait3A_344 : memref<16x1024xf32, #tpu.memory_space<hbm>>) dst(%dma_wait3A_341 : memref<16x1024xf32, #tpu.memory_space<vmem>>)
    %dma_wait3A_345 = arith.constant 1 : i32
    %dma_wait3A_346 = arith.constant 1 : i32
    %dma_wait3A_347 = arith.constant 1 : i32
    %dma_wait3A_348 = arith.constant 0 : i32
    %dma_wait3A_349 = arith.constant 0 : i32
    %dma_wait3A_350 = tpu.memref_slice %arg5[%dma_wait3A_345, %dma_wait3A_348, %dma_wait3A_349] : memref<5x16x1024xf32, #tpu.memory_space<vmem>> -> memref<1x16x1024xf32, #tpu.memory_space<vmem>>
    %dma_wait3A_351 = tpu.memref_squeeze %dma_wait3A_350 : memref<1x16x1024xf32, #tpu.memory_space<vmem>> -> memref<16x1024xf32, #tpu.memory_space<vmem>>
    %dma_wait3A_352 = arith.constant 0 : i32
    %dma_wait3A_353 = tpu.memref_slice %arg4[%dma_wait3A_346, %add3A_223, %dma_wait3A_352] : memref<4x2048x1024xf32, #tpu.memory_space<hbm>> -> memref<1x16x1024xf32, #tpu.memory_space<hbm>>
    %dma_wait3A_354 = tpu.memref_squeeze %dma_wait3A_353 : memref<1x16x1024xf32, #tpu.memory_space<hbm>> -> memref<16x1024xf32, #tpu.memory_space<hbm>>
    %dma_wait3A_355 = tpu.memref_slice %arg8[%dma_wait3A_347] : memref<5x!tpu.dma_semaphore, #tpu.memory_space<semaphore_mem>> -> memref<1x!tpu.dma_semaphore, #tpu.memory_space<semaphore_mem>>
    %dma_wait3A_356 = tpu.memref_squeeze %dma_wait3A_355 : memref<1x!tpu.dma_semaphore, #tpu.memory_space<semaphore_mem>> -> memref<!tpu.dma_semaphore, #tpu.memory_space<semaphore_mem>>
    %dma_wait3A_357 = arith.constant 0 : i32
    %dma_wait3A_358 = tpu.memref_slice %arg4[%dma_wait3A_346, %add3A_223, %dma_wait3A_357] : memref<4x2048x1024xf32, #tpu.memory_space<hbm>> -> memref<1x16x1024xf32, #tpu.memory_space<hbm>>
    %dma_wait3A_359 = tpu.memref_squeeze %dma_wait3A_358 : memref<1x16x1024xf32, #tpu.memory_space<hbm>> -> memref<16x1024xf32, #tpu.memory_space<hbm>>
    %dma_wait3A_360 = arith.constant 0 : i32
    %dma_wait3A_361 = arith.constant 0 : i32
    %dma_wait3A_362 = tpu.memref_slice %arg5[%dma_wait3A_345, %dma_wait3A_360, %dma_wait3A_361] : memref<5x16x1024xf32, #tpu.memory_space<vmem>> -> memref<1x16x1024xf32, #tpu.memory_space<vmem>>
    %dma_wait3A_363 = tpu.memref_squeeze %dma_wait3A_362 : memref<1x16x1024xf32, #tpu.memory_space<vmem>> -> memref<16x1024xf32, #tpu.memory_space<vmem>>
    tpu.wait_dma2 semaphore(%dma_wait3A_356 : memref<!tpu.dma_semaphore, #tpu.memory_space<semaphore_mem>>) src(%dma_wait3A_363 : memref<16x1024xf32, #tpu.memory_space<vmem>>) dst(%dma_wait3A_359 : memref<16x1024xf32, #tpu.memory_space<hbm>>)
    %add3A_364 = arith.constant 16 : i32
    %add3A_365 = arith.addi %mul3A_2, %add3A_364 : i32
    %dma_start3A_366 = arith.constant 2 : i32
    %dma_start3A_367 = arith.constant 1 : i32
    %dma_start3A_368 = arith.constant 1 : i32
    %dma_start3A_369 = arith.constant 0 : i32
    %dma_start3A_370 = arith.constant 0 : i32
    %dma_start3A_371 = tpu.memref_slice %arg5[%dma_start3A_367, %dma_start3A_369, %dma_start3A_370] : memref<5x16x1024xf32, #tpu.memory_space<vmem>> -> memref<1x16x1024xf32, #tpu.memory_space<vmem>>
    %dma_start3A_372 = tpu.memref_squeeze %dma_start3A_371 : memref<1x16x1024xf32, #tpu.memory_space<vmem>> -> memref<16x1024xf32, #tpu.memory_space<vmem>>
    %dma_start3A_373 = arith.constant 0 : i32
    %dma_start3A_374 = tpu.memref_slice %arg2[%dma_start3A_366, %add3A_365, %dma_start3A_373] : memref<4x2048x1024xf32, #tpu.memory_space<hbm>> -> memref<1x16x1024xf32, #tpu.memory_space<hbm>>
    %dma_start3A_375 = tpu.memref_squeeze %dma_start3A_374 : memref<1x16x1024xf32, #tpu.memory_space<hbm>> -> memref<16x1024xf32, #tpu.memory_space<hbm>>
    %dma_start3A_376 = tpu.memref_slice %arg7[%dma_start3A_368] : memref<5x!tpu.dma_semaphore, #tpu.memory_space<semaphore_mem>> -> memref<1x!tpu.dma_semaphore, #tpu.memory_space<semaphore_mem>>
    %dma_start3A_377 = tpu.memref_squeeze %dma_start3A_376 : memref<1x!tpu.dma_semaphore, #tpu.memory_space<semaphore_mem>> -> memref<!tpu.dma_semaphore, #tpu.memory_space<semaphore_mem>>
    %dma_start3A_378 = arith.constant 0 : i32
    %dma_start3A_379 = arith.constant 0 : i32
    %dma_start3A_380 = tpu.memref_slice %arg5[%dma_start3A_367, %dma_start3A_378, %dma_start3A_379] : memref<5x16x1024xf32, #tpu.memory_space<vmem>> -> memref<1x16x1024xf32, #tpu.memory_space<vmem>>
    %dma_start3A_381 = tpu.memref_squeeze %dma_start3A_380 : memref<1x16x1024xf32, #tpu.memory_space<vmem>> -> memref<16x1024xf32, #tpu.memory_space<vmem>>
    %dma_start3A_382 = arith.constant 0 : i32
    %dma_start3A_383 = tpu.memref_slice %arg2[%dma_start3A_366, %add3A_365, %dma_start3A_382] : memref<4x2048x1024xf32, #tpu.memory_space<hbm>> -> memref<1x16x1024xf32, #tpu.memory_space<hbm>>
    %dma_start3A_384 = tpu.memref_squeeze %dma_start3A_383 : memref<1x16x1024xf32, #tpu.memory_space<hbm>> -> memref<16x1024xf32, #tpu.memory_space<hbm>>
    tpu.enqueue_dma source(%dma_start3A_384 : memref<16x1024xf32, #tpu.memory_space<hbm>>) target(%dma_start3A_381 : memref<16x1024xf32, #tpu.memory_space<vmem>>) target_semaphore(%dma_start3A_377 : memref<!tpu.dma_semaphore, #tpu.memory_space<semaphore_mem>>)
    %parallel_loop3A_385 = arith.constant 0 : i32
    %parallel_loop3A_386 = arith.constant 1024 : i32
    %parallel_loop3A_387 = arith.constant 1 : i32
    scf.for %parallel_loop3A_1464 = %parallel_loop3A_385 to %parallel_loop3A_386 step %parallel_loop3A_387  : i32 {
      %parallel_loop3A_1465 = arith.constant 6 : i32
      %parallel_loop3A_1466 = arith.shrsi %parallel_loop3A_1464, %parallel_loop3A_1465 : i32
      %parallel_loop3A_1467 = arith.constant 63 : i32
      %parallel_loop3A_1468 = arith.andi %parallel_loop3A_1464, %parallel_loop3A_1467 : i32
      %parallel_loop3A_1469 = arith.constant 16 : i32
      %parallel_loop3A_1470 = arith.muli %parallel_loop3A_1468, %parallel_loop3A_1469 : i32
      %parallel_loop3A_1471 = arith.constant 0 : i32
      %parallel_loop3A_1472 = arith.index_cast %parallel_loop3A_1471 : i32 to index
      %parallel_loop3A_1473 = arith.index_cast %parallel_loop3A_1466 : i32 to index
      %parallel_loop3A_1474 = arith.index_cast %parallel_loop3A_1470 : i32 to index
      %parallel_loop3A_1475 = tpu.vector_load %arg6[%parallel_loop3A_1472, %parallel_loop3A_1473, %parallel_loop3A_1474] {strides = array<i32>} : memref<2x16x1024xf32, #tpu.memory_space<vmem>>, vector<1x1x16xf32>,
      %parallel_loop3A_1476 = vector.shape_cast %parallel_loop3A_1475 : vector<1x1x16xf32> to vector<16xf32>
      %parallel_loop3A_1477 = arith.constant 3 : i32
      %parallel_loop3A_1478 = arith.index_cast %parallel_loop3A_1477 : i32 to index
      %parallel_loop3A_1479 = arith.index_cast %parallel_loop3A_1466 : i32 to index
      %parallel_loop3A_1480 = arith.index_cast %parallel_loop3A_1470 : i32 to index
      %parallel_loop3A_1481 = tpu.vector_load %arg5[%parallel_loop3A_1478, %parallel_loop3A_1479, %parallel_loop3A_1480] {strides = array<i32>} : memref<5x16x1024xf32, #tpu.memory_space<vmem>>, vector<1x1x16xf32>,
      %parallel_loop3A_1482 = vector.shape_cast %parallel_loop3A_1481 : vector<1x1x16xf32> to vector<16xf32>
      %parallel_loop3A_1483 = vector.shape_cast %parallel_loop3A_1476 : vector<16xf32> to vector<1x1x16xf32>
      tpu.vector_store %arg5[%parallel_loop3A_1478, %parallel_loop3A_1479, %parallel_loop3A_1480], %parallel_loop3A_1483 {add = true, strides = array<i32>} : memref<5x16x1024xf32, #tpu.memory_space<vmem>>, vector<1x1x16xf32>,
    } {sc.loop_unroll_factor = 8 : i64, sc.parallel_access}
    %add3A_388 = arith.constant 0 : i32
    %add3A_389 = arith.addi %mul3A_2, %add3A_388 : i32
    %dma_start3A_390 = arith.constant 3 : i32
    %dma_start3A_391 = arith.constant 3 : i32
    %dma_start3A_392 = arith.constant 3 : i32
    %dma_start3A_393 = arith.constant 0 : i32
    %dma_start3A_394 = arith.constant 0 : i32
    %dma_start3A_395 = tpu.memref_slice %arg5[%dma_start3A_390, %dma_start3A_393, %dma_start3A_394] : memref<5x16x1024xf32, #tpu.memory_space<vmem>> -> memref<1x16x1024xf32, #tpu.memory_space<vmem>>
    %dma_start3A_396 = tpu.memref_squeeze %dma_start3A_395 : memref<1x16x1024xf32, #tpu.memory_space<vmem>> -> memref<16x1024xf32, #tpu.memory_space<vmem>>
    %dma_start3A_397 = arith.constant 0 : i32
    %dma_start3A_398 = tpu.memref_slice %arg4[%dma_start3A_391, %add3A_389, %dma_start3A_397] : memref<4x2048x1024xf32, #tpu.memory_space<hbm>> -> memref<1x16x1024xf32, #tpu.memory_space<hbm>>
    %dma_start3A_399 = tpu.memref_squeeze %dma_start3A_398 : memref<1x16x1024xf32, #tpu.memory_space<hbm>> -> memref<16x1024xf32, #tpu.memory_space<hbm>>
    %dma_start3A_400 = tpu.memref_slice %arg8[%dma_start3A_392] : memref<5x!tpu.dma_semaphore, #tpu.memory_space<semaphore_mem>> -> memref<1x!tpu.dma_semaphore, #tpu.memory_space<semaphore_mem>>
    %dma_start3A_401 = tpu.memref_squeeze %dma_start3A_400 : memref<1x!tpu.dma_semaphore, #tpu.memory_space<semaphore_mem>> -> memref<!tpu.dma_semaphore, #tpu.memory_space<semaphore_mem>>
    %dma_start3A_402 = arith.constant 0 : i32
    %dma_start3A_403 = tpu.memref_slice %arg4[%dma_start3A_391, %add3A_389, %dma_start3A_402] : memref<4x2048x1024xf32, #tpu.memory_space<hbm>> -> memref<1x16x1024xf32, #tpu.memory_space<hbm>>
    %dma_start3A_404 = tpu.memref_squeeze %dma_start3A_403 : memref<1x16x1024xf32, #tpu.memory_space<hbm>> -> memref<16x1024xf32, #tpu.memory_space<hbm>>
    %dma_start3A_405 = arith.constant 0 : i32
    %dma_start3A_406 = arith.constant 0 : i32
    %dma_start3A_407 = tpu.memref_slice %arg5[%dma_start3A_390, %dma_start3A_405, %dma_start3A_406] : memref<5x16x1024xf32, #tpu.memory_space<vmem>> -> memref<1x16x1024xf32, #tpu.memory_space<vmem>>
    %dma_start3A_408 = tpu.memref_squeeze %dma_start3A_407 : memref<1x16x1024xf32, #tpu.memory_space<vmem>> -> memref<16x1024xf32, #tpu.memory_space<vmem>>
    tpu.enqueue_dma source(%dma_start3A_408 : memref<16x1024xf32, #tpu.memory_space<vmem>>) target(%dma_start3A_404 : memref<16x1024xf32, #tpu.memory_space<hbm>>) target_semaphore(%dma_start3A_401 : memref<!tpu.dma_semaphore, #tpu.memory_space<semaphore_mem>>)
    %add3A_409 = arith.constant 32 : i32
    %add3A_410 = arith.addi %mul3A_2, %add3A_409 : i32
    %dma_start3A_411 = arith.constant 0 : i32
    %dma_start3A_412 = arith.constant 0 : i32
    %dma_start3A_413 = arith.constant 0 : i32
    %dma_start3A_414 = arith.constant 0 : i32
    %dma_start3A_415 = tpu.memref_slice %arg6[%dma_start3A_411, %dma_start3A_413, %dma_start3A_414] : memref<2x16x1024xf32, #tpu.memory_space<vmem>> -> memref<1x16x1024xf32, #tpu.memory_space<vmem>>
    %dma_start3A_416 = tpu.memref_squeeze %dma_start3A_415 : memref<1x16x1024xf32, #tpu.memory_space<vmem>> -> memref<16x1024xf32, #tpu.memory_space<vmem>>
    %dma_start3A_417 = arith.constant 0 : i32
    %dma_start3A_418 = tpu.memref_slice %arg3[%add3A_410, %dma_start3A_417] : memref<2048x1024xf32, #tpu.memory_space<hbm>> -> memref<16x1024xf32, #tpu.memory_space<hbm>>
    %dma_start3A_419 = tpu.memref_slice %arg9[%dma_start3A_412] : memref<2x!tpu.dma_semaphore, #tpu.memory_space<semaphore_mem>> -> memref<1x!tpu.dma_semaphore, #tpu.memory_space<semaphore_mem>>
    %dma_start3A_420 = tpu.memref_squeeze %dma_start3A_419 : memref<1x!tpu.dma_semaphore, #tpu.memory_space<semaphore_mem>> -> memref<!tpu.dma_semaphore, #tpu.memory_space<semaphore_mem>>
    %dma_start3A_421 = arith.constant 0 : i32
    %dma_start3A_422 = arith.constant 0 : i32
    %dma_start3A_423 = tpu.memref_slice %arg6[%dma_start3A_411, %dma_start3A_421, %dma_start3A_422] : memref<2x16x1024xf32, #tpu.memory_space<vmem>> -> memref<1x16x1024xf32, #tpu.memory_space<vmem>>
    %dma_start3A_424 = tpu.memref_squeeze %dma_start3A_423 : memref<1x16x1024xf32, #tpu.memory_space<vmem>> -> memref<16x1024xf32, #tpu.memory_space<vmem>>
    %dma_start3A_425 = arith.constant 0 : i32
    %dma_start3A_426 = tpu.memref_slice %arg3[%add3A_410, %dma_start3A_425] : memref<2048x1024xf32, #tpu.memory_space<hbm>> -> memref<16x1024xf32, #tpu.memory_space<hbm>>
    tpu.enqueue_dma source(%dma_start3A_426 : memref<16x1024xf32, #tpu.memory_space<hbm>>) target(%dma_start3A_424 : memref<16x1024xf32, #tpu.memory_space<vmem>>) target_semaphore(%dma_start3A_420 : memref<!tpu.dma_semaphore, #tpu.memory_space<semaphore_mem>>)
    %dma_wait3A_427 = arith.constant 1 : i32
    %dma_wait3A_428 = arith.constant 1 : i32
    %dma_wait3A_429 = arith.constant 0 : i32
    %dma_wait3A_430 = arith.constant 0 : i32
    %dma_wait3A_431 = tpu.memref_slice %arg6[%dma_wait3A_427, %dma_wait3A_429, %dma_wait3A_430] : memref<2x16x1024xf32, #tpu.memory_space<vmem>> -> memref<1x16x1024xf32, #tpu.memory_space<vmem>>
    %dma_wait3A_432 = tpu.memref_squeeze %dma_wait3A_431 : memref<1x16x1024xf32, #tpu.memory_space<vmem>> -> memref<16x1024xf32, #tpu.memory_space<vmem>>
    %dma_wait3A_433 = arith.constant 0 : i32
    %dma_wait3A_434 = tpu.memref_slice %arg3[%add3A_84, %dma_wait3A_433] : memref<2048x1024xf32, #tpu.memory_space<hbm>> -> memref<16x1024xf32, #tpu.memory_space<hbm>>
    %dma_wait3A_435 = tpu.memref_slice %arg9[%dma_wait3A_428] : memref<2x!tpu.dma_semaphore, #tpu.memory_space<semaphore_mem>> -> memref<1x!tpu.dma_semaphore, #tpu.memory_space<semaphore_mem>>
    %dma_wait3A_436 = tpu.memref_squeeze %dma_wait3A_435 : memref<1x!tpu.dma_semaphore, #tpu.memory_space<semaphore_mem>> -> memref<!tpu.dma_semaphore, #tpu.memory_space<semaphore_mem>>
    %dma_wait3A_437 = arith.constant 0 : i32
    %dma_wait3A_438 = arith.constant 0 : i32
    %dma_wait3A_439 = tpu.memref_slice %arg6[%dma_wait3A_427, %dma_wait3A_437, %dma_wait3A_438] : memref<2x16x1024xf32, #tpu.memory_space<vmem>> -> memref<1x16x1024xf32, #tpu.memory_space<vmem>>
    %dma_wait3A_440 = tpu.memref_squeeze %dma_wait3A_439 : memref<1x16x1024xf32, #tpu.memory_space<vmem>> -> memref<16x1024xf32, #tpu.memory_space<vmem>>
    %dma_wait3A_441 = arith.constant 0 : i32
    %dma_wait3A_442 = tpu.memref_slice %arg3[%add3A_84, %dma_wait3A_441] : memref<2048x1024xf32, #tpu.memory_space<hbm>> -> memref<16x1024xf32, #tpu.memory_space<hbm>>
    tpu.wait_dma2 semaphore(%dma_wait3A_436 : memref<!tpu.dma_semaphore, #tpu.memory_space<semaphore_mem>>) src(%dma_wait3A_442 : memref<16x1024xf32, #tpu.memory_space<hbm>>) dst(%dma_wait3A_440 : memref<16x1024xf32, #tpu.memory_space<vmem>>)
    %dma_wait3A_443 = arith.constant 0 : i32
    %dma_wait3A_444 = arith.constant 4 : i32
    %dma_wait3A_445 = arith.constant 4 : i32
    %dma_wait3A_446 = arith.constant 0 : i32
    %dma_wait3A_447 = arith.constant 0 : i32
    %dma_wait3A_448 = tpu.memref_slice %arg5[%dma_wait3A_444, %dma_wait3A_446, %dma_wait3A_447] : memref<5x16x1024xf32, #tpu.memory_space<vmem>> -> memref<1x16x1024xf32, #tpu.memory_space<vmem>>
    %dma_wait3A_449 = tpu.memref_squeeze %dma_wait3A_448 : memref<1x16x1024xf32, #tpu.memory_space<vmem>> -> memref<16x1024xf32, #tpu.memory_space<vmem>>
    %dma_wait3A_450 = arith.constant 0 : i32
    %dma_wait3A_451 = tpu.memref_slice %arg2[%dma_wait3A_443, %add3A_199, %dma_wait3A_450] : memref<4x2048x1024xf32, #tpu.memory_space<hbm>> -> memref<1x16x1024xf32, #tpu.memory_space<hbm>>
    %dma_wait3A_452 = tpu.memref_squeeze %dma_wait3A_451 : memref<1x16x1024xf32, #tpu.memory_space<hbm>> -> memref<16x1024xf32, #tpu.memory_space<hbm>>
    %dma_wait3A_453 = tpu.memref_slice %arg7[%dma_wait3A_445] : memref<5x!tpu.dma_semaphore, #tpu.memory_space<semaphore_mem>> -> memref<1x!tpu.dma_semaphore, #tpu.memory_space<semaphore_mem>>
    %dma_wait3A_454 = tpu.memref_squeeze %dma_wait3A_453 : memref<1x!tpu.dma_semaphore, #tpu.memory_space<semaphore_mem>> -> memref<!tpu.dma_semaphore, #tpu.memory_space<semaphore_mem>>
    %dma_wait3A_455 = arith.constant 0 : i32
    %dma_wait3A_456 = arith.constant 0 : i32
    %dma_wait3A_457 = tpu.memref_slice %arg5[%dma_wait3A_444, %dma_wait3A_455, %dma_wait3A_456] : memref<5x16x1024xf32, #tpu.memory_space<vmem>> -> memref<1x16x1024xf32, #tpu.memory_space<vmem>>
    %dma_wait3A_458 = tpu.memref_squeeze %dma_wait3A_457 : memref<1x16x1024xf32, #tpu.memory_space<vmem>> -> memref<16x1024xf32, #tpu.memory_space<vmem>>
    %dma_wait3A_459 = arith.constant 0 : i32
    %dma_wait3A_460 = tpu.memref_slice %arg2[%dma_wait3A_443, %add3A_199, %dma_wait3A_459] : memref<4x2048x1024xf32, #tpu.memory_space<hbm>> -> memref<1x16x1024xf32, #tpu.memory_space<hbm>>
    %dma_wait3A_461 = tpu.memref_squeeze %dma_wait3A_460 : memref<1x16x1024xf32, #tpu.memory_space<hbm>> -> memref<16x1024xf32, #tpu.memory_space<hbm>>
    tpu.wait_dma2 semaphore(%dma_wait3A_454 : memref<!tpu.dma_semaphore, #tpu.memory_space<semaphore_mem>>) src(%dma_wait3A_461 : memref<16x1024xf32, #tpu.memory_space<hbm>>) dst(%dma_wait3A_458 : memref<16x1024xf32, #tpu.memory_space<vmem>>)
    %dma_wait3A_462 = arith.constant 2 : i32
    %dma_wait3A_463 = arith.constant 2 : i32
    %dma_wait3A_464 = arith.constant 2 : i32
    %dma_wait3A_465 = arith.constant 0 : i32
    %dma_wait3A_466 = arith.constant 0 : i32
    %dma_wait3A_467 = tpu.memref_slice %arg5[%dma_wait3A_462, %dma_wait3A_465, %dma_wait3A_466] : memref<5x16x1024xf32, #tpu.memory_space<vmem>> -> memref<1x16x1024xf32, #tpu.memory_space<vmem>>
    %dma_wait3A_468 = tpu.memref_squeeze %dma_wait3A_467 : memref<1x16x1024xf32, #tpu.memory_space<vmem>> -> memref<16x1024xf32, #tpu.memory_space<vmem>>
    %dma_wait3A_469 = arith.constant 0 : i32
    %dma_wait3A_470 = tpu.memref_slice %arg4[%dma_wait3A_463, %add3A_306, %dma_wait3A_469] : memref<4x2048x1024xf32, #tpu.memory_space<hbm>> -> memref<1x16x1024xf32, #tpu.memory_space<hbm>>
    %dma_wait3A_471 = tpu.memref_squeeze %dma_wait3A_470 : memref<1x16x1024xf32, #tpu.memory_space<hbm>> -> memref<16x1024xf32, #tpu.memory_space<hbm>>
    %dma_wait3A_472 = tpu.memref_slice %arg8[%dma_wait3A_464] : memref<5x!tpu.dma_semaphore, #tpu.memory_space<semaphore_mem>> -> memref<1x!tpu.dma_semaphore, #tpu.memory_space<semaphore_mem>>
    %dma_wait3A_473 = tpu.memref_squeeze %dma_wait3A_472 : memref<1x!tpu.dma_semaphore, #tpu.memory_space<semaphore_mem>> -> memref<!tpu.dma_semaphore, #tpu.memory_space<semaphore_mem>>
    %dma_wait3A_474 = arith.constant 0 : i32
    %dma_wait3A_475 = tpu.memref_slice %arg4[%dma_wait3A_463, %add3A_306, %dma_wait3A_474] : memref<4x2048x1024xf32, #tpu.memory_space<hbm>> -> memref<1x16x1024xf32, #tpu.memory_space<hbm>>
    %dma_wait3A_476 = tpu.memref_squeeze %dma_wait3A_475 : memref<1x16x1024xf32, #tpu.memory_space<hbm>> -> memref<16x1024xf32, #tpu.memory_space<hbm>>
    %dma_wait3A_477 = arith.constant 0 : i32
    %dma_wait3A_478 = arith.constant 0 : i32
    %dma_wait3A_479 = tpu.memref_slice %arg5[%dma_wait3A_462, %dma_wait3A_477, %dma_wait3A_478] : memref<5x16x1024xf32, #tpu.memory_space<vmem>> -> memref<1x16x1024xf32, #tpu.memory_space<vmem>>
    %dma_wait3A_480 = tpu.memref_squeeze %dma_wait3A_479 : memref<1x16x1024xf32, #tpu.memory_space<vmem>> -> memref<16x1024xf32, #tpu.memory_space<vmem>>
    tpu.wait_dma2 semaphore(%dma_wait3A_473 : memref<!tpu.dma_semaphore, #tpu.memory_space<semaphore_mem>>) src(%dma_wait3A_480 : memref<16x1024xf32, #tpu.memory_space<vmem>>) dst(%dma_wait3A_476 : memref<16x1024xf32, #tpu.memory_space<hbm>>)
    %add3A_481 = arith.constant 16 : i32
    %add3A_482 = arith.addi %mul3A_2, %add3A_481 : i32
    %dma_start3A_483 = arith.constant 3 : i32
    %dma_start3A_484 = arith.constant 2 : i32
    %dma_start3A_485 = arith.constant 2 : i32
    %dma_start3A_486 = arith.constant 0 : i32
    %dma_start3A_487 = arith.constant 0 : i32
    %dma_start3A_488 = tpu.memref_slice %arg5[%dma_start3A_484, %dma_start3A_486, %dma_start3A_487] : memref<5x16x1024xf32, #tpu.memory_space<vmem>> -> memref<1x16x1024xf32, #tpu.memory_space<vmem>>
    %dma_start3A_489 = tpu.memref_squeeze %dma_start3A_488 : memref<1x16x1024xf32, #tpu.memory_space<vmem>> -> memref<16x1024xf32, #tpu.memory_space<vmem>>
    %dma_start3A_490 = arith.constant 0 : i32
    %dma_start3A_491 = tpu.memref_slice %arg2[%dma_start3A_483, %add3A_482, %dma_start3A_490] : memref<4x2048x1024xf32, #tpu.memory_space<hbm>> -> memref<1x16x1024xf32, #tpu.memory_space<hbm>>
    %dma_start3A_492 = tpu.memref_squeeze %dma_start3A_491 : memref<1x16x1024xf32, #tpu.memory_space<hbm>> -> memref<16x1024xf32, #tpu.memory_space<hbm>>
    %dma_start3A_493 = tpu.memref_slice %arg7[%dma_start3A_485] : memref<5x!tpu.dma_semaphore, #tpu.memory_space<semaphore_mem>> -> memref<1x!tpu.dma_semaphore, #tpu.memory_space<semaphore_mem>>
    %dma_start3A_494 = tpu.memref_squeeze %dma_start3A_493 : memref<1x!tpu.dma_semaphore, #tpu.memory_space<semaphore_mem>> -> memref<!tpu.dma_semaphore, #tpu.memory_space<semaphore_mem>>
    %dma_start3A_495 = arith.constant 0 : i32
    %dma_start3A_496 = arith.constant 0 : i32
    %dma_start3A_497 = tpu.memref_slice %arg5[%dma_start3A_484, %dma_start3A_495, %dma_start3A_496] : memref<5x16x1024xf32, #tpu.memory_space<vmem>> -> memref<1x16x1024xf32, #tpu.memory_space<vmem>>
    %dma_start3A_498 = tpu.memref_squeeze %dma_start3A_497 : memref<1x16x1024xf32, #tpu.memory_space<vmem>> -> memref<16x1024xf32, #tpu.memory_space<vmem>>
    %dma_start3A_499 = arith.constant 0 : i32
    %dma_start3A_500 = tpu.memref_slice %arg2[%dma_start3A_483, %add3A_482, %dma_start3A_499] : memref<4x2048x1024xf32, #tpu.memory_space<hbm>> -> memref<1x16x1024xf32, #tpu.memory_space<hbm>>
    %dma_start3A_501 = tpu.memref_squeeze %dma_start3A_500 : memref<1x16x1024xf32, #tpu.memory_space<hbm>> -> memref<16x1024xf32, #tpu.memory_space<hbm>>
    tpu.enqueue_dma source(%dma_start3A_501 : memref<16x1024xf32, #tpu.memory_space<hbm>>) target(%dma_start3A_498 : memref<16x1024xf32, #tpu.memory_space<vmem>>) target_semaphore(%dma_start3A_494 : memref<!tpu.dma_semaphore, #tpu.memory_space<semaphore_mem>>)
    %parallel_loop3A_502 = arith.constant 0 : i32
    %parallel_loop3A_503 = arith.constant 1024 : i32
    %parallel_loop3A_504 = arith.constant 1 : i32
    scf.for %parallel_loop3A_1464 = %parallel_loop3A_502 to %parallel_loop3A_503 step %parallel_loop3A_504  : i32 {
      %parallel_loop3A_1465 = arith.constant 6 : i32
      %parallel_loop3A_1466 = arith.shrsi %parallel_loop3A_1464, %parallel_loop3A_1465 : i32
      %parallel_loop3A_1467 = arith.constant 63 : i32
      %parallel_loop3A_1468 = arith.andi %parallel_loop3A_1464, %parallel_loop3A_1467 : i32
      %parallel_loop3A_1469 = arith.constant 16 : i32
      %parallel_loop3A_1470 = arith.muli %parallel_loop3A_1468, %parallel_loop3A_1469 : i32
      %parallel_loop3A_1471 = arith.constant 1 : i32
      %parallel_loop3A_1472 = arith.index_cast %parallel_loop3A_1471 : i32 to index
      %parallel_loop3A_1473 = arith.index_cast %parallel_loop3A_1466 : i32 to index
      %parallel_loop3A_1474 = arith.index_cast %parallel_loop3A_1470 : i32 to index
      %parallel_loop3A_1475 = tpu.vector_load %arg6[%parallel_loop3A_1472, %parallel_loop3A_1473, %parallel_loop3A_1474] {strides = array<i32>} : memref<2x16x1024xf32, #tpu.memory_space<vmem>>, vector<1x1x16xf32>,
      %parallel_loop3A_1476 = vector.shape_cast %parallel_loop3A_1475 : vector<1x1x16xf32> to vector<16xf32>
      %parallel_loop3A_1477 = arith.constant 4 : i32
      %parallel_loop3A_1478 = arith.index_cast %parallel_loop3A_1477 : i32 to index
      %parallel_loop3A_1479 = arith.index_cast %parallel_loop3A_1466 : i32 to index
      %parallel_loop3A_1480 = arith.index_cast %parallel_loop3A_1470 : i32 to index
      %parallel_loop3A_1481 = tpu.vector_load %arg5[%parallel_loop3A_1478, %parallel_loop3A_1479, %parallel_loop3A_1480] {strides = array<i32>} : memref<5x16x1024xf32, #tpu.memory_space<vmem>>, vector<1x1x16xf32>,
      %parallel_loop3A_1482 = vector.shape_cast %parallel_loop3A_1481 : vector<1x1x16xf32> to vector<16xf32>
      %parallel_loop3A_1483 = vector.shape_cast %parallel_loop3A_1476 : vector<16xf32> to vector<1x1x16xf32>
      tpu.vector_store %arg5[%parallel_loop3A_1478, %parallel_loop3A_1479, %parallel_loop3A_1480], %parallel_loop3A_1483 {add = true, strides = array<i32>} : memref<5x16x1024xf32, #tpu.memory_space<vmem>>, vector<1x1x16xf32>,
    } {sc.loop_unroll_factor = 8 : i64, sc.parallel_access}
    %add3A_505 = arith.constant 16 : i32
    %add3A_506 = arith.addi %mul3A_2, %add3A_505 : i32
    %dma_start3A_507 = arith.constant 4 : i32
    %dma_start3A_508 = arith.constant 0 : i32
    %dma_start3A_509 = arith.constant 4 : i32
    %dma_start3A_510 = arith.constant 0 : i32
    %dma_start3A_511 = arith.constant 0 : i32
    %dma_start3A_512 = tpu.memref_slice %arg5[%dma_start3A_507, %dma_start3A_510, %dma_start3A_511] : memref<5x16x1024xf32, #tpu.memory_space<vmem>> -> memref<1x16x1024xf32, #tpu.memory_space<vmem>>
    %dma_start3A_513 = tpu.memref_squeeze %dma_start3A_512 : memref<1x16x1024xf32, #tpu.memory_space<vmem>> -> memref<16x1024xf32, #tpu.memory_space<vmem>>
    %dma_start3A_514 = arith.constant 0 : i32
    %dma_start3A_515 = tpu.memref_slice %arg4[%dma_start3A_508, %add3A_506, %dma_start3A_514] : memref<4x2048x1024xf32, #tpu.memory_space<hbm>> -> memref<1x16x1024xf32, #tpu.memory_space<hbm>>
    %dma_start3A_516 = tpu.memref_squeeze %dma_start3A_515 : memref<1x16x1024xf32, #tpu.memory_space<hbm>> -> memref<16x1024xf32, #tpu.memory_space<hbm>>
    %dma_start3A_517 = tpu.memref_slice %arg8[%dma_start3A_509] : memref<5x!tpu.dma_semaphore, #tpu.memory_space<semaphore_mem>> -> memref<1x!tpu.dma_semaphore, #tpu.memory_space<semaphore_mem>>
    %dma_start3A_518 = tpu.memref_squeeze %dma_start3A_517 : memref<1x!tpu.dma_semaphore, #tpu.memory_space<semaphore_mem>> -> memref<!tpu.dma_semaphore, #tpu.memory_space<semaphore_mem>>
    %dma_start3A_519 = arith.constant 0 : i32
    %dma_start3A_520 = tpu.memref_slice %arg4[%dma_start3A_508, %add3A_506, %dma_start3A_519] : memref<4x2048x1024xf32, #tpu.memory_space<hbm>> -> memref<1x16x1024xf32, #tpu.memory_space<hbm>>
    %dma_start3A_521 = tpu.memref_squeeze %dma_start3A_520 : memref<1x16x1024xf32, #tpu.memory_space<hbm>> -> memref<16x1024xf32, #tpu.memory_space<hbm>>
    %dma_start3A_522 = arith.constant 0 : i32
    %dma_start3A_523 = arith.constant 0 : i32
    %dma_start3A_524 = tpu.memref_slice %arg5[%dma_start3A_507, %dma_start3A_522, %dma_start3A_523] : memref<5x16x1024xf32, #tpu.memory_space<vmem>> -> memref<1x16x1024xf32, #tpu.memory_space<vmem>>
    %dma_start3A_525 = tpu.memref_squeeze %dma_start3A_524 : memref<1x16x1024xf32, #tpu.memory_space<vmem>> -> memref<16x1024xf32, #tpu.memory_space<vmem>>
    tpu.enqueue_dma source(%dma_start3A_525 : memref<16x1024xf32, #tpu.memory_space<vmem>>) target(%dma_start3A_521 : memref<16x1024xf32, #tpu.memory_space<hbm>>) target_semaphore(%dma_start3A_518 : memref<!tpu.dma_semaphore, #tpu.memory_space<semaphore_mem>>)
    %dma_wait3A_526 = arith.constant 1 : i32
    %dma_wait3A_527 = arith.constant 0 : i32
    %dma_wait3A_528 = arith.constant 0 : i32
    %dma_wait3A_529 = arith.constant 0 : i32
    %dma_wait3A_530 = arith.constant 0 : i32
    %dma_wait3A_531 = tpu.memref_slice %arg5[%dma_wait3A_527, %dma_wait3A_529, %dma_wait3A_530] : memref<5x16x1024xf32, #tpu.memory_space<vmem>> -> memref<1x16x1024xf32, #tpu.memory_space<vmem>>
    %dma_wait3A_532 = tpu.memref_squeeze %dma_wait3A_531 : memref<1x16x1024xf32, #tpu.memory_space<vmem>> -> memref<16x1024xf32, #tpu.memory_space<vmem>>
    %dma_wait3A_533 = arith.constant 0 : i32
    %dma_wait3A_534 = tpu.memref_slice %arg2[%dma_wait3A_526, %add3A_282, %dma_wait3A_533] : memref<4x2048x1024xf32, #tpu.memory_space<hbm>> -> memref<1x16x1024xf32, #tpu.memory_space<hbm>>
    %dma_wait3A_535 = tpu.memref_squeeze %dma_wait3A_534 : memref<1x16x1024xf32, #tpu.memory_space<hbm>> -> memref<16x1024xf32, #tpu.memory_space<hbm>>
    %dma_wait3A_536 = tpu.memref_slice %arg7[%dma_wait3A_528] : memref<5x!tpu.dma_semaphore, #tpu.memory_space<semaphore_mem>> -> memref<1x!tpu.dma_semaphore, #tpu.memory_space<semaphore_mem>>
    %dma_wait3A_537 = tpu.memref_squeeze %dma_wait3A_536 : memref<1x!tpu.dma_semaphore, #tpu.memory_space<semaphore_mem>> -> memref<!tpu.dma_semaphore, #tpu.memory_space<semaphore_mem>>
    %dma_wait3A_538 = arith.constant 0 : i32
    %dma_wait3A_539 = arith.constant 0 : i32
    %dma_wait3A_540 = tpu.memref_slice %arg5[%dma_wait3A_527, %dma_wait3A_538, %dma_wait3A_539] : memref<5x16x1024xf32, #tpu.memory_space<vmem>> -> memref<1x16x1024xf32, #tpu.memory_space<vmem>>
    %dma_wait3A_541 = tpu.memref_squeeze %dma_wait3A_540 : memref<1x16x1024xf32, #tpu.memory_space<vmem>> -> memref<16x1024xf32, #tpu.memory_space<vmem>>
    %dma_wait3A_542 = arith.constant 0 : i32
    %dma_wait3A_543 = tpu.memref_slice %arg2[%dma_wait3A_526, %add3A_282, %dma_wait3A_542] : memref<4x2048x1024xf32, #tpu.memory_space<hbm>> -> memref<1x16x1024xf32, #tpu.memory_space<hbm>>
    %dma_wait3A_544 = tpu.memref_squeeze %dma_wait3A_543 : memref<1x16x1024xf32, #tpu.memory_space<hbm>> -> memref<16x1024xf32, #tpu.memory_space<hbm>>
    tpu.wait_dma2 semaphore(%dma_wait3A_537 : memref<!tpu.dma_semaphore, #tpu.memory_space<semaphore_mem>>) src(%dma_wait3A_544 : memref<16x1024xf32, #tpu.memory_space<hbm>>) dst(%dma_wait3A_541 : memref<16x1024xf32, #tpu.memory_space<vmem>>)
    %dma_wait3A_545 = arith.constant 3 : i32
    %dma_wait3A_546 = arith.constant 3 : i32
    %dma_wait3A_547 = arith.constant 3 : i32
    %dma_wait3A_548 = arith.constant 0 : i32
    %dma_wait3A_549 = arith.constant 0 : i32
    %dma_wait3A_550 = tpu.memref_slice %arg5[%dma_wait3A_545, %dma_wait3A_548, %dma_wait3A_549] : memref<5x16x1024xf32, #tpu.memory_space<vmem>> -> memref<1x16x1024xf32, #tpu.memory_space<vmem>>
    %dma_wait3A_551 = tpu.memref_squeeze %dma_wait3A_550 : memref<1x16x1024xf32, #tpu.memory_space<vmem>> -> memref<16x1024xf32, #tpu.memory_space<vmem>>
    %dma_wait3A_552 = arith.constant 0 : i32
    %dma_wait3A_553 = tpu.memref_slice %arg4[%dma_wait3A_546, %add3A_389, %dma_wait3A_552] : memref<4x2048x1024xf32, #tpu.memory_space<hbm>> -> memref<1x16x1024xf32, #tpu.memory_space<hbm>>
    %dma_wait3A_554 = tpu.memref_squeeze %dma_wait3A_553 : memref<1x16x1024xf32, #tpu.memory_space<hbm>> -> memref<16x1024xf32, #tpu.memory_space<hbm>>
    %dma_wait3A_555 = tpu.memref_slice %arg8[%dma_wait3A_547] : memref<5x!tpu.dma_semaphore, #tpu.memory_space<semaphore_mem>> -> memref<1x!tpu.dma_semaphore, #tpu.memory_space<semaphore_mem>>
    %dma_wait3A_556 = tpu.memref_squeeze %dma_wait3A_555 : memref<1x!tpu.dma_semaphore, #tpu.memory_space<semaphore_mem>> -> memref<!tpu.dma_semaphore, #tpu.memory_space<semaphore_mem>>
    %dma_wait3A_557 = arith.constant 0 : i32
    %dma_wait3A_558 = tpu.memref_slice %arg4[%dma_wait3A_546, %add3A_389, %dma_wait3A_557] : memref<4x2048x1024xf32, #tpu.memory_space<hbm>> -> memref<1x16x1024xf32, #tpu.memory_space<hbm>>
    %dma_wait3A_559 = tpu.memref_squeeze %dma_wait3A_558 : memref<1x16x1024xf32, #tpu.memory_space<hbm>> -> memref<16x1024xf32, #tpu.memory_space<hbm>>
    %dma_wait3A_560 = arith.constant 0 : i32
    %dma_wait3A_561 = arith.constant 0 : i32
    %dma_wait3A_562 = tpu.memref_slice %arg5[%dma_wait3A_545, %dma_wait3A_560, %dma_wait3A_561] : memref<5x16x1024xf32, #tpu.memory_space<vmem>> -> memref<1x16x1024xf32, #tpu.memory_space<vmem>>
    %dma_wait3A_563 = tpu.memref_squeeze %dma_wait3A_562 : memref<1x16x1024xf32, #tpu.memory_space<vmem>> -> memref<16x1024xf32, #tpu.memory_space<vmem>>
    tpu.wait_dma2 semaphore(%dma_wait3A_556 : memref<!tpu.dma_semaphore, #tpu.memory_space<semaphore_mem>>) src(%dma_wait3A_563 : memref<16x1024xf32, #tpu.memory_space<vmem>>) dst(%dma_wait3A_559 : memref<16x1024xf32, #tpu.memory_space<hbm>>)
    %add3A_564 = arith.constant 32 : i32
    %add3A_565 = arith.addi %mul3A_2, %add3A_564 : i32
    %dma_start3A_566 = arith.constant 0 : i32
    %dma_start3A_567 = arith.constant 3 : i32
    %dma_start3A_568 = arith.constant 3 : i32
    %dma_start3A_569 = arith.constant 0 : i32
    %dma_start3A_570 = arith.constant 0 : i32
    %dma_start3A_571 = tpu.memref_slice %arg5[%dma_start3A_567, %dma_start3A_569, %dma_start3A_570] : memref<5x16x1024xf32, #tpu.memory_space<vmem>> -> memref<1x16x1024xf32, #tpu.memory_space<vmem>>
    %dma_start3A_572 = tpu.memref_squeeze %dma_start3A_571 : memref<1x16x1024xf32, #tpu.memory_space<vmem>> -> memref<16x1024xf32, #tpu.memory_space<vmem>>
    %dma_start3A_573 = arith.constant 0 : i32
    %dma_start3A_574 = tpu.memref_slice %arg2[%dma_start3A_566, %add3A_565, %dma_start3A_573] : memref<4x2048x1024xf32, #tpu.memory_space<hbm>> -> memref<1x16x1024xf32, #tpu.memory_space<hbm>>
    %dma_start3A_575 = tpu.memref_squeeze %dma_start3A_574 : memref<1x16x1024xf32, #tpu.memory_space<hbm>> -> memref<16x1024xf32, #tpu.memory_space<hbm>>
    %dma_start3A_576 = tpu.memref_slice %arg7[%dma_start3A_568] : memref<5x!tpu.dma_semaphore, #tpu.memory_space<semaphore_mem>> -> memref<1x!tpu.dma_semaphore, #tpu.memory_space<semaphore_mem>>
    %dma_start3A_577 = tpu.memref_squeeze %dma_start3A_576 : memref<1x!tpu.dma_semaphore, #tpu.memory_space<semaphore_mem>> -> memref<!tpu.dma_semaphore, #tpu.memory_space<semaphore_mem>>
    %dma_start3A_578 = arith.constant 0 : i32
    %dma_start3A_579 = arith.constant 0 : i32
    %dma_start3A_580 = tpu.memref_slice %arg5[%dma_start3A_567, %dma_start3A_578, %dma_start3A_579] : memref<5x16x1024xf32, #tpu.memory_space<vmem>> -> memref<1x16x1024xf32, #tpu.memory_space<vmem>>
    %dma_start3A_581 = tpu.memref_squeeze %dma_start3A_580 : memref<1x16x1024xf32, #tpu.memory_space<vmem>> -> memref<16x1024xf32, #tpu.memory_space<vmem>>
    %dma_start3A_582 = arith.constant 0 : i32
    %dma_start3A_583 = tpu.memref_slice %arg2[%dma_start3A_566, %add3A_565, %dma_start3A_582] : memref<4x2048x1024xf32, #tpu.memory_space<hbm>> -> memref<1x16x1024xf32, #tpu.memory_space<hbm>>
    %dma_start3A_584 = tpu.memref_squeeze %dma_start3A_583 : memref<1x16x1024xf32, #tpu.memory_space<hbm>> -> memref<16x1024xf32, #tpu.memory_space<hbm>>
    tpu.enqueue_dma source(%dma_start3A_584 : memref<16x1024xf32, #tpu.memory_space<hbm>>) target(%dma_start3A_581 : memref<16x1024xf32, #tpu.memory_space<vmem>>) target_semaphore(%dma_start3A_577 : memref<!tpu.dma_semaphore, #tpu.memory_space<semaphore_mem>>)
    %parallel_loop3A_585 = arith.constant 0 : i32
    %parallel_loop3A_586 = arith.constant 1024 : i32
    %parallel_loop3A_587 = arith.constant 1 : i32
    scf.for %parallel_loop3A_1464 = %parallel_loop3A_585 to %parallel_loop3A_586 step %parallel_loop3A_587  : i32 {
      %parallel_loop3A_1465 = arith.constant 6 : i32
      %parallel_loop3A_1466 = arith.shrsi %parallel_loop3A_1464, %parallel_loop3A_1465 : i32
      %parallel_loop3A_1467 = arith.constant 63 : i32
      %parallel_loop3A_1468 = arith.andi %parallel_loop3A_1464, %parallel_loop3A_1467 : i32
      %parallel_loop3A_1469 = arith.constant 16 : i32
      %parallel_loop3A_1470 = arith.muli %parallel_loop3A_1468, %parallel_loop3A_1469 : i32
      %parallel_loop3A_1471 = arith.constant 1 : i32
      %parallel_loop3A_1472 = arith.index_cast %parallel_loop3A_1471 : i32 to index
      %parallel_loop3A_1473 = arith.index_cast %parallel_loop3A_1466 : i32 to index
      %parallel_loop3A_1474 = arith.index_cast %parallel_loop3A_1470 : i32 to index
      %parallel_loop3A_1475 = tpu.vector_load %arg6[%parallel_loop3A_1472, %parallel_loop3A_1473, %parallel_loop3A_1474] {strides = array<i32>} : memref<2x16x1024xf32, #tpu.memory_space<vmem>>, vector<1x1x16xf32>,
      %parallel_loop3A_1476 = vector.shape_cast %parallel_loop3A_1475 : vector<1x1x16xf32> to vector<16xf32>
      %parallel_loop3A_1477 = arith.constant 0 : i32
      %parallel_loop3A_1478 = arith.index_cast %parallel_loop3A_1477 : i32 to index
      %parallel_loop3A_1479 = arith.index_cast %parallel_loop3A_1466 : i32 to index
      %parallel_loop3A_1480 = arith.index_cast %parallel_loop3A_1470 : i32 to index
      %parallel_loop3A_1481 = tpu.vector_load %arg5[%parallel_loop3A_1478, %parallel_loop3A_1479, %parallel_loop3A_1480] {strides = array<i32>} : memref<5x16x1024xf32, #tpu.memory_space<vmem>>, vector<1x1x16xf32>,
      %parallel_loop3A_1482 = vector.shape_cast %parallel_loop3A_1481 : vector<1x1x16xf32> to vector<16xf32>
      %parallel_loop3A_1483 = vector.shape_cast %parallel_loop3A_1476 : vector<16xf32> to vector<1x1x16xf32>
      tpu.vector_store %arg5[%parallel_loop3A_1478, %parallel_loop3A_1479, %parallel_loop3A_1480], %parallel_loop3A_1483 {add = true, strides = array<i32>} : memref<5x16x1024xf32, #tpu.memory_space<vmem>>, vector<1x1x16xf32>,
    } {sc.loop_unroll_factor = 8 : i64, sc.parallel_access}
    %add3A_588 = arith.constant 16 : i32
    %add3A_589 = arith.addi %mul3A_2, %add3A_588 : i32
    %dma_start3A_590 = arith.constant 0 : i32
    %dma_start3A_591 = arith.constant 1 : i32
    %dma_start3A_592 = arith.constant 0 : i32
    %dma_start3A_593 = arith.constant 0 : i32
    %dma_start3A_594 = arith.constant 0 : i32
    %dma_start3A_595 = tpu.memref_slice %arg5[%dma_start3A_590, %dma_start3A_593, %dma_start3A_594] : memref<5x16x1024xf32, #tpu.memory_space<vmem>> -> memref<1x16x1024xf32, #tpu.memory_space<vmem>>
    %dma_start3A_596 = tpu.memref_squeeze %dma_start3A_595 : memref<1x16x1024xf32, #tpu.memory_space<vmem>> -> memref<16x1024xf32, #tpu.memory_space<vmem>>
    %dma_start3A_597 = arith.constant 0 : i32
    %dma_start3A_598 = tpu.memref_slice %arg4[%dma_start3A_591, %add3A_589, %dma_start3A_597] : memref<4x2048x1024xf32, #tpu.memory_space<hbm>> -> memref<1x16x1024xf32, #tpu.memory_space<hbm>>
    %dma_start3A_599 = tpu.memref_squeeze %dma_start3A_598 : memref<1x16x1024xf32, #tpu.memory_space<hbm>> -> memref<16x1024xf32, #tpu.memory_space<hbm>>
    %dma_start3A_600 = tpu.memref_slice %arg8[%dma_start3A_592] : memref<5x!tpu.dma_semaphore, #tpu.memory_space<semaphore_mem>> -> memref<1x!tpu.dma_semaphore, #tpu.memory_space<semaphore_mem>>
    %dma_start3A_601 = tpu.memref_squeeze %dma_start3A_600 : memref<1x!tpu.dma_semaphore, #tpu.memory_space<semaphore_mem>> -> memref<!tpu.dma_semaphore, #tpu.memory_space<semaphore_mem>>
    %dma_start3A_602 = arith.constant 0 : i32
    %dma_start3A_603 = tpu.memref_slice %arg4[%dma_start3A_591, %add3A_589, %dma_start3A_602] : memref<4x2048x1024xf32, #tpu.memory_space<hbm>> -> memref<1x16x1024xf32, #tpu.memory_space<hbm>>
    %dma_start3A_604 = tpu.memref_squeeze %dma_start3A_603 : memref<1x16x1024xf32, #tpu.memory_space<hbm>> -> memref<16x1024xf32, #tpu.memory_space<hbm>>
    %dma_start3A_605 = arith.constant 0 : i32
    %dma_start3A_606 = arith.constant 0 : i32
    %dma_start3A_607 = tpu.memref_slice %arg5[%dma_start3A_590, %dma_start3A_605, %dma_start3A_606] : memref<5x16x1024xf32, #tpu.memory_space<vmem>> -> memref<1x16x1024xf32, #tpu.memory_space<vmem>>
    %dma_start3A_608 = tpu.memref_squeeze %dma_start3A_607 : memref<1x16x1024xf32, #tpu.memory_space<vmem>> -> memref<16x1024xf32, #tpu.memory_space<vmem>>
    tpu.enqueue_dma source(%dma_start3A_608 : memref<16x1024xf32, #tpu.memory_space<vmem>>) target(%dma_start3A_604 : memref<16x1024xf32, #tpu.memory_space<hbm>>) target_semaphore(%dma_start3A_601 : memref<!tpu.dma_semaphore, #tpu.memory_space<semaphore_mem>>)
    %dma_wait3A_609 = arith.constant 2 : i32
    %dma_wait3A_610 = arith.constant 1 : i32
    %dma_wait3A_611 = arith.constant 1 : i32
    %dma_wait3A_612 = arith.constant 0 : i32
    %dma_wait3A_613 = arith.constant 0 : i32
    %dma_wait3A_614 = tpu.memref_slice %arg5[%dma_wait3A_610, %dma_wait3A_612, %dma_wait3A_613] : memref<5x16x1024xf32, #tpu.memory_space<vmem>> -> memref<1x16x1024xf32, #tpu.memory_space<vmem>>
    %dma_wait3A_615 = tpu.memref_squeeze %dma_wait3A_614 : memref<1x16x1024xf32, #tpu.memory_space<vmem>> -> memref<16x1024xf32, #tpu.memory_space<vmem>>
    %dma_wait3A_616 = arith.constant 0 : i32
    %dma_wait3A_617 = tpu.memref_slice %arg2[%dma_wait3A_609, %add3A_365, %dma_wait3A_616] : memref<4x2048x1024xf32, #tpu.memory_space<hbm>> -> memref<1x16x1024xf32, #tpu.memory_space<hbm>>
    %dma_wait3A_618 = tpu.memref_squeeze %dma_wait3A_617 : memref<1x16x1024xf32, #tpu.memory_space<hbm>> -> memref<16x1024xf32, #tpu.memory_space<hbm>>
    %dma_wait3A_619 = tpu.memref_slice %arg7[%dma_wait3A_611] : memref<5x!tpu.dma_semaphore, #tpu.memory_space<semaphore_mem>> -> memref<1x!tpu.dma_semaphore, #tpu.memory_space<semaphore_mem>>
    %dma_wait3A_620 = tpu.memref_squeeze %dma_wait3A_619 : memref<1x!tpu.dma_semaphore, #tpu.memory_space<semaphore_mem>> -> memref<!tpu.dma_semaphore, #tpu.memory_space<semaphore_mem>>
    %dma_wait3A_621 = arith.constant 0 : i32
    %dma_wait3A_622 = arith.constant 0 : i32
    %dma_wait3A_623 = tpu.memref_slice %arg5[%dma_wait3A_610, %dma_wait3A_621, %dma_wait3A_622] : memref<5x16x1024xf32, #tpu.memory_space<vmem>> -> memref<1x16x1024xf32, #tpu.memory_space<vmem>>
    %dma_wait3A_624 = tpu.memref_squeeze %dma_wait3A_623 : memref<1x16x1024xf32, #tpu.memory_space<vmem>> -> memref<16x1024xf32, #tpu.memory_space<vmem>>
    %dma_wait3A_625 = arith.constant 0 : i32
    %dma_wait3A_626 = tpu.memref_slice %arg2[%dma_wait3A_609, %add3A_365, %dma_wait3A_625] : memref<4x2048x1024xf32, #tpu.memory_space<hbm>> -> memref<1x16x1024xf32, #tpu.memory_space<hbm>>
    %dma_wait3A_627 = tpu.memref_squeeze %dma_wait3A_626 : memref<1x16x1024xf32, #tpu.memory_space<hbm>> -> memref<16x1024xf32, #tpu.memory_space<hbm>>
    tpu.wait_dma2 semaphore(%dma_wait3A_620 : memref<!tpu.dma_semaphore, #tpu.memory_space<semaphore_mem>>) src(%dma_wait3A_627 : memref<16x1024xf32, #tpu.memory_space<hbm>>) dst(%dma_wait3A_624 : memref<16x1024xf32, #tpu.memory_space<vmem>>)
    %dma_wait3A_628 = arith.constant 4 : i32
    %dma_wait3A_629 = arith.constant 0 : i32
    %dma_wait3A_630 = arith.constant 4 : i32
    %dma_wait3A_631 = arith.constant 0 : i32
    %dma_wait3A_632 = arith.constant 0 : i32
    %dma_wait3A_633 = tpu.memref_slice %arg5[%dma_wait3A_628, %dma_wait3A_631, %dma_wait3A_632] : memref<5x16x1024xf32, #tpu.memory_space<vmem>> -> memref<1x16x1024xf32, #tpu.memory_space<vmem>>
    %dma_wait3A_634 = tpu.memref_squeeze %dma_wait3A_633 : memref<1x16x1024xf32, #tpu.memory_space<vmem>> -> memref<16x1024xf32, #tpu.memory_space<vmem>>
    %dma_wait3A_635 = arith.constant 0 : i32
    %dma_wait3A_636 = tpu.memref_slice %arg4[%dma_wait3A_629, %add3A_506, %dma_wait3A_635] : memref<4x2048x1024xf32, #tpu.memory_space<hbm>> -> memref<1x16x1024xf32, #tpu.memory_space<hbm>>
    %dma_wait3A_637 = tpu.memref_squeeze %dma_wait3A_636 : memref<1x16x1024xf32, #tpu.memory_space<hbm>> -> memref<16x1024xf32, #tpu.memory_space<hbm>>
    %dma_wait3A_638 = tpu.memref_slice %arg8[%dma_wait3A_630] : memref<5x!tpu.dma_semaphore, #tpu.memory_space<semaphore_mem>> -> memref<1x!tpu.dma_semaphore, #tpu.memory_space<semaphore_mem>>
    %dma_wait3A_639 = tpu.memref_squeeze %dma_wait3A_638 : memref<1x!tpu.dma_semaphore, #tpu.memory_space<semaphore_mem>> -> memref<!tpu.dma_semaphore, #tpu.memory_space<semaphore_mem>>
    %dma_wait3A_640 = arith.constant 0 : i32
    %dma_wait3A_641 = tpu.memref_slice %arg4[%dma_wait3A_629, %add3A_506, %dma_wait3A_640] : memref<4x2048x1024xf32, #tpu.memory_space<hbm>> -> memref<1x16x1024xf32, #tpu.memory_space<hbm>>
    %dma_wait3A_642 = tpu.memref_squeeze %dma_wait3A_641 : memref<1x16x1024xf32, #tpu.memory_space<hbm>> -> memref<16x1024xf32, #tpu.memory_space<hbm>>
    %dma_wait3A_643 = arith.constant 0 : i32
    %dma_wait3A_644 = arith.constant 0 : i32
    %dma_wait3A_645 = tpu.memref_slice %arg5[%dma_wait3A_628, %dma_wait3A_643, %dma_wait3A_644] : memref<5x16x1024xf32, #tpu.memory_space<vmem>> -> memref<1x16x1024xf32, #tpu.memory_space<vmem>>
    %dma_wait3A_646 = tpu.memref_squeeze %dma_wait3A_645 : memref<1x16x1024xf32, #tpu.memory_space<vmem>> -> memref<16x1024xf32, #tpu.memory_space<vmem>>
    tpu.wait_dma2 semaphore(%dma_wait3A_639 : memref<!tpu.dma_semaphore, #tpu.memory_space<semaphore_mem>>) src(%dma_wait3A_646 : memref<16x1024xf32, #tpu.memory_space<vmem>>) dst(%dma_wait3A_642 : memref<16x1024xf32, #tpu.memory_space<hbm>>)
    %add3A_647 = arith.constant 32 : i32
    %add3A_648 = arith.addi %mul3A_2, %add3A_647 : i32
    %dma_start3A_649 = arith.constant 1 : i32
    %dma_start3A_650 = arith.constant 4 : i32
    %dma_start3A_651 = arith.constant 4 : i32
    %dma_start3A_652 = arith.constant 0 : i32
    %dma_start3A_653 = arith.constant 0 : i32
    %dma_start3A_654 = tpu.memref_slice %arg5[%dma_start3A_650, %dma_start3A_652, %dma_start3A_653] : memref<5x16x1024xf32, #tpu.memory_space<vmem>> -> memref<1x16x1024xf32, #tpu.memory_space<vmem>>
    %dma_start3A_655 = tpu.memref_squeeze %dma_start3A_654 : memref<1x16x1024xf32, #tpu.memory_space<vmem>> -> memref<16x1024xf32, #tpu.memory_space<vmem>>
    %dma_start3A_656 = arith.constant 0 : i32
    %dma_start3A_657 = tpu.memref_slice %arg2[%dma_start3A_649, %add3A_648, %dma_start3A_656] : memref<4x2048x1024xf32, #tpu.memory_space<hbm>> -> memref<1x16x1024xf32, #tpu.memory_space<hbm>>
    %dma_start3A_658 = tpu.memref_squeeze %dma_start3A_657 : memref<1x16x1024xf32, #tpu.memory_space<hbm>> -> memref<16x1024xf32, #tpu.memory_space<hbm>>
    %dma_start3A_659 = tpu.memref_slice %arg7[%dma_start3A_651] : memref<5x!tpu.dma_semaphore, #tpu.memory_space<semaphore_mem>> -> memref<1x!tpu.dma_semaphore, #tpu.memory_space<semaphore_mem>>
    %dma_start3A_660 = tpu.memref_squeeze %dma_start3A_659 : memref<1x!tpu.dma_semaphore, #tpu.memory_space<semaphore_mem>> -> memref<!tpu.dma_semaphore, #tpu.memory_space<semaphore_mem>>
    %dma_start3A_661 = arith.constant 0 : i32
    %dma_start3A_662 = arith.constant 0 : i32
    %dma_start3A_663 = tpu.memref_slice %arg5[%dma_start3A_650, %dma_start3A_661, %dma_start3A_662] : memref<5x16x1024xf32, #tpu.memory_space<vmem>> -> memref<1x16x1024xf32, #tpu.memory_space<vmem>>
    %dma_start3A_664 = tpu.memref_squeeze %dma_start3A_663 : memref<1x16x1024xf32, #tpu.memory_space<vmem>> -> memref<16x1024xf32, #tpu.memory_space<vmem>>
    %dma_start3A_665 = arith.constant 0 : i32
    %dma_start3A_666 = tpu.memref_slice %arg2[%dma_start3A_649, %add3A_648, %dma_start3A_665] : memref<4x2048x1024xf32, #tpu.memory_space<hbm>> -> memref<1x16x1024xf32, #tpu.memory_space<hbm>>
    %dma_start3A_667 = tpu.memref_squeeze %dma_start3A_666 : memref<1x16x1024xf32, #tpu.memory_space<hbm>> -> memref<16x1024xf32, #tpu.memory_space<hbm>>
    tpu.enqueue_dma source(%dma_start3A_667 : memref<16x1024xf32, #tpu.memory_space<hbm>>) target(%dma_start3A_664 : memref<16x1024xf32, #tpu.memory_space<vmem>>) target_semaphore(%dma_start3A_660 : memref<!tpu.dma_semaphore, #tpu.memory_space<semaphore_mem>>)
    %parallel_loop3A_668 = arith.constant 0 : i32
    %parallel_loop3A_669 = arith.constant 1024 : i32
    %parallel_loop3A_670 = arith.constant 1 : i32
    scf.for %parallel_loop3A_1464 = %parallel_loop3A_668 to %parallel_loop3A_669 step %parallel_loop3A_670  : i32 {
      %parallel_loop3A_1465 = arith.constant 6 : i32
      %parallel_loop3A_1466 = arith.shrsi %parallel_loop3A_1464, %parallel_loop3A_1465 : i32
      %parallel_loop3A_1467 = arith.constant 63 : i32
      %parallel_loop3A_1468 = arith.andi %parallel_loop3A_1464, %parallel_loop3A_1467 : i32
      %parallel_loop3A_1469 = arith.constant 16 : i32
      %parallel_loop3A_1470 = arith.muli %parallel_loop3A_1468, %parallel_loop3A_1469 : i32
      %parallel_loop3A_1471 = arith.constant 1 : i32
      %parallel_loop3A_1472 = arith.index_cast %parallel_loop3A_1471 : i32 to index
      %parallel_loop3A_1473 = arith.index_cast %parallel_loop3A_1466 : i32 to index
      %parallel_loop3A_1474 = arith.index_cast %parallel_loop3A_1470 : i32 to index
      %parallel_loop3A_1475 = tpu.vector_load %arg6[%parallel_loop3A_1472, %parallel_loop3A_1473, %parallel_loop3A_1474] {strides = array<i32>} : memref<2x16x1024xf32, #tpu.memory_space<vmem>>, vector<1x1x16xf32>,
      %parallel_loop3A_1476 = vector.shape_cast %parallel_loop3A_1475 : vector<1x1x16xf32> to vector<16xf32>
      %parallel_loop3A_1477 = arith.constant 1 : i32
      %parallel_loop3A_1478 = arith.index_cast %parallel_loop3A_1477 : i32 to index
      %parallel_loop3A_1479 = arith.index_cast %parallel_loop3A_1466 : i32 to index
      %parallel_loop3A_1480 = arith.index_cast %parallel_loop3A_1470 : i32 to index
      %parallel_loop3A_1481 = tpu.vector_load %arg5[%parallel_loop3A_1478, %parallel_loop3A_1479, %parallel_loop3A_1480] {strides = array<i32>} : memref<5x16x1024xf32, #tpu.memory_space<vmem>>, vector<1x1x16xf32>,
      %parallel_loop3A_1482 = vector.shape_cast %parallel_loop3A_1481 : vector<1x1x16xf32> to vector<16xf32>
      %parallel_loop3A_1483 = vector.shape_cast %parallel_loop3A_1476 : vector<16xf32> to vector<1x1x16xf32>
      tpu.vector_store %arg5[%parallel_loop3A_1478, %parallel_loop3A_1479, %parallel_loop3A_1480], %parallel_loop3A_1483 {add = true, strides = array<i32>} : memref<5x16x1024xf32, #tpu.memory_space<vmem>>, vector<1x1x16xf32>,
    } {sc.loop_unroll_factor = 8 : i64, sc.parallel_access}
    %add3A_671 = arith.constant 16 : i32
    %add3A_672 = arith.addi %mul3A_2, %add3A_671 : i32
    %dma_start3A_673 = arith.constant 1 : i32
    %dma_start3A_674 = arith.constant 2 : i32
    %dma_start3A_675 = arith.constant 1 : i32
    %dma_start3A_676 = arith.constant 0 : i32
    %dma_start3A_677 = arith.constant 0 : i32
    %dma_start3A_678 = tpu.memref_slice %arg5[%dma_start3A_673, %dma_start3A_676, %dma_start3A_677] : memref<5x16x1024xf32, #tpu.memory_space<vmem>> -> memref<1x16x1024xf32, #tpu.memory_space<vmem>>
    %dma_start3A_679 = tpu.memref_squeeze %dma_start3A_678 : memref<1x16x1024xf32, #tpu.memory_space<vmem>> -> memref<16x1024xf32, #tpu.memory_space<vmem>>
    %dma_start3A_680 = arith.constant 0 : i32
    %dma_start3A_681 = tpu.memref_slice %arg4[%dma_start3A_674, %add3A_672, %dma_start3A_680] : memref<4x2048x1024xf32, #tpu.memory_space<hbm>> -> memref<1x16x1024xf32, #tpu.memory_space<hbm>>
    %dma_start3A_682 = tpu.memref_squeeze %dma_start3A_681 : memref<1x16x1024xf32, #tpu.memory_space<hbm>> -> memref<16x1024xf32, #tpu.memory_space<hbm>>
    %dma_start3A_683 = tpu.memref_slice %arg8[%dma_start3A_675] : memref<5x!tpu.dma_semaphore, #tpu.memory_space<semaphore_mem>> -> memref<1x!tpu.dma_semaphore, #tpu.memory_space<semaphore_mem>>
    %dma_start3A_684 = tpu.memref_squeeze %dma_start3A_683 : memref<1x!tpu.dma_semaphore, #tpu.memory_space<semaphore_mem>> -> memref<!tpu.dma_semaphore, #tpu.memory_space<semaphore_mem>>
    %dma_start3A_685 = arith.constant 0 : i32
    %dma_start3A_686 = tpu.memref_slice %arg4[%dma_start3A_674, %add3A_672, %dma_start3A_685] : memref<4x2048x1024xf32, #tpu.memory_space<hbm>> -> memref<1x16x1024xf32, #tpu.memory_space<hbm>>
    %dma_start3A_687 = tpu.memref_squeeze %dma_start3A_686 : memref<1x16x1024xf32, #tpu.memory_space<hbm>> -> memref<16x1024xf32, #tpu.memory_space<hbm>>
    %dma_start3A_688 = arith.constant 0 : i32
    %dma_start3A_689 = arith.constant 0 : i32
    %dma_start3A_690 = tpu.memref_slice %arg5[%dma_start3A_673, %dma_start3A_688, %dma_start3A_689] : memref<5x16x1024xf32, #tpu.memory_space<vmem>> -> memref<1x16x1024xf32, #tpu.memory_space<vmem>>
    %dma_start3A_691 = tpu.memref_squeeze %dma_start3A_690 : memref<1x16x1024xf32, #tpu.memory_space<vmem>> -> memref<16x1024xf32, #tpu.memory_space<vmem>>
    tpu.enqueue_dma source(%dma_start3A_691 : memref<16x1024xf32, #tpu.memory_space<vmem>>) target(%dma_start3A_687 : memref<16x1024xf32, #tpu.memory_space<hbm>>) target_semaphore(%dma_start3A_684 : memref<!tpu.dma_semaphore, #tpu.memory_space<semaphore_mem>>)
    %dma_wait3A_692 = arith.constant 3 : i32
    %dma_wait3A_693 = arith.constant 2 : i32
    %dma_wait3A_694 = arith.constant 2 : i32
    %dma_wait3A_695 = arith.constant 0 : i32
    %dma_wait3A_696 = arith.constant 0 : i32
    %dma_wait3A_697 = tpu.memref_slice %arg5[%dma_wait3A_693, %dma_wait3A_695, %dma_wait3A_696] : memref<5x16x1024xf32, #tpu.memory_space<vmem>> -> memref<1x16x1024xf32, #tpu.memory_space<vmem>>
    %dma_wait3A_698 = tpu.memref_squeeze %dma_wait3A_697 : memref<1x16x1024xf32, #tpu.memory_space<vmem>> -> memref<16x1024xf32, #tpu.memory_space<vmem>>
    %dma_wait3A_699 = arith.constant 0 : i32
    %dma_wait3A_700 = tpu.memref_slice %arg2[%dma_wait3A_692, %add3A_482, %dma_wait3A_699] : memref<4x2048x1024xf32, #tpu.memory_space<hbm>> -> memref<1x16x1024xf32, #tpu.memory_space<hbm>>
    %dma_wait3A_701 = tpu.memref_squeeze %dma_wait3A_700 : memref<1x16x1024xf32, #tpu.memory_space<hbm>> -> memref<16x1024xf32, #tpu.memory_space<hbm>>
    %dma_wait3A_702 = tpu.memref_slice %arg7[%dma_wait3A_694] : memref<5x!tpu.dma_semaphore, #tpu.memory_space<semaphore_mem>> -> memref<1x!tpu.dma_semaphore, #tpu.memory_space<semaphore_mem>>
    %dma_wait3A_703 = tpu.memref_squeeze %dma_wait3A_702 : memref<1x!tpu.dma_semaphore, #tpu.memory_space<semaphore_mem>> -> memref<!tpu.dma_semaphore, #tpu.memory_space<semaphore_mem>>
    %dma_wait3A_704 = arith.constant 0 : i32
    %dma_wait3A_705 = arith.constant 0 : i32
    %dma_wait3A_706 = tpu.memref_slice %arg5[%dma_wait3A_693, %dma_wait3A_704, %dma_wait3A_705] : memref<5x16x1024xf32, #tpu.memory_space<vmem>> -> memref<1x16x1024xf32, #tpu.memory_space<vmem>>
    %dma_wait3A_707 = tpu.memref_squeeze %dma_wait3A_706 : memref<1x16x1024xf32, #tpu.memory_space<vmem>> -> memref<16x1024xf32, #tpu.memory_space<vmem>>
    %dma_wait3A_708 = arith.constant 0 : i32
    %dma_wait3A_709 = tpu.memref_slice %arg2[%dma_wait3A_692, %add3A_482, %dma_wait3A_708] : memref<4x2048x1024xf32, #tpu.memory_space<hbm>> -> memref<1x16x1024xf32, #tpu.memory_space<hbm>>
    %dma_wait3A_710 = tpu.memref_squeeze %dma_wait3A_709 : memref<1x16x1024xf32, #tpu.memory_space<hbm>> -> memref<16x1024xf32, #tpu.memory_space<hbm>>
    tpu.wait_dma2 semaphore(%dma_wait3A_703 : memref<!tpu.dma_semaphore, #tpu.memory_space<semaphore_mem>>) src(%dma_wait3A_710 : memref<16x1024xf32, #tpu.memory_space<hbm>>) dst(%dma_wait3A_707 : memref<16x1024xf32, #tpu.memory_space<vmem>>)
    %dma_wait3A_711 = arith.constant 0 : i32
    %dma_wait3A_712 = arith.constant 1 : i32
    %dma_wait3A_713 = arith.constant 0 : i32
    %dma_wait3A_714 = arith.constant 0 : i32
    %dma_wait3A_715 = arith.constant 0 : i32
    %dma_wait3A_716 = tpu.memref_slice %arg5[%dma_wait3A_711, %dma_wait3A_714, %dma_wait3A_715] : memref<5x16x1024xf32, #tpu.memory_space<vmem>> -> memref<1x16x1024xf32, #tpu.memory_space<vmem>>
    %dma_wait3A_717 = tpu.memref_squeeze %dma_wait3A_716 : memref<1x16x1024xf32, #tpu.memory_space<vmem>> -> memref<16x1024xf32, #tpu.memory_space<vmem>>
    %dma_wait3A_718 = arith.constant 0 : i32
    %dma_wait3A_719 = tpu.memref_slice %arg4[%dma_wait3A_712, %add3A_589, %dma_wait3A_718] : memref<4x2048x1024xf32, #tpu.memory_space<hbm>> -> memref<1x16x1024xf32, #tpu.memory_space<hbm>>
    %dma_wait3A_720 = tpu.memref_squeeze %dma_wait3A_719 : memref<1x16x1024xf32, #tpu.memory_space<hbm>> -> memref<16x1024xf32, #tpu.memory_space<hbm>>
    %dma_wait3A_721 = tpu.memref_slice %arg8[%dma_wait3A_713] : memref<5x!tpu.dma_semaphore, #tpu.memory_space<semaphore_mem>> -> memref<1x!tpu.dma_semaphore, #tpu.memory_space<semaphore_mem>>
    %dma_wait3A_722 = tpu.memref_squeeze %dma_wait3A_721 : memref<1x!tpu.dma_semaphore, #tpu.memory_space<semaphore_mem>> -> memref<!tpu.dma_semaphore, #tpu.memory_space<semaphore_mem>>
    %dma_wait3A_723 = arith.constant 0 : i32
    %dma_wait3A_724 = tpu.memref_slice %arg4[%dma_wait3A_712, %add3A_589, %dma_wait3A_723] : memref<4x2048x1024xf32, #tpu.memory_space<hbm>> -> memref<1x16x1024xf32, #tpu.memory_space<hbm>>
    %dma_wait3A_725 = tpu.memref_squeeze %dma_wait3A_724 : memref<1x16x1024xf32, #tpu.memory_space<hbm>> -> memref<16x1024xf32, #tpu.memory_space<hbm>>
    %dma_wait3A_726 = arith.constant 0 : i32
    %dma_wait3A_727 = arith.constant 0 : i32
    %dma_wait3A_728 = tpu.memref_slice %arg5[%dma_wait3A_711, %dma_wait3A_726, %dma_wait3A_727] : memref<5x16x1024xf32, #tpu.memory_space<vmem>> -> memref<1x16x1024xf32, #tpu.memory_space<vmem>>
    %dma_wait3A_729 = tpu.memref_squeeze %dma_wait3A_728 : memref<1x16x1024xf32, #tpu.memory_space<vmem>> -> memref<16x1024xf32, #tpu.memory_space<vmem>>
    tpu.wait_dma2 semaphore(%dma_wait3A_722 : memref<!tpu.dma_semaphore, #tpu.memory_space<semaphore_mem>>) src(%dma_wait3A_729 : memref<16x1024xf32, #tpu.memory_space<vmem>>) dst(%dma_wait3A_725 : memref<16x1024xf32, #tpu.memory_space<hbm>>)
    %add3A_730 = arith.constant 32 : i32
    %add3A_731 = arith.addi %mul3A_2, %add3A_730 : i32
    %dma_start3A_732 = arith.constant 2 : i32
    %dma_start3A_733 = arith.constant 0 : i32
    %dma_start3A_734 = arith.constant 0 : i32
    %dma_start3A_735 = arith.constant 0 : i32
    %dma_start3A_736 = arith.constant 0 : i32
    %dma_start3A_737 = tpu.memref_slice %arg5[%dma_start3A_733, %dma_start3A_735, %dma_start3A_736] : memref<5x16x1024xf32, #tpu.memory_space<vmem>> -> memref<1x16x1024xf32, #tpu.memory_space<vmem>>
    %dma_start3A_738 = tpu.memref_squeeze %dma_start3A_737 : memref<1x16x1024xf32, #tpu.memory_space<vmem>> -> memref<16x1024xf32, #tpu.memory_space<vmem>>
    %dma_start3A_739 = arith.constant 0 : i32
    %dma_start3A_740 = tpu.memref_slice %arg2[%dma_start3A_732, %add3A_731, %dma_start3A_739] : memref<4x2048x1024xf32, #tpu.memory_space<hbm>> -> memref<1x16x1024xf32, #tpu.memory_space<hbm>>
    %dma_start3A_741 = tpu.memref_squeeze %dma_start3A_740 : memref<1x16x1024xf32, #tpu.memory_space<hbm>> -> memref<16x1024xf32, #tpu.memory_space<hbm>>
    %dma_start3A_742 = tpu.memref_slice %arg7[%dma_start3A_734] : memref<5x!tpu.dma_semaphore, #tpu.memory_space<semaphore_mem>> -> memref<1x!tpu.dma_semaphore, #tpu.memory_space<semaphore_mem>>
    %dma_start3A_743 = tpu.memref_squeeze %dma_start3A_742 : memref<1x!tpu.dma_semaphore, #tpu.memory_space<semaphore_mem>> -> memref<!tpu.dma_semaphore, #tpu.memory_space<semaphore_mem>>
    %dma_start3A_744 = arith.constant 0 : i32
    %dma_start3A_745 = arith.constant 0 : i32
    %dma_start3A_746 = tpu.memref_slice %arg5[%dma_start3A_733, %dma_start3A_744, %dma_start3A_745] : memref<5x16x1024xf32, #tpu.memory_space<vmem>> -> memref<1x16x1024xf32, #tpu.memory_space<vmem>>
    %dma_start3A_747 = tpu.memref_squeeze %dma_start3A_746 : memref<1x16x1024xf32, #tpu.memory_space<vmem>> -> memref<16x1024xf32, #tpu.memory_space<vmem>>
    %dma_start3A_748 = arith.constant 0 : i32
    %dma_start3A_749 = tpu.memref_slice %arg2[%dma_start3A_732, %add3A_731, %dma_start3A_748] : memref<4x2048x1024xf32, #tpu.memory_space<hbm>> -> memref<1x16x1024xf32, #tpu.memory_space<hbm>>
    %dma_start3A_750 = tpu.memref_squeeze %dma_start3A_749 : memref<1x16x1024xf32, #tpu.memory_space<hbm>> -> memref<16x1024xf32, #tpu.memory_space<hbm>>
    tpu.enqueue_dma source(%dma_start3A_750 : memref<16x1024xf32, #tpu.memory_space<hbm>>) target(%dma_start3A_747 : memref<16x1024xf32, #tpu.memory_space<vmem>>) target_semaphore(%dma_start3A_743 : memref<!tpu.dma_semaphore, #tpu.memory_space<semaphore_mem>>)
    %parallel_loop3A_751 = arith.constant 0 : i32
    %parallel_loop3A_752 = arith.constant 1024 : i32
    %parallel_loop3A_753 = arith.constant 1 : i32
    scf.for %parallel_loop3A_1464 = %parallel_loop3A_751 to %parallel_loop3A_752 step %parallel_loop3A_753  : i32 {
      %parallel_loop3A_1465 = arith.constant 6 : i32
      %parallel_loop3A_1466 = arith.shrsi %parallel_loop3A_1464, %parallel_loop3A_1465 : i32
      %parallel_loop3A_1467 = arith.constant 63 : i32
      %parallel_loop3A_1468 = arith.andi %parallel_loop3A_1464, %parallel_loop3A_1467 : i32
      %parallel_loop3A_1469 = arith.constant 16 : i32
      %parallel_loop3A_1470 = arith.muli %parallel_loop3A_1468, %parallel_loop3A_1469 : i32
      %parallel_loop3A_1471 = arith.constant 1 : i32
      %parallel_loop3A_1472 = arith.index_cast %parallel_loop3A_1471 : i32 to index
      %parallel_loop3A_1473 = arith.index_cast %parallel_loop3A_1466 : i32 to index
      %parallel_loop3A_1474 = arith.index_cast %parallel_loop3A_1470 : i32 to index
      %parallel_loop3A_1475 = tpu.vector_load %arg6[%parallel_loop3A_1472, %parallel_loop3A_1473, %parallel_loop3A_1474] {strides = array<i32>} : memref<2x16x1024xf32, #tpu.memory_space<vmem>>, vector<1x1x16xf32>,
      %parallel_loop3A_1476 = vector.shape_cast %parallel_loop3A_1475 : vector<1x1x16xf32> to vector<16xf32>
      %parallel_loop3A_1477 = arith.constant 2 : i32
      %parallel_loop3A_1478 = arith.index_cast %parallel_loop3A_1477 : i32 to index
      %parallel_loop3A_1479 = arith.index_cast %parallel_loop3A_1466 : i32 to index
      %parallel_loop3A_1480 = arith.index_cast %parallel_loop3A_1470 : i32 to index
      %parallel_loop3A_1481 = tpu.vector_load %arg5[%parallel_loop3A_1478, %parallel_loop3A_1479, %parallel_loop3A_1480] {strides = array<i32>} : memref<5x16x1024xf32, #tpu.memory_space<vmem>>, vector<1x1x16xf32>,
      %parallel_loop3A_1482 = vector.shape_cast %parallel_loop3A_1481 : vector<1x1x16xf32> to vector<16xf32>
      %parallel_loop3A_1483 = vector.shape_cast %parallel_loop3A_1476 : vector<16xf32> to vector<1x1x16xf32>
      tpu.vector_store %arg5[%parallel_loop3A_1478, %parallel_loop3A_1479, %parallel_loop3A_1480], %parallel_loop3A_1483 {add = true, strides = array<i32>} : memref<5x16x1024xf32, #tpu.memory_space<vmem>>, vector<1x1x16xf32>,
    } {sc.loop_unroll_factor = 8 : i64, sc.parallel_access}
    %add3A_754 = arith.constant 16 : i32
    %add3A_755 = arith.addi %mul3A_2, %add3A_754 : i32
    %dma_start3A_756 = arith.constant 2 : i32
    %dma_start3A_757 = arith.constant 3 : i32
    %dma_start3A_758 = arith.constant 2 : i32
    %dma_start3A_759 = arith.constant 0 : i32
    %dma_start3A_760 = arith.constant 0 : i32
    %dma_start3A_761 = tpu.memref_slice %arg5[%dma_start3A_756, %dma_start3A_759, %dma_start3A_760] : memref<5x16x1024xf32, #tpu.memory_space<vmem>> -> memref<1x16x1024xf32, #tpu.memory_space<vmem>>
    %dma_start3A_762 = tpu.memref_squeeze %dma_start3A_761 : memref<1x16x1024xf32, #tpu.memory_space<vmem>> -> memref<16x1024xf32, #tpu.memory_space<vmem>>
    %dma_start3A_763 = arith.constant 0 : i32
    %dma_start3A_764 = tpu.memref_slice %arg4[%dma_start3A_757, %add3A_755, %dma_start3A_763] : memref<4x2048x1024xf32, #tpu.memory_space<hbm>> -> memref<1x16x1024xf32, #tpu.memory_space<hbm>>
    %dma_start3A_765 = tpu.memref_squeeze %dma_start3A_764 : memref<1x16x1024xf32, #tpu.memory_space<hbm>> -> memref<16x1024xf32, #tpu.memory_space<hbm>>
    %dma_start3A_766 = tpu.memref_slice %arg8[%dma_start3A_758] : memref<5x!tpu.dma_semaphore, #tpu.memory_space<semaphore_mem>> -> memref<1x!tpu.dma_semaphore, #tpu.memory_space<semaphore_mem>>
    %dma_start3A_767 = tpu.memref_squeeze %dma_start3A_766 : memref<1x!tpu.dma_semaphore, #tpu.memory_space<semaphore_mem>> -> memref<!tpu.dma_semaphore, #tpu.memory_space<semaphore_mem>>
    %dma_start3A_768 = arith.constant 0 : i32
    %dma_start3A_769 = tpu.memref_slice %arg4[%dma_start3A_757, %add3A_755, %dma_start3A_768] : memref<4x2048x1024xf32, #tpu.memory_space<hbm>> -> memref<1x16x1024xf32, #tpu.memory_space<hbm>>
    %dma_start3A_770 = tpu.memref_squeeze %dma_start3A_769 : memref<1x16x1024xf32, #tpu.memory_space<hbm>> -> memref<16x1024xf32, #tpu.memory_space<hbm>>
    %dma_start3A_771 = arith.constant 0 : i32
    %dma_start3A_772 = arith.constant 0 : i32
    %dma_start3A_773 = tpu.memref_slice %arg5[%dma_start3A_756, %dma_start3A_771, %dma_start3A_772] : memref<5x16x1024xf32, #tpu.memory_space<vmem>> -> memref<1x16x1024xf32, #tpu.memory_space<vmem>>
    %dma_start3A_774 = tpu.memref_squeeze %dma_start3A_773 : memref<1x16x1024xf32, #tpu.memory_space<vmem>> -> memref<16x1024xf32, #tpu.memory_space<vmem>>
    tpu.enqueue_dma source(%dma_start3A_774 : memref<16x1024xf32, #tpu.memory_space<vmem>>) target(%dma_start3A_770 : memref<16x1024xf32, #tpu.memory_space<hbm>>) target_semaphore(%dma_start3A_767 : memref<!tpu.dma_semaphore, #tpu.memory_space<semaphore_mem>>)
    %add3A_775 = arith.constant 48 : i32
    %add3A_776 = arith.addi %mul3A_2, %add3A_775 : i32
    %dma_start3A_777 = arith.constant 1 : i32
    %dma_start3A_778 = arith.constant 1 : i32
    %dma_start3A_779 = arith.constant 0 : i32
    %dma_start3A_780 = arith.constant 0 : i32
    %dma_start3A_781 = tpu.memref_slice %arg6[%dma_start3A_777, %dma_start3A_779, %dma_start3A_780] : memref<2x16x1024xf32, #tpu.memory_space<vmem>> -> memref<1x16x1024xf32, #tpu.memory_space<vmem>>
    %dma_start3A_782 = tpu.memref_squeeze %dma_start3A_781 : memref<1x16x1024xf32, #tpu.memory_space<vmem>> -> memref<16x1024xf32, #tpu.memory_space<vmem>>
    %dma_start3A_783 = arith.constant 0 : i32
    %dma_start3A_784 = tpu.memref_slice %arg3[%add3A_776, %dma_start3A_783] : memref<2048x1024xf32, #tpu.memory_space<hbm>> -> memref<16x1024xf32, #tpu.memory_space<hbm>>
    %dma_start3A_785 = tpu.memref_slice %arg9[%dma_start3A_778] : memref<2x!tpu.dma_semaphore, #tpu.memory_space<semaphore_mem>> -> memref<1x!tpu.dma_semaphore, #tpu.memory_space<semaphore_mem>>
    %dma_start3A_786 = tpu.memref_squeeze %dma_start3A_785 : memref<1x!tpu.dma_semaphore, #tpu.memory_space<semaphore_mem>> -> memref<!tpu.dma_semaphore, #tpu.memory_space<semaphore_mem>>
    %dma_start3A_787 = arith.constant 0 : i32
    %dma_start3A_788 = arith.constant 0 : i32
    %dma_start3A_789 = tpu.memref_slice %arg6[%dma_start3A_777, %dma_start3A_787, %dma_start3A_788] : memref<2x16x1024xf32, #tpu.memory_space<vmem>> -> memref<1x16x1024xf32, #tpu.memory_space<vmem>>
    %dma_start3A_790 = tpu.memref_squeeze %dma_start3A_789 : memref<1x16x1024xf32, #tpu.memory_space<vmem>> -> memref<16x1024xf32, #tpu.memory_space<vmem>>
    %dma_start3A_791 = arith.constant 0 : i32
    %dma_start3A_792 = tpu.memref_slice %arg3[%add3A_776, %dma_start3A_791] : memref<2048x1024xf32, #tpu.memory_space<hbm>> -> memref<16x1024xf32, #tpu.memory_space<hbm>>
    tpu.enqueue_dma source(%dma_start3A_792 : memref<16x1024xf32, #tpu.memory_space<hbm>>) target(%dma_start3A_790 : memref<16x1024xf32, #tpu.memory_space<vmem>>) target_semaphore(%dma_start3A_786 : memref<!tpu.dma_semaphore, #tpu.memory_space<semaphore_mem>>)
    %dma_wait3A_793 = arith.constant 0 : i32
    %dma_wait3A_794 = arith.constant 0 : i32
    %dma_wait3A_795 = arith.constant 0 : i32
    %dma_wait3A_796 = arith.constant 0 : i32
    %dma_wait3A_797 = tpu.memref_slice %arg6[%dma_wait3A_793, %dma_wait3A_795, %dma_wait3A_796] : memref<2x16x1024xf32, #tpu.memory_space<vmem>> -> memref<1x16x1024xf32, #tpu.memory_space<vmem>>
    %dma_wait3A_798 = tpu.memref_squeeze %dma_wait3A_797 : memref<1x16x1024xf32, #tpu.memory_space<vmem>> -> memref<16x1024xf32, #tpu.memory_space<vmem>>
    %dma_wait3A_799 = arith.constant 0 : i32
    %dma_wait3A_800 = tpu.memref_slice %arg3[%add3A_410, %dma_wait3A_799] : memref<2048x1024xf32, #tpu.memory_space<hbm>> -> memref<16x1024xf32, #tpu.memory_space<hbm>>
    %dma_wait3A_801 = tpu.memref_slice %arg9[%dma_wait3A_794] : memref<2x!tpu.dma_semaphore, #tpu.memory_space<semaphore_mem>> -> memref<1x!tpu.dma_semaphore, #tpu.memory_space<semaphore_mem>>
    %dma_wait3A_802 = tpu.memref_squeeze %dma_wait3A_801 : memref<1x!tpu.dma_semaphore, #tpu.memory_space<semaphore_mem>> -> memref<!tpu.dma_semaphore, #tpu.memory_space<semaphore_mem>>
    %dma_wait3A_803 = arith.constant 0 : i32
    %dma_wait3A_804 = arith.constant 0 : i32
    %dma_wait3A_805 = tpu.memref_slice %arg6[%dma_wait3A_793, %dma_wait3A_803, %dma_wait3A_804] : memref<2x16x1024xf32, #tpu.memory_space<vmem>> -> memref<1x16x1024xf32, #tpu.memory_space<vmem>>
    %dma_wait3A_806 = tpu.memref_squeeze %dma_wait3A_805 : memref<1x16x1024xf32, #tpu.memory_space<vmem>> -> memref<16x1024xf32, #tpu.memory_space<vmem>>
    %dma_wait3A_807 = arith.constant 0 : i32
    %dma_wait3A_808 = tpu.memref_slice %arg3[%add3A_410, %dma_wait3A_807] : memref<2048x1024xf32, #tpu.memory_space<hbm>> -> memref<16x1024xf32, #tpu.memory_space<hbm>>
    tpu.wait_dma2 semaphore(%dma_wait3A_802 : memref<!tpu.dma_semaphore, #tpu.memory_space<semaphore_mem>>) src(%dma_wait3A_808 : memref<16x1024xf32, #tpu.memory_space<hbm>>) dst(%dma_wait3A_806 : memref<16x1024xf32, #tpu.memory_space<vmem>>)
    %dma_wait3A_809 = arith.constant 0 : i32
    %dma_wait3A_810 = arith.constant 3 : i32
    %dma_wait3A_811 = arith.constant 3 : i32
    %dma_wait3A_812 = arith.constant 0 : i32
    %dma_wait3A_813 = arith.constant 0 : i32
    %dma_wait3A_814 = tpu.memref_slice %arg5[%dma_wait3A_810, %dma_wait3A_812, %dma_wait3A_813] : memref<5x16x1024xf32, #tpu.memory_space<vmem>> -> memref<1x16x1024xf32, #tpu.memory_space<vmem>>
    %dma_wait3A_815 = tpu.memref_squeeze %dma_wait3A_814 : memref<1x16x1024xf32, #tpu.memory_space<vmem>> -> memref<16x1024xf32, #tpu.memory_space<vmem>>
    %dma_wait3A_816 = arith.constant 0 : i32
    %dma_wait3A_817 = tpu.memref_slice %arg2[%dma_wait3A_809, %add3A_565, %dma_wait3A_816] : memref<4x2048x1024xf32, #tpu.memory_space<hbm>> -> memref<1x16x1024xf32, #tpu.memory_space<hbm>>
    %dma_wait3A_818 = tpu.memref_squeeze %dma_wait3A_817 : memref<1x16x1024xf32, #tpu.memory_space<hbm>> -> memref<16x1024xf32, #tpu.memory_space<hbm>>
    %dma_wait3A_819 = tpu.memref_slice %arg7[%dma_wait3A_811] : memref<5x!tpu.dma_semaphore, #tpu.memory_space<semaphore_mem>> -> memref<1x!tpu.dma_semaphore, #tpu.memory_space<semaphore_mem>>
    %dma_wait3A_820 = tpu.memref_squeeze %dma_wait3A_819 : memref<1x!tpu.dma_semaphore, #tpu.memory_space<semaphore_mem>> -> memref<!tpu.dma_semaphore, #tpu.memory_space<semaphore_mem>>
    %dma_wait3A_821 = arith.constant 0 : i32
    %dma_wait3A_822 = arith.constant 0 : i32
    %dma_wait3A_823 = tpu.memref_slice %arg5[%dma_wait3A_810, %dma_wait3A_821, %dma_wait3A_822] : memref<5x16x1024xf32, #tpu.memory_space<vmem>> -> memref<1x16x1024xf32, #tpu.memory_space<vmem>>
    %dma_wait3A_824 = tpu.memref_squeeze %dma_wait3A_823 : memref<1x16x1024xf32, #tpu.memory_space<vmem>> -> memref<16x1024xf32, #tpu.memory_space<vmem>>
    %dma_wait3A_825 = arith.constant 0 : i32
    %dma_wait3A_826 = tpu.memref_slice %arg2[%dma_wait3A_809, %add3A_565, %dma_wait3A_825] : memref<4x2048x1024xf32, #tpu.memory_space<hbm>> -> memref<1x16x1024xf32, #tpu.memory_space<hbm>>
    %dma_wait3A_827 = tpu.memref_squeeze %dma_wait3A_826 : memref<1x16x1024xf32, #tpu.memory_space<hbm>> -> memref<16x1024xf32, #tpu.memory_space<hbm>>
    tpu.wait_dma2 semaphore(%dma_wait3A_820 : memref<!tpu.dma_semaphore, #tpu.memory_space<semaphore_mem>>) src(%dma_wait3A_827 : memref<16x1024xf32, #tpu.memory_space<hbm>>) dst(%dma_wait3A_824 : memref<16x1024xf32, #tpu.memory_space<vmem>>)
    %dma_wait3A_828 = arith.constant 1 : i32
    %dma_wait3A_829 = arith.constant 2 : i32
    %dma_wait3A_830 = arith.constant 1 : i32
    %dma_wait3A_831 = arith.constant 0 : i32
    %dma_wait3A_832 = arith.constant 0 : i32
    %dma_wait3A_833 = tpu.memref_slice %arg5[%dma_wait3A_828, %dma_wait3A_831, %dma_wait3A_832] : memref<5x16x1024xf32, #tpu.memory_space<vmem>> -> memref<1x16x1024xf32, #tpu.memory_space<vmem>>
    %dma_wait3A_834 = tpu.memref_squeeze %dma_wait3A_833 : memref<1x16x1024xf32, #tpu.memory_space<vmem>> -> memref<16x1024xf32, #tpu.memory_space<vmem>>
    %dma_wait3A_835 = arith.constant 0 : i32
    %dma_wait3A_836 = tpu.memref_slice %arg4[%dma_wait3A_829, %add3A_672, %dma_wait3A_835] : memref<4x2048x1024xf32, #tpu.memory_space<hbm>> -> memref<1x16x1024xf32, #tpu.memory_space<hbm>>
    %dma_wait3A_837 = tpu.memref_squeeze %dma_wait3A_836 : memref<1x16x1024xf32, #tpu.memory_space<hbm>> -> memref<16x1024xf32, #tpu.memory_space<hbm>>
    %dma_wait3A_838 = tpu.memref_slice %arg8[%dma_wait3A_830] : memref<5x!tpu.dma_semaphore, #tpu.memory_space<semaphore_mem>> -> memref<1x!tpu.dma_semaphore, #tpu.memory_space<semaphore_mem>>
    %dma_wait3A_839 = tpu.memref_squeeze %dma_wait3A_838 : memref<1x!tpu.dma_semaphore, #tpu.memory_space<semaphore_mem>> -> memref<!tpu.dma_semaphore, #tpu.memory_space<semaphore_mem>>
    %dma_wait3A_840 = arith.constant 0 : i32
    %dma_wait3A_841 = tpu.memref_slice %arg4[%dma_wait3A_829, %add3A_672, %dma_wait3A_840] : memref<4x2048x1024xf32, #tpu.memory_space<hbm>> -> memref<1x16x1024xf32, #tpu.memory_space<hbm>>
    %dma_wait3A_842 = tpu.memref_squeeze %dma_wait3A_841 : memref<1x16x1024xf32, #tpu.memory_space<hbm>> -> memref<16x1024xf32, #tpu.memory_space<hbm>>
    %dma_wait3A_843 = arith.constant 0 : i32
    %dma_wait3A_844 = arith.constant 0 : i32
    %dma_wait3A_845 = tpu.memref_slice %arg5[%dma_wait3A_828, %dma_wait3A_843, %dma_wait3A_844] : memref<5x16x1024xf32, #tpu.memory_space<vmem>> -> memref<1x16x1024xf32, #tpu.memory_space<vmem>>
    %dma_wait3A_846 = tpu.memref_squeeze %dma_wait3A_845 : memref<1x16x1024xf32, #tpu.memory_space<vmem>> -> memref<16x1024xf32, #tpu.memory_space<vmem>>
    tpu.wait_dma2 semaphore(%dma_wait3A_839 : memref<!tpu.dma_semaphore, #tpu.memory_space<semaphore_mem>>) src(%dma_wait3A_846 : memref<16x1024xf32, #tpu.memory_space<vmem>>) dst(%dma_wait3A_842 : memref<16x1024xf32, #tpu.memory_space<hbm>>)
    %add3A_847 = arith.constant 32 : i32
    %add3A_848 = arith.addi %mul3A_2, %add3A_847 : i32
    %dma_start3A_849 = arith.constant 3 : i32
    %dma_start3A_850 = arith.constant 1 : i32
    %dma_start3A_851 = arith.constant 1 : i32
    %dma_start3A_852 = arith.constant 0 : i32
    %dma_start3A_853 = arith.constant 0 : i32
    %dma_start3A_854 = tpu.memref_slice %arg5[%dma_start3A_850, %dma_start3A_852, %dma_start3A_853] : memref<5x16x1024xf32, #tpu.memory_space<vmem>> -> memref<1x16x1024xf32, #tpu.memory_space<vmem>>
    %dma_start3A_855 = tpu.memref_squeeze %dma_start3A_854 : memref<1x16x1024xf32, #tpu.memory_space<vmem>> -> memref<16x1024xf32, #tpu.memory_space<vmem>>
    %dma_start3A_856 = arith.constant 0 : i32
    %dma_start3A_857 = tpu.memref_slice %arg2[%dma_start3A_849, %add3A_848, %dma_start3A_856] : memref<4x2048x1024xf32, #tpu.memory_space<hbm>> -> memref<1x16x1024xf32, #tpu.memory_space<hbm>>
    %dma_start3A_858 = tpu.memref_squeeze %dma_start3A_857 : memref<1x16x1024xf32, #tpu.memory_space<hbm>> -> memref<16x1024xf32, #tpu.memory_space<hbm>>
    %dma_start3A_859 = tpu.memref_slice %arg7[%dma_start3A_851] : memref<5x!tpu.dma_semaphore, #tpu.memory_space<semaphore_mem>> -> memref<1x!tpu.dma_semaphore, #tpu.memory_space<semaphore_mem>>
    %dma_start3A_860 = tpu.memref_squeeze %dma_start3A_859 : memref<1x!tpu.dma_semaphore, #tpu.memory_space<semaphore_mem>> -> memref<!tpu.dma_semaphore, #tpu.memory_space<semaphore_mem>>
    %dma_start3A_861 = arith.constant 0 : i32
    %dma_start3A_862 = arith.constant 0 : i32
    %dma_start3A_863 = tpu.memref_slice %arg5[%dma_start3A_850, %dma_start3A_861, %dma_start3A_862] : memref<5x16x1024xf32, #tpu.memory_space<vmem>> -> memref<1x16x1024xf32, #tpu.memory_space<vmem>>
    %dma_start3A_864 = tpu.memref_squeeze %dma_start3A_863 : memref<1x16x1024xf32, #tpu.memory_space<vmem>> -> memref<16x1024xf32, #tpu.memory_space<vmem>>
    %dma_start3A_865 = arith.constant 0 : i32
    %dma_start3A_866 = tpu.memref_slice %arg2[%dma_start3A_849, %add3A_848, %dma_start3A_865] : memref<4x2048x1024xf32, #tpu.memory_space<hbm>> -> memref<1x16x1024xf32, #tpu.memory_space<hbm>>
    %dma_start3A_867 = tpu.memref_squeeze %dma_start3A_866 : memref<1x16x1024xf32, #tpu.memory_space<hbm>> -> memref<16x1024xf32, #tpu.memory_space<hbm>>
    tpu.enqueue_dma source(%dma_start3A_867 : memref<16x1024xf32, #tpu.memory_space<hbm>>) target(%dma_start3A_864 : memref<16x1024xf32, #tpu.memory_space<vmem>>) target_semaphore(%dma_start3A_860 : memref<!tpu.dma_semaphore, #tpu.memory_space<semaphore_mem>>)
    %parallel_loop3A_868 = arith.constant 0 : i32
    %parallel_loop3A_869 = arith.constant 1024 : i32
    %parallel_loop3A_870 = arith.constant 1 : i32
    scf.for %parallel_loop3A_1464 = %parallel_loop3A_868 to %parallel_loop3A_869 step %parallel_loop3A_870  : i32 {
      %parallel_loop3A_1465 = arith.constant 6 : i32
      %parallel_loop3A_1466 = arith.shrsi %parallel_loop3A_1464, %parallel_loop3A_1465 : i32
      %parallel_loop3A_1467 = arith.constant 63 : i32
      %parallel_loop3A_1468 = arith.andi %parallel_loop3A_1464, %parallel_loop3A_1467 : i32
      %parallel_loop3A_1469 = arith.constant 16 : i32
      %parallel_loop3A_1470 = arith.muli %parallel_loop3A_1468, %parallel_loop3A_1469 : i32
      %parallel_loop3A_1471 = arith.constant 0 : i32
      %parallel_loop3A_1472 = arith.index_cast %parallel_loop3A_1471 : i32 to index
      %parallel_loop3A_1473 = arith.index_cast %parallel_loop3A_1466 : i32 to index
      %parallel_loop3A_1474 = arith.index_cast %parallel_loop3A_1470 : i32 to index
      %parallel_loop3A_1475 = tpu.vector_load %arg6[%parallel_loop3A_1472, %parallel_loop3A_1473, %parallel_loop3A_1474] {strides = array<i32>} : memref<2x16x1024xf32, #tpu.memory_space<vmem>>, vector<1x1x16xf32>,
      %parallel_loop3A_1476 = vector.shape_cast %parallel_loop3A_1475 : vector<1x1x16xf32> to vector<16xf32>
      %parallel_loop3A_1477 = arith.constant 3 : i32
      %parallel_loop3A_1478 = arith.index_cast %parallel_loop3A_1477 : i32 to index
      %parallel_loop3A_1479 = arith.index_cast %parallel_loop3A_1466 : i32 to index
      %parallel_loop3A_1480 = arith.index_cast %parallel_loop3A_1470 : i32 to index
      %parallel_loop3A_1481 = tpu.vector_load %arg5[%parallel_loop3A_1478, %parallel_loop3A_1479, %parallel_loop3A_1480] {strides = array<i32>} : memref<5x16x1024xf32, #tpu.memory_space<vmem>>, vector<1x1x16xf32>,
      %parallel_loop3A_1482 = vector.shape_cast %parallel_loop3A_1481 : vector<1x1x16xf32> to vector<16xf32>
      %parallel_loop3A_1483 = vector.shape_cast %parallel_loop3A_1476 : vector<16xf32> to vector<1x1x16xf32>
      tpu.vector_store %arg5[%parallel_loop3A_1478, %parallel_loop3A_1479, %parallel_loop3A_1480], %parallel_loop3A_1483 {add = true, strides = array<i32>} : memref<5x16x1024xf32, #tpu.memory_space<vmem>>, vector<1x1x16xf32>,
    } {sc.loop_unroll_factor = 8 : i64, sc.parallel_access}
    %add3A_871 = arith.constant 32 : i32
    %add3A_872 = arith.addi %mul3A_2, %add3A_871 : i32
    %dma_start3A_873 = arith.constant 3 : i32
    %dma_start3A_874 = arith.constant 0 : i32
    %dma_start3A_875 = arith.constant 3 : i32
    %dma_start3A_876 = arith.constant 0 : i32
    %dma_start3A_877 = arith.constant 0 : i32
    %dma_start3A_878 = tpu.memref_slice %arg5[%dma_start3A_873, %dma_start3A_876, %dma_start3A_877] : memref<5x16x1024xf32, #tpu.memory_space<vmem>> -> memref<1x16x1024xf32, #tpu.memory_space<vmem>>
    %dma_start3A_879 = tpu.memref_squeeze %dma_start3A_878 : memref<1x16x1024xf32, #tpu.memory_space<vmem>> -> memref<16x1024xf32, #tpu.memory_space<vmem>>
    %dma_start3A_880 = arith.constant 0 : i32
    %dma_start3A_881 = tpu.memref_slice %arg4[%dma_start3A_874, %add3A_872, %dma_start3A_880] : memref<4x2048x1024xf32, #tpu.memory_space<hbm>> -> memref<1x16x1024xf32, #tpu.memory_space<hbm>>
    %dma_start3A_882 = tpu.memref_squeeze %dma_start3A_881 : memref<1x16x1024xf32, #tpu.memory_space<hbm>> -> memref<16x1024xf32, #tpu.memory_space<hbm>>
    %dma_start3A_883 = tpu.memref_slice %arg8[%dma_start3A_875] : memref<5x!tpu.dma_semaphore, #tpu.memory_space<semaphore_mem>> -> memref<1x!tpu.dma_semaphore, #tpu.memory_space<semaphore_mem>>
    %dma_start3A_884 = tpu.memref_squeeze %dma_start3A_883 : memref<1x!tpu.dma_semaphore, #tpu.memory_space<semaphore_mem>> -> memref<!tpu.dma_semaphore, #tpu.memory_space<semaphore_mem>>
    %dma_start3A_885 = arith.constant 0 : i32
    %dma_start3A_886 = tpu.memref_slice %arg4[%dma_start3A_874, %add3A_872, %dma_start3A_885] : memref<4x2048x1024xf32, #tpu.memory_space<hbm>> -> memref<1x16x1024xf32, #tpu.memory_space<hbm>>
    %dma_start3A_887 = tpu.memref_squeeze %dma_start3A_886 : memref<1x16x1024xf32, #tpu.memory_space<hbm>> -> memref<16x1024xf32, #tpu.memory_space<hbm>>
    %dma_start3A_888 = arith.constant 0 : i32
    %dma_start3A_889 = arith.constant 0 : i32
    %dma_start3A_890 = tpu.memref_slice %arg5[%dma_start3A_873, %dma_start3A_888, %dma_start3A_889] : memref<5x16x1024xf32, #tpu.memory_space<vmem>> -> memref<1x16x1024xf32, #tpu.memory_space<vmem>>
    %dma_start3A_891 = tpu.memref_squeeze %dma_start3A_890 : memref<1x16x1024xf32, #tpu.memory_space<vmem>> -> memref<16x1024xf32, #tpu.memory_space<vmem>>
    tpu.enqueue_dma source(%dma_start3A_891 : memref<16x1024xf32, #tpu.memory_space<vmem>>) target(%dma_start3A_887 : memref<16x1024xf32, #tpu.memory_space<hbm>>) target_semaphore(%dma_start3A_884 : memref<!tpu.dma_semaphore, #tpu.memory_space<semaphore_mem>>)
    %dma_wait3A_892 = arith.constant 1 : i32
    %dma_wait3A_893 = arith.constant 4 : i32
    %dma_wait3A_894 = arith.constant 4 : i32
    %dma_wait3A_895 = arith.constant 0 : i32
    %dma_wait3A_896 = arith.constant 0 : i32
    %dma_wait3A_897 = tpu.memref_slice %arg5[%dma_wait3A_893, %dma_wait3A_895, %dma_wait3A_896] : memref<5x16x1024xf32, #tpu.memory_space<vmem>> -> memref<1x16x1024xf32, #tpu.memory_space<vmem>>
    %dma_wait3A_898 = tpu.memref_squeeze %dma_wait3A_897 : memref<1x16x1024xf32, #tpu.memory_space<vmem>> -> memref<16x1024xf32, #tpu.memory_space<vmem>>
    %dma_wait3A_899 = arith.constant 0 : i32
    %dma_wait3A_900 = tpu.memref_slice %arg2[%dma_wait3A_892, %add3A_648, %dma_wait3A_899] : memref<4x2048x1024xf32, #tpu.memory_space<hbm>> -> memref<1x16x1024xf32, #tpu.memory_space<hbm>>
    %dma_wait3A_901 = tpu.memref_squeeze %dma_wait3A_900 : memref<1x16x1024xf32, #tpu.memory_space<hbm>> -> memref<16x1024xf32, #tpu.memory_space<hbm>>
    %dma_wait3A_902 = tpu.memref_slice %arg7[%dma_wait3A_894] : memref<5x!tpu.dma_semaphore, #tpu.memory_space<semaphore_mem>> -> memref<1x!tpu.dma_semaphore, #tpu.memory_space<semaphore_mem>>
    %dma_wait3A_903 = tpu.memref_squeeze %dma_wait3A_902 : memref<1x!tpu.dma_semaphore, #tpu.memory_space<semaphore_mem>> -> memref<!tpu.dma_semaphore, #tpu.memory_space<semaphore_mem>>
    %dma_wait3A_904 = arith.constant 0 : i32
    %dma_wait3A_905 = arith.constant 0 : i32
    %dma_wait3A_906 = tpu.memref_slice %arg5[%dma_wait3A_893, %dma_wait3A_904, %dma_wait3A_905] : memref<5x16x1024xf32, #tpu.memory_space<vmem>> -> memref<1x16x1024xf32, #tpu.memory_space<vmem>>
    %dma_wait3A_907 = tpu.memref_squeeze %dma_wait3A_906 : memref<1x16x1024xf32, #tpu.memory_space<vmem>> -> memref<16x1024xf32, #tpu.memory_space<vmem>>
    %dma_wait3A_908 = arith.constant 0 : i32
    %dma_wait3A_909 = tpu.memref_slice %arg2[%dma_wait3A_892, %add3A_648, %dma_wait3A_908] : memref<4x2048x1024xf32, #tpu.memory_space<hbm>> -> memref<1x16x1024xf32, #tpu.memory_space<hbm>>
    %dma_wait3A_910 = tpu.memref_squeeze %dma_wait3A_909 : memref<1x16x1024xf32, #tpu.memory_space<hbm>> -> memref<16x1024xf32, #tpu.memory_space<hbm>>
    tpu.wait_dma2 semaphore(%dma_wait3A_903 : memref<!tpu.dma_semaphore, #tpu.memory_space<semaphore_mem>>) src(%dma_wait3A_910 : memref<16x1024xf32, #tpu.memory_space<hbm>>) dst(%dma_wait3A_907 : memref<16x1024xf32, #tpu.memory_space<vmem>>)
    %dma_wait3A_911 = arith.constant 2 : i32
    %dma_wait3A_912 = arith.constant 3 : i32
    %dma_wait3A_913 = arith.constant 2 : i32
    %dma_wait3A_914 = arith.constant 0 : i32
    %dma_wait3A_915 = arith.constant 0 : i32
    %dma_wait3A_916 = tpu.memref_slice %arg5[%dma_wait3A_911, %dma_wait3A_914, %dma_wait3A_915] : memref<5x16x1024xf32, #tpu.memory_space<vmem>> -> memref<1x16x1024xf32, #tpu.memory_space<vmem>>
    %dma_wait3A_917 = tpu.memref_squeeze %dma_wait3A_916 : memref<1x16x1024xf32, #tpu.memory_space<vmem>> -> memref<16x1024xf32, #tpu.memory_space<vmem>>
    %dma_wait3A_918 = arith.constant 0 : i32
    %dma_wait3A_919 = tpu.memref_slice %arg4[%dma_wait3A_912, %add3A_755, %dma_wait3A_918] : memref<4x2048x1024xf32, #tpu.memory_space<hbm>> -> memref<1x16x1024xf32, #tpu.memory_space<hbm>>
    %dma_wait3A_920 = tpu.memref_squeeze %dma_wait3A_919 : memref<1x16x1024xf32, #tpu.memory_space<hbm>> -> memref<16x1024xf32, #tpu.memory_space<hbm>>
    %dma_wait3A_921 = tpu.memref_slice %arg8[%dma_wait3A_913] : memref<5x!tpu.dma_semaphore, #tpu.memory_space<semaphore_mem>> -> memref<1x!tpu.dma_semaphore, #tpu.memory_space<semaphore_mem>>
    %dma_wait3A_922 = tpu.memref_squeeze %dma_wait3A_921 : memref<1x!tpu.dma_semaphore, #tpu.memory_space<semaphore_mem>> -> memref<!tpu.dma_semaphore, #tpu.memory_space<semaphore_mem>>
    %dma_wait3A_923 = arith.constant 0 : i32
    %dma_wait3A_924 = tpu.memref_slice %arg4[%dma_wait3A_912, %add3A_755, %dma_wait3A_923] : memref<4x2048x1024xf32, #tpu.memory_space<hbm>> -> memref<1x16x1024xf32, #tpu.memory_space<hbm>>
    %dma_wait3A_925 = tpu.memref_squeeze %dma_wait3A_924 : memref<1x16x1024xf32, #tpu.memory_space<hbm>> -> memref<16x1024xf32, #tpu.memory_space<hbm>>
    %dma_wait3A_926 = arith.constant 0 : i32
    %dma_wait3A_927 = arith.constant 0 : i32
    %dma_wait3A_928 = tpu.memref_slice %arg5[%dma_wait3A_911, %dma_wait3A_926, %dma_wait3A_927] : memref<5x16x1024xf32, #tpu.memory_space<vmem>> -> memref<1x16x1024xf32, #tpu.memory_space<vmem>>
    %dma_wait3A_929 = tpu.memref_squeeze %dma_wait3A_928 : memref<1x16x1024xf32, #tpu.memory_space<vmem>> -> memref<16x1024xf32, #tpu.memory_space<vmem>>
    tpu.wait_dma2 semaphore(%dma_wait3A_922 : memref<!tpu.dma_semaphore, #tpu.memory_space<semaphore_mem>>) src(%dma_wait3A_929 : memref<16x1024xf32, #tpu.memory_space<vmem>>) dst(%dma_wait3A_925 : memref<16x1024xf32, #tpu.memory_space<hbm>>)
    %add3A_930 = arith.constant 48 : i32
    %add3A_931 = arith.addi %mul3A_2, %add3A_930 : i32
    %dma_start3A_932 = arith.constant 0 : i32
    %dma_start3A_933 = arith.constant 2 : i32
    %dma_start3A_934 = arith.constant 2 : i32
    %dma_start3A_935 = arith.constant 0 : i32
    %dma_start3A_936 = arith.constant 0 : i32
    %dma_start3A_937 = tpu.memref_slice %arg5[%dma_start3A_933, %dma_start3A_935, %dma_start3A_936] : memref<5x16x1024xf32, #tpu.memory_space<vmem>> -> memref<1x16x1024xf32, #tpu.memory_space<vmem>>
    %dma_start3A_938 = tpu.memref_squeeze %dma_start3A_937 : memref<1x16x1024xf32, #tpu.memory_space<vmem>> -> memref<16x1024xf32, #tpu.memory_space<vmem>>
    %dma_start3A_939 = arith.constant 0 : i32
    %dma_start3A_940 = tpu.memref_slice %arg2[%dma_start3A_932, %add3A_931, %dma_start3A_939] : memref<4x2048x1024xf32, #tpu.memory_space<hbm>> -> memref<1x16x1024xf32, #tpu.memory_space<hbm>>
    %dma_start3A_941 = tpu.memref_squeeze %dma_start3A_940 : memref<1x16x1024xf32, #tpu.memory_space<hbm>> -> memref<16x1024xf32, #tpu.memory_space<hbm>>
    %dma_start3A_942 = tpu.memref_slice %arg7[%dma_start3A_934] : memref<5x!tpu.dma_semaphore, #tpu.memory_space<semaphore_mem>> -> memref<1x!tpu.dma_semaphore, #tpu.memory_space<semaphore_mem>>
    %dma_start3A_943 = tpu.memref_squeeze %dma_start3A_942 : memref<1x!tpu.dma_semaphore, #tpu.memory_space<semaphore_mem>> -> memref<!tpu.dma_semaphore, #tpu.memory_space<semaphore_mem>>
    %dma_start3A_944 = arith.constant 0 : i32
    %dma_start3A_945 = arith.constant 0 : i32
    %dma_start3A_946 = tpu.memref_slice %arg5[%dma_start3A_933, %dma_start3A_944, %dma_start3A_945] : memref<5x16x1024xf32, #tpu.memory_space<vmem>> -> memref<1x16x1024xf32, #tpu.memory_space<vmem>>
    %dma_start3A_947 = tpu.memref_squeeze %dma_start3A_946 : memref<1x16x1024xf32, #tpu.memory_space<vmem>> -> memref<16x1024xf32, #tpu.memory_space<vmem>>
    %dma_start3A_948 = arith.constant 0 : i32
    %dma_start3A_949 = tpu.memref_slice %arg2[%dma_start3A_932, %add3A_931, %dma_start3A_948] : memref<4x2048x1024xf32, #tpu.memory_space<hbm>> -> memref<1x16x1024xf32, #tpu.memory_space<hbm>>
    %dma_start3A_950 = tpu.memref_squeeze %dma_start3A_949 : memref<1x16x1024xf32, #tpu.memory_space<hbm>> -> memref<16x1024xf32, #tpu.memory_space<hbm>>
    tpu.enqueue_dma source(%dma_start3A_950 : memref<16x1024xf32, #tpu.memory_space<hbm>>) target(%dma_start3A_947 : memref<16x1024xf32, #tpu.memory_space<vmem>>) target_semaphore(%dma_start3A_943 : memref<!tpu.dma_semaphore, #tpu.memory_space<semaphore_mem>>)
    %parallel_loop3A_951 = arith.constant 0 : i32
    %parallel_loop3A_952 = arith.constant 1024 : i32
    %parallel_loop3A_953 = arith.constant 1 : i32
    scf.for %parallel_loop3A_1464 = %parallel_loop3A_951 to %parallel_loop3A_952 step %parallel_loop3A_953  : i32 {
      %parallel_loop3A_1465 = arith.constant 6 : i32
      %parallel_loop3A_1466 = arith.shrsi %parallel_loop3A_1464, %parallel_loop3A_1465 : i32
      %parallel_loop3A_1467 = arith.constant 63 : i32
      %parallel_loop3A_1468 = arith.andi %parallel_loop3A_1464, %parallel_loop3A_1467 : i32
      %parallel_loop3A_1469 = arith.constant 16 : i32
      %parallel_loop3A_1470 = arith.muli %parallel_loop3A_1468, %parallel_loop3A_1469 : i32
      %parallel_loop3A_1471 = arith.constant 0 : i32
      %parallel_loop3A_1472 = arith.index_cast %parallel_loop3A_1471 : i32 to index
      %parallel_loop3A_1473 = arith.index_cast %parallel_loop3A_1466 : i32 to index
      %parallel_loop3A_1474 = arith.index_cast %parallel_loop3A_1470 : i32 to index
      %parallel_loop3A_1475 = tpu.vector_load %arg6[%parallel_loop3A_1472, %parallel_loop3A_1473, %parallel_loop3A_1474] {strides = array<i32>} : memref<2x16x1024xf32, #tpu.memory_space<vmem>>, vector<1x1x16xf32>,
      %parallel_loop3A_1476 = vector.shape_cast %parallel_loop3A_1475 : vector<1x1x16xf32> to vector<16xf32>
      %parallel_loop3A_1477 = arith.constant 4 : i32
      %parallel_loop3A_1478 = arith.index_cast %parallel_loop3A_1477 : i32 to index
      %parallel_loop3A_1479 = arith.index_cast %parallel_loop3A_1466 : i32 to index
      %parallel_loop3A_1480 = arith.index_cast %parallel_loop3A_1470 : i32 to index
      %parallel_loop3A_1481 = tpu.vector_load %arg5[%parallel_loop3A_1478, %parallel_loop3A_1479, %parallel_loop3A_1480] {strides = array<i32>} : memref<5x16x1024xf32, #tpu.memory_space<vmem>>, vector<1x1x16xf32>,
      %parallel_loop3A_1482 = vector.shape_cast %parallel_loop3A_1481 : vector<1x1x16xf32> to vector<16xf32>
      %parallel_loop3A_1483 = vector.shape_cast %parallel_loop3A_1476 : vector<16xf32> to vector<1x1x16xf32>
      tpu.vector_store %arg5[%parallel_loop3A_1478, %parallel_loop3A_1479, %parallel_loop3A_1480], %parallel_loop3A_1483 {add = true, strides = array<i32>} : memref<5x16x1024xf32, #tpu.memory_space<vmem>>, vector<1x1x16xf32>,
    } {sc.loop_unroll_factor = 8 : i64, sc.parallel_access}
    %add3A_954 = arith.constant 32 : i32
    %add3A_955 = arith.addi %mul3A_2, %add3A_954 : i32
    %dma_start3A_956 = arith.constant 4 : i32
    %dma_start3A_957 = arith.constant 1 : i32
    %dma_start3A_958 = arith.constant 4 : i32
    %dma_start3A_959 = arith.constant 0 : i32
    %dma_start3A_960 = arith.constant 0 : i32
    %dma_start3A_961 = tpu.memref_slice %arg5[%dma_start3A_956, %dma_start3A_959, %dma_start3A_960] : memref<5x16x1024xf32, #tpu.memory_space<vmem>> -> memref<1x16x1024xf32, #tpu.memory_space<vmem>>
    %dma_start3A_962 = tpu.memref_squeeze %dma_start3A_961 : memref<1x16x1024xf32, #tpu.memory_space<vmem>> -> memref<16x1024xf32, #tpu.memory_space<vmem>>
    %dma_start3A_963 = arith.constant 0 : i32
    %dma_start3A_964 = tpu.memref_slice %arg4[%dma_start3A_957, %add3A_955, %dma_start3A_963] : memref<4x2048x1024xf32, #tpu.memory_space<hbm>> -> memref<1x16x1024xf32, #tpu.memory_space<hbm>>
    %dma_start3A_965 = tpu.memref_squeeze %dma_start3A_964 : memref<1x16x1024xf32, #tpu.memory_space<hbm>> -> memref<16x1024xf32, #tpu.memory_space<hbm>>
    %dma_start3A_966 = tpu.memref_slice %arg8[%dma_start3A_958] : memref<5x!tpu.dma_semaphore, #tpu.memory_space<semaphore_mem>> -> memref<1x!tpu.dma_semaphore, #tpu.memory_space<semaphore_mem>>
    %dma_start3A_967 = tpu.memref_squeeze %dma_start3A_966 : memref<1x!tpu.dma_semaphore, #tpu.memory_space<semaphore_mem>> -> memref<!tpu.dma_semaphore, #tpu.memory_space<semaphore_mem>>
    %dma_start3A_968 = arith.constant 0 : i32
    %dma_start3A_969 = tpu.memref_slice %arg4[%dma_start3A_957, %add3A_955, %dma_start3A_968] : memref<4x2048x1024xf32, #tpu.memory_space<hbm>> -> memref<1x16x1024xf32, #tpu.memory_space<hbm>>
    %dma_start3A_970 = tpu.memref_squeeze %dma_start3A_969 : memref<1x16x1024xf32, #tpu.memory_space<hbm>> -> memref<16x1024xf32, #tpu.memory_space<hbm>>
    %dma_start3A_971 = arith.constant 0 : i32
    %dma_start3A_972 = arith.constant 0 : i32
    %dma_start3A_973 = tpu.memref_slice %arg5[%dma_start3A_956, %dma_start3A_971, %dma_start3A_972] : memref<5x16x1024xf32, #tpu.memory_space<vmem>> -> memref<1x16x1024xf32, #tpu.memory_space<vmem>>
    %dma_start3A_974 = tpu.memref_squeeze %dma_start3A_973 : memref<1x16x1024xf32, #tpu.memory_space<vmem>> -> memref<16x1024xf32, #tpu.memory_space<vmem>>
    tpu.enqueue_dma source(%dma_start3A_974 : memref<16x1024xf32, #tpu.memory_space<vmem>>) target(%dma_start3A_970 : memref<16x1024xf32, #tpu.memory_space<hbm>>) target_semaphore(%dma_start3A_967 : memref<!tpu.dma_semaphore, #tpu.memory_space<semaphore_mem>>)
    %dma_wait3A_975 = arith.constant 2 : i32
    %dma_wait3A_976 = arith.constant 0 : i32
    %dma_wait3A_977 = arith.constant 0 : i32
    %dma_wait3A_978 = arith.constant 0 : i32
    %dma_wait3A_979 = arith.constant 0 : i32
    %dma_wait3A_980 = tpu.memref_slice %arg5[%dma_wait3A_976, %dma_wait3A_978, %dma_wait3A_979] : memref<5x16x1024xf32, #tpu.memory_space<vmem>> -> memref<1x16x1024xf32, #tpu.memory_space<vmem>>
    %dma_wait3A_981 = tpu.memref_squeeze %dma_wait3A_980 : memref<1x16x1024xf32, #tpu.memory_space<vmem>> -> memref<16x1024xf32, #tpu.memory_space<vmem>>
    %dma_wait3A_982 = arith.constant 0 : i32
    %dma_wait3A_983 = tpu.memref_slice %arg2[%dma_wait3A_975, %add3A_731, %dma_wait3A_982] : memref<4x2048x1024xf32, #tpu.memory_space<hbm>> -> memref<1x16x1024xf32, #tpu.memory_space<hbm>>
    %dma_wait3A_984 = tpu.memref_squeeze %dma_wait3A_983 : memref<1x16x1024xf32, #tpu.memory_space<hbm>> -> memref<16x1024xf32, #tpu.memory_space<hbm>>
    %dma_wait3A_985 = tpu.memref_slice %arg7[%dma_wait3A_977] : memref<5x!tpu.dma_semaphore, #tpu.memory_space<semaphore_mem>> -> memref<1x!tpu.dma_semaphore, #tpu.memory_space<semaphore_mem>>
    %dma_wait3A_986 = tpu.memref_squeeze %dma_wait3A_985 : memref<1x!tpu.dma_semaphore, #tpu.memory_space<semaphore_mem>> -> memref<!tpu.dma_semaphore, #tpu.memory_space<semaphore_mem>>
    %dma_wait3A_987 = arith.constant 0 : i32
    %dma_wait3A_988 = arith.constant 0 : i32
    %dma_wait3A_989 = tpu.memref_slice %arg5[%dma_wait3A_976, %dma_wait3A_987, %dma_wait3A_988] : memref<5x16x1024xf32, #tpu.memory_space<vmem>> -> memref<1x16x1024xf32, #tpu.memory_space<vmem>>
    %dma_wait3A_990 = tpu.memref_squeeze %dma_wait3A_989 : memref<1x16x1024xf32, #tpu.memory_space<vmem>> -> memref<16x1024xf32, #tpu.memory_space<vmem>>
    %dma_wait3A_991 = arith.constant 0 : i32
    %dma_wait3A_992 = tpu.memref_slice %arg2[%dma_wait3A_975, %add3A_731, %dma_wait3A_991] : memref<4x2048x1024xf32, #tpu.memory_space<hbm>> -> memref<1x16x1024xf32, #tpu.memory_space<hbm>>
    %dma_wait3A_993 = tpu.memref_squeeze %dma_wait3A_992 : memref<1x16x1024xf32, #tpu.memory_space<hbm>> -> memref<16x1024xf32, #tpu.memory_space<hbm>>
    tpu.wait_dma2 semaphore(%dma_wait3A_986 : memref<!tpu.dma_semaphore, #tpu.memory_space<semaphore_mem>>) src(%dma_wait3A_993 : memref<16x1024xf32, #tpu.memory_space<hbm>>) dst(%dma_wait3A_990 : memref<16x1024xf32, #tpu.memory_space<vmem>>)
    %dma_wait3A_994 = arith.constant 3 : i32
    %dma_wait3A_995 = arith.constant 0 : i32
    %dma_wait3A_996 = arith.constant 3 : i32
    %dma_wait3A_997 = arith.constant 0 : i32
    %dma_wait3A_998 = arith.constant 0 : i32
    %dma_wait3A_999 = tpu.memref_slice %arg5[%dma_wait3A_994, %dma_wait3A_997, %dma_wait3A_998] : memref<5x16x1024xf32, #tpu.memory_space<vmem>> -> memref<1x16x1024xf32, #tpu.memory_space<vmem>>
    %dma_wait3A_1000 = tpu.memref_squeeze %dma_wait3A_999 : memref<1x16x1024xf32, #tpu.memory_space<vmem>> -> memref<16x1024xf32, #tpu.memory_space<vmem>>
    %dma_wait3A_1001 = arith.constant 0 : i32
    %dma_wait3A_1002 = tpu.memref_slice %arg4[%dma_wait3A_995, %add3A_872, %dma_wait3A_1001] : memref<4x2048x1024xf32, #tpu.memory_space<hbm>> -> memref<1x16x1024xf32, #tpu.memory_space<hbm>>
    %dma_wait3A_1003 = tpu.memref_squeeze %dma_wait3A_1002 : memref<1x16x1024xf32, #tpu.memory_space<hbm>> -> memref<16x1024xf32, #tpu.memory_space<hbm>>
    %dma_wait3A_1004 = tpu.memref_slice %arg8[%dma_wait3A_996] : memref<5x!tpu.dma_semaphore, #tpu.memory_space<semaphore_mem>> -> memref<1x!tpu.dma_semaphore, #tpu.memory_space<semaphore_mem>>
    %dma_wait3A_1005 = tpu.memref_squeeze %dma_wait3A_1004 : memref<1x!tpu.dma_semaphore, #tpu.memory_space<semaphore_mem>> -> memref<!tpu.dma_semaphore, #tpu.memory_space<semaphore_mem>>
    %dma_wait3A_1006 = arith.constant 0 : i32
    %dma_wait3A_1007 = tpu.memref_slice %arg4[%dma_wait3A_995, %add3A_872, %dma_wait3A_1006] : memref<4x2048x1024xf32, #tpu.memory_space<hbm>> -> memref<1x16x1024xf32, #tpu.memory_space<hbm>>
    %dma_wait3A_1008 = tpu.memref_squeeze %dma_wait3A_1007 : memref<1x16x1024xf32, #tpu.memory_space<hbm>> -> memref<16x1024xf32, #tpu.memory_space<hbm>>
    %dma_wait3A_1009 = arith.constant 0 : i32
    %dma_wait3A_1010 = arith.constant 0 : i32
    %dma_wait3A_1011 = tpu.memref_slice %arg5[%dma_wait3A_994, %dma_wait3A_1009, %dma_wait3A_1010] : memref<5x16x1024xf32, #tpu.memory_space<vmem>> -> memref<1x16x1024xf32, #tpu.memory_space<vmem>>
    %dma_wait3A_1012 = tpu.memref_squeeze %dma_wait3A_1011 : memref<1x16x1024xf32, #tpu.memory_space<vmem>> -> memref<16x1024xf32, #tpu.memory_space<vmem>>
    tpu.wait_dma2 semaphore(%dma_wait3A_1005 : memref<!tpu.dma_semaphore, #tpu.memory_space<semaphore_mem>>) src(%dma_wait3A_1012 : memref<16x1024xf32, #tpu.memory_space<vmem>>) dst(%dma_wait3A_1008 : memref<16x1024xf32, #tpu.memory_space<hbm>>)
    %add3A_1013 = arith.constant 48 : i32
    %add3A_1014 = arith.addi %mul3A_2, %add3A_1013 : i32
    %dma_start3A_1015 = arith.constant 1 : i32
    %dma_start3A_1016 = arith.constant 3 : i32
    %dma_start3A_1017 = arith.constant 3 : i32
    %dma_start3A_1018 = arith.constant 0 : i32
    %dma_start3A_1019 = arith.constant 0 : i32
    %dma_start3A_1020 = tpu.memref_slice %arg5[%dma_start3A_1016, %dma_start3A_1018, %dma_start3A_1019] : memref<5x16x1024xf32, #tpu.memory_space<vmem>> -> memref<1x16x1024xf32, #tpu.memory_space<vmem>>
    %dma_start3A_1021 = tpu.memref_squeeze %dma_start3A_1020 : memref<1x16x1024xf32, #tpu.memory_space<vmem>> -> memref<16x1024xf32, #tpu.memory_space<vmem>>
    %dma_start3A_1022 = arith.constant 0 : i32
    %dma_start3A_1023 = tpu.memref_slice %arg2[%dma_start3A_1015, %add3A_1014, %dma_start3A_1022] : memref<4x2048x1024xf32, #tpu.memory_space<hbm>> -> memref<1x16x1024xf32, #tpu.memory_space<hbm>>
    %dma_start3A_1024 = tpu.memref_squeeze %dma_start3A_1023 : memref<1x16x1024xf32, #tpu.memory_space<hbm>> -> memref<16x1024xf32, #tpu.memory_space<hbm>>
    %dma_start3A_1025 = tpu.memref_slice %arg7[%dma_start3A_1017] : memref<5x!tpu.dma_semaphore, #tpu.memory_space<semaphore_mem>> -> memref<1x!tpu.dma_semaphore, #tpu.memory_space<semaphore_mem>>
    %dma_start3A_1026 = tpu.memref_squeeze %dma_start3A_1025 : memref<1x!tpu.dma_semaphore, #tpu.memory_space<semaphore_mem>> -> memref<!tpu.dma_semaphore, #tpu.memory_space<semaphore_mem>>
    %dma_start3A_1027 = arith.constant 0 : i32
    %dma_start3A_1028 = arith.constant 0 : i32
    %dma_start3A_1029 = tpu.memref_slice %arg5[%dma_start3A_1016, %dma_start3A_1027, %dma_start3A_1028] : memref<5x16x1024xf32, #tpu.memory_space<vmem>> -> memref<1x16x1024xf32, #tpu.memory_space<vmem>>
    %dma_start3A_1030 = tpu.memref_squeeze %dma_start3A_1029 : memref<1x16x1024xf32, #tpu.memory_space<vmem>> -> memref<16x1024xf32, #tpu.memory_space<vmem>>
    %dma_start3A_1031 = arith.constant 0 : i32
    %dma_start3A_1032 = tpu.memref_slice %arg2[%dma_start3A_1015, %add3A_1014, %dma_start3A_1031] : memref<4x2048x1024xf32, #tpu.memory_space<hbm>> -> memref<1x16x1024xf32, #tpu.memory_space<hbm>>
    %dma_start3A_1033 = tpu.memref_squeeze %dma_start3A_1032 : memref<1x16x1024xf32, #tpu.memory_space<hbm>> -> memref<16x1024xf32, #tpu.memory_space<hbm>>
    tpu.enqueue_dma source(%dma_start3A_1033 : memref<16x1024xf32, #tpu.memory_space<hbm>>) target(%dma_start3A_1030 : memref<16x1024xf32, #tpu.memory_space<vmem>>) target_semaphore(%dma_start3A_1026 : memref<!tpu.dma_semaphore, #tpu.memory_space<semaphore_mem>>)
    %parallel_loop3A_1034 = arith.constant 0 : i32
    %parallel_loop3A_1035 = arith.constant 1024 : i32
    %parallel_loop3A_1036 = arith.constant 1 : i32
    scf.for %parallel_loop3A_1464 = %parallel_loop3A_1034 to %parallel_loop3A_1035 step %parallel_loop3A_1036  : i32 {
      %parallel_loop3A_1465 = arith.constant 6 : i32
      %parallel_loop3A_1466 = arith.shrsi %parallel_loop3A_1464, %parallel_loop3A_1465 : i32
      %parallel_loop3A_1467 = arith.constant 63 : i32
      %parallel_loop3A_1468 = arith.andi %parallel_loop3A_1464, %parallel_loop3A_1467 : i32
      %parallel_loop3A_1469 = arith.constant 16 : i32
      %parallel_loop3A_1470 = arith.muli %parallel_loop3A_1468, %parallel_loop3A_1469 : i32
      %parallel_loop3A_1471 = arith.constant 0 : i32
      %parallel_loop3A_1472 = arith.index_cast %parallel_loop3A_1471 : i32 to index
      %parallel_loop3A_1473 = arith.index_cast %parallel_loop3A_1466 : i32 to index
      %parallel_loop3A_1474 = arith.index_cast %parallel_loop3A_1470 : i32 to index
      %parallel_loop3A_1475 = tpu.vector_load %arg6[%parallel_loop3A_1472, %parallel_loop3A_1473, %parallel_loop3A_1474] {strides = array<i32>} : memref<2x16x1024xf32, #tpu.memory_space<vmem>>, vector<1x1x16xf32>,
      %parallel_loop3A_1476 = vector.shape_cast %parallel_loop3A_1475 : vector<1x1x16xf32> to vector<16xf32>
      %parallel_loop3A_1477 = arith.constant 0 : i32
      %parallel_loop3A_1478 = arith.index_cast %parallel_loop3A_1477 : i32 to index
      %parallel_loop3A_1479 = arith.index_cast %parallel_loop3A_1466 : i32 to index
      %parallel_loop3A_1480 = arith.index_cast %parallel_loop3A_1470 : i32 to index
      %parallel_loop3A_1481 = tpu.vector_load %arg5[%parallel_loop3A_1478, %parallel_loop3A_1479, %parallel_loop3A_1480] {strides = array<i32>} : memref<5x16x1024xf32, #tpu.memory_space<vmem>>, vector<1x1x16xf32>,
      %parallel_loop3A_1482 = vector.shape_cast %parallel_loop3A_1481 : vector<1x1x16xf32> to vector<16xf32>
      %parallel_loop3A_1483 = vector.shape_cast %parallel_loop3A_1476 : vector<16xf32> to vector<1x1x16xf32>
      tpu.vector_store %arg5[%parallel_loop3A_1478, %parallel_loop3A_1479, %parallel_loop3A_1480], %parallel_loop3A_1483 {add = true, strides = array<i32>} : memref<5x16x1024xf32, #tpu.memory_space<vmem>>, vector<1x1x16xf32>,
    } {sc.loop_unroll_factor = 8 : i64, sc.parallel_access}
    %add3A_1037 = arith.constant 32 : i32
    %add3A_1038 = arith.addi %mul3A_2, %add3A_1037 : i32
    %dma_start3A_1039 = arith.constant 0 : i32
    %dma_start3A_1040 = arith.constant 2 : i32
    %dma_start3A_1041 = arith.constant 0 : i32
    %dma_start3A_1042 = arith.constant 0 : i32
    %dma_start3A_1043 = arith.constant 0 : i32
    %dma_start3A_1044 = tpu.memref_slice %arg5[%dma_start3A_1039, %dma_start3A_1042, %dma_start3A_1043] : memref<5x16x1024xf32, #tpu.memory_space<vmem>> -> memref<1x16x1024xf32, #tpu.memory_space<vmem>>
    %dma_start3A_1045 = tpu.memref_squeeze %dma_start3A_1044 : memref<1x16x1024xf32, #tpu.memory_space<vmem>> -> memref<16x1024xf32, #tpu.memory_space<vmem>>
    %dma_start3A_1046 = arith.constant 0 : i32
    %dma_start3A_1047 = tpu.memref_slice %arg4[%dma_start3A_1040, %add3A_1038, %dma_start3A_1046] : memref<4x2048x1024xf32, #tpu.memory_space<hbm>> -> memref<1x16x1024xf32, #tpu.memory_space<hbm>>
    %dma_start3A_1048 = tpu.memref_squeeze %dma_start3A_1047 : memref<1x16x1024xf32, #tpu.memory_space<hbm>> -> memref<16x1024xf32, #tpu.memory_space<hbm>>
    %dma_start3A_1049 = tpu.memref_slice %arg8[%dma_start3A_1041] : memref<5x!tpu.dma_semaphore, #tpu.memory_space<semaphore_mem>> -> memref<1x!tpu.dma_semaphore, #tpu.memory_space<semaphore_mem>>
    %dma_start3A_1050 = tpu.memref_squeeze %dma_start3A_1049 : memref<1x!tpu.dma_semaphore, #tpu.memory_space<semaphore_mem>> -> memref<!tpu.dma_semaphore, #tpu.memory_space<semaphore_mem>>
    %dma_start3A_1051 = arith.constant 0 : i32
    %dma_start3A_1052 = tpu.memref_slice %arg4[%dma_start3A_1040, %add3A_1038, %dma_start3A_1051] : memref<4x2048x1024xf32, #tpu.memory_space<hbm>> -> memref<1x16x1024xf32, #tpu.memory_space<hbm>>
    %dma_start3A_1053 = tpu.memref_squeeze %dma_start3A_1052 : memref<1x16x1024xf32, #tpu.memory_space<hbm>> -> memref<16x1024xf32, #tpu.memory_space<hbm>>
    %dma_start3A_1054 = arith.constant 0 : i32
    %dma_start3A_1055 = arith.constant 0 : i32
    %dma_start3A_1056 = tpu.memref_slice %arg5[%dma_start3A_1039, %dma_start3A_1054, %dma_start3A_1055] : memref<5x16x1024xf32, #tpu.memory_space<vmem>> -> memref<1x16x1024xf32, #tpu.memory_space<vmem>>
    %dma_start3A_1057 = tpu.memref_squeeze %dma_start3A_1056 : memref<1x16x1024xf32, #tpu.memory_space<vmem>> -> memref<16x1024xf32, #tpu.memory_space<vmem>>
    tpu.enqueue_dma source(%dma_start3A_1057 : memref<16x1024xf32, #tpu.memory_space<vmem>>) target(%dma_start3A_1053 : memref<16x1024xf32, #tpu.memory_space<hbm>>) target_semaphore(%dma_start3A_1050 : memref<!tpu.dma_semaphore, #tpu.memory_space<semaphore_mem>>)
    %dma_wait3A_1058 = arith.constant 3 : i32
    %dma_wait3A_1059 = arith.constant 1 : i32
    %dma_wait3A_1060 = arith.constant 1 : i32
    %dma_wait3A_1061 = arith.constant 0 : i32
    %dma_wait3A_1062 = arith.constant 0 : i32
    %dma_wait3A_1063 = tpu.memref_slice %arg5[%dma_wait3A_1059, %dma_wait3A_1061, %dma_wait3A_1062] : memref<5x16x1024xf32, #tpu.memory_space<vmem>> -> memref<1x16x1024xf32, #tpu.memory_space<vmem>>
    %dma_wait3A_1064 = tpu.memref_squeeze %dma_wait3A_1063 : memref<1x16x1024xf32, #tpu.memory_space<vmem>> -> memref<16x1024xf32, #tpu.memory_space<vmem>>
    %dma_wait3A_1065 = arith.constant 0 : i32
    %dma_wait3A_1066 = tpu.memref_slice %arg2[%dma_wait3A_1058, %add3A_848, %dma_wait3A_1065] : memref<4x2048x1024xf32, #tpu.memory_space<hbm>> -> memref<1x16x1024xf32, #tpu.memory_space<hbm>>
    %dma_wait3A_1067 = tpu.memref_squeeze %dma_wait3A_1066 : memref<1x16x1024xf32, #tpu.memory_space<hbm>> -> memref<16x1024xf32, #tpu.memory_space<hbm>>
    %dma_wait3A_1068 = tpu.memref_slice %arg7[%dma_wait3A_1060] : memref<5x!tpu.dma_semaphore, #tpu.memory_space<semaphore_mem>> -> memref<1x!tpu.dma_semaphore, #tpu.memory_space<semaphore_mem>>
    %dma_wait3A_1069 = tpu.memref_squeeze %dma_wait3A_1068 : memref<1x!tpu.dma_semaphore, #tpu.memory_space<semaphore_mem>> -> memref<!tpu.dma_semaphore, #tpu.memory_space<semaphore_mem>>
    %dma_wait3A_1070 = arith.constant 0 : i32
    %dma_wait3A_1071 = arith.constant 0 : i32
    %dma_wait3A_1072 = tpu.memref_slice %arg5[%dma_wait3A_1059, %dma_wait3A_1070, %dma_wait3A_1071] : memref<5x16x1024xf32, #tpu.memory_space<vmem>> -> memref<1x16x1024xf32, #tpu.memory_space<vmem>>
    %dma_wait3A_1073 = tpu.memref_squeeze %dma_wait3A_1072 : memref<1x16x1024xf32, #tpu.memory_space<vmem>> -> memref<16x1024xf32, #tpu.memory_space<vmem>>
    %dma_wait3A_1074 = arith.constant 0 : i32
    %dma_wait3A_1075 = tpu.memref_slice %arg2[%dma_wait3A_1058, %add3A_848, %dma_wait3A_1074] : memref<4x2048x1024xf32, #tpu.memory_space<hbm>> -> memref<1x16x1024xf32, #tpu.memory_space<hbm>>
    %dma_wait3A_1076 = tpu.memref_squeeze %dma_wait3A_1075 : memref<1x16x1024xf32, #tpu.memory_space<hbm>> -> memref<16x1024xf32, #tpu.memory_space<hbm>>
    tpu.wait_dma2 semaphore(%dma_wait3A_1069 : memref<!tpu.dma_semaphore, #tpu.memory_space<semaphore_mem>>) src(%dma_wait3A_1076 : memref<16x1024xf32, #tpu.memory_space<hbm>>) dst(%dma_wait3A_1073 : memref<16x1024xf32, #tpu.memory_space<vmem>>)
    %dma_wait3A_1077 = arith.constant 4 : i32
    %dma_wait3A_1078 = arith.constant 1 : i32
    %dma_wait3A_1079 = arith.constant 4 : i32
    %dma_wait3A_1080 = arith.constant 0 : i32
    %dma_wait3A_1081 = arith.constant 0 : i32
    %dma_wait3A_1082 = tpu.memref_slice %arg5[%dma_wait3A_1077, %dma_wait3A_1080, %dma_wait3A_1081] : memref<5x16x1024xf32, #tpu.memory_space<vmem>> -> memref<1x16x1024xf32, #tpu.memory_space<vmem>>
    %dma_wait3A_1083 = tpu.memref_squeeze %dma_wait3A_1082 : memref<1x16x1024xf32, #tpu.memory_space<vmem>> -> memref<16x1024xf32, #tpu.memory_space<vmem>>
    %dma_wait3A_1084 = arith.constant 0 : i32
    %dma_wait3A_1085 = tpu.memref_slice %arg4[%dma_wait3A_1078, %add3A_955, %dma_wait3A_1084] : memref<4x2048x1024xf32, #tpu.memory_space<hbm>> -> memref<1x16x1024xf32, #tpu.memory_space<hbm>>
    %dma_wait3A_1086 = tpu.memref_squeeze %dma_wait3A_1085 : memref<1x16x1024xf32, #tpu.memory_space<hbm>> -> memref<16x1024xf32, #tpu.memory_space<hbm>>
    %dma_wait3A_1087 = tpu.memref_slice %arg8[%dma_wait3A_1079] : memref<5x!tpu.dma_semaphore, #tpu.memory_space<semaphore_mem>> -> memref<1x!tpu.dma_semaphore, #tpu.memory_space<semaphore_mem>>
    %dma_wait3A_1088 = tpu.memref_squeeze %dma_wait3A_1087 : memref<1x!tpu.dma_semaphore, #tpu.memory_space<semaphore_mem>> -> memref<!tpu.dma_semaphore, #tpu.memory_space<semaphore_mem>>
    %dma_wait3A_1089 = arith.constant 0 : i32
    %dma_wait3A_1090 = tpu.memref_slice %arg4[%dma_wait3A_1078, %add3A_955, %dma_wait3A_1089] : memref<4x2048x1024xf32, #tpu.memory_space<hbm>> -> memref<1x16x1024xf32, #tpu.memory_space<hbm>>
    %dma_wait3A_1091 = tpu.memref_squeeze %dma_wait3A_1090 : memref<1x16x1024xf32, #tpu.memory_space<hbm>> -> memref<16x1024xf32, #tpu.memory_space<hbm>>
    %dma_wait3A_1092 = arith.constant 0 : i32
    %dma_wait3A_1093 = arith.constant 0 : i32
    %dma_wait3A_1094 = tpu.memref_slice %arg5[%dma_wait3A_1077, %dma_wait3A_1092, %dma_wait3A_1093] : memref<5x16x1024xf32, #tpu.memory_space<vmem>> -> memref<1x16x1024xf32, #tpu.memory_space<vmem>>
    %dma_wait3A_1095 = tpu.memref_squeeze %dma_wait3A_1094 : memref<1x16x1024xf32, #tpu.memory_space<vmem>> -> memref<16x1024xf32, #tpu.memory_space<vmem>>
    tpu.wait_dma2 semaphore(%dma_wait3A_1088 : memref<!tpu.dma_semaphore, #tpu.memory_space<semaphore_mem>>) src(%dma_wait3A_1095 : memref<16x1024xf32, #tpu.memory_space<vmem>>) dst(%dma_wait3A_1091 : memref<16x1024xf32, #tpu.memory_space<hbm>>)
    %add3A_1096 = arith.constant 48 : i32
    %add3A_1097 = arith.addi %mul3A_2, %add3A_1096 : i32
    %dma_start3A_1098 = arith.constant 2 : i32
    %dma_start3A_1099 = arith.constant 4 : i32
    %dma_start3A_1100 = arith.constant 4 : i32
    %dma_start3A_1101 = arith.constant 0 : i32
    %dma_start3A_1102 = arith.constant 0 : i32
    %dma_start3A_1103 = tpu.memref_slice %arg5[%dma_start3A_1099, %dma_start3A_1101, %dma_start3A_1102] : memref<5x16x1024xf32, #tpu.memory_space<vmem>> -> memref<1x16x1024xf32, #tpu.memory_space<vmem>>
    %dma_start3A_1104 = tpu.memref_squeeze %dma_start3A_1103 : memref<1x16x1024xf32, #tpu.memory_space<vmem>> -> memref<16x1024xf32, #tpu.memory_space<vmem>>
    %dma_start3A_1105 = arith.constant 0 : i32
    %dma_start3A_1106 = tpu.memref_slice %arg2[%dma_start3A_1098, %add3A_1097, %dma_start3A_1105] : memref<4x2048x1024xf32, #tpu.memory_space<hbm>> -> memref<1x16x1024xf32, #tpu.memory_space<hbm>>
    %dma_start3A_1107 = tpu.memref_squeeze %dma_start3A_1106 : memref<1x16x1024xf32, #tpu.memory_space<hbm>> -> memref<16x1024xf32, #tpu.memory_space<hbm>>
    %dma_start3A_1108 = tpu.memref_slice %arg7[%dma_start3A_1100] : memref<5x!tpu.dma_semaphore, #tpu.memory_space<semaphore_mem>> -> memref<1x!tpu.dma_semaphore, #tpu.memory_space<semaphore_mem>>
    %dma_start3A_1109 = tpu.memref_squeeze %dma_start3A_1108 : memref<1x!tpu.dma_semaphore, #tpu.memory_space<semaphore_mem>> -> memref<!tpu.dma_semaphore, #tpu.memory_space<semaphore_mem>>
    %dma_start3A_1110 = arith.constant 0 : i32
    %dma_start3A_1111 = arith.constant 0 : i32
    %dma_start3A_1112 = tpu.memref_slice %arg5[%dma_start3A_1099, %dma_start3A_1110, %dma_start3A_1111] : memref<5x16x1024xf32, #tpu.memory_space<vmem>> -> memref<1x16x1024xf32, #tpu.memory_space<vmem>>
    %dma_start3A_1113 = tpu.memref_squeeze %dma_start3A_1112 : memref<1x16x1024xf32, #tpu.memory_space<vmem>> -> memref<16x1024xf32, #tpu.memory_space<vmem>>
    %dma_start3A_1114 = arith.constant 0 : i32
    %dma_start3A_1115 = tpu.memref_slice %arg2[%dma_start3A_1098, %add3A_1097, %dma_start3A_1114] : memref<4x2048x1024xf32, #tpu.memory_space<hbm>> -> memref<1x16x1024xf32, #tpu.memory_space<hbm>>
    %dma_start3A_1116 = tpu.memref_squeeze %dma_start3A_1115 : memref<1x16x1024xf32, #tpu.memory_space<hbm>> -> memref<16x1024xf32, #tpu.memory_space<hbm>>
    tpu.enqueue_dma source(%dma_start3A_1116 : memref<16x1024xf32, #tpu.memory_space<hbm>>) target(%dma_start3A_1113 : memref<16x1024xf32, #tpu.memory_space<vmem>>) target_semaphore(%dma_start3A_1109 : memref<!tpu.dma_semaphore, #tpu.memory_space<semaphore_mem>>)
    %parallel_loop3A_1117 = arith.constant 0 : i32
    %parallel_loop3A_1118 = arith.constant 1024 : i32
    %parallel_loop3A_1119 = arith.constant 1 : i32
    scf.for %parallel_loop3A_1464 = %parallel_loop3A_1117 to %parallel_loop3A_1118 step %parallel_loop3A_1119  : i32 {
      %parallel_loop3A_1465 = arith.constant 6 : i32
      %parallel_loop3A_1466 = arith.shrsi %parallel_loop3A_1464, %parallel_loop3A_1465 : i32
      %parallel_loop3A_1467 = arith.constant 63 : i32
      %parallel_loop3A_1468 = arith.andi %parallel_loop3A_1464, %parallel_loop3A_1467 : i32
      %parallel_loop3A_1469 = arith.constant 16 : i32
      %parallel_loop3A_1470 = arith.muli %parallel_loop3A_1468, %parallel_loop3A_1469 : i32
      %parallel_loop3A_1471 = arith.constant 0 : i32
      %parallel_loop3A_1472 = arith.index_cast %parallel_loop3A_1471 : i32 to index
      %parallel_loop3A_1473 = arith.index_cast %parallel_loop3A_1466 : i32 to index
      %parallel_loop3A_1474 = arith.index_cast %parallel_loop3A_1470 : i32 to index
      %parallel_loop3A_1475 = tpu.vector_load %arg6[%parallel_loop3A_1472, %parallel_loop3A_1473, %parallel_loop3A_1474] {strides = array<i32>} : memref<2x16x1024xf32, #tpu.memory_space<vmem>>, vector<1x1x16xf32>,
      %parallel_loop3A_1476 = vector.shape_cast %parallel_loop3A_1475 : vector<1x1x16xf32> to vector<16xf32>
      %parallel_loop3A_1477 = arith.constant 1 : i32
      %parallel_loop3A_1478 = arith.index_cast %parallel_loop3A_1477 : i32 to index
      %parallel_loop3A_1479 = arith.index_cast %parallel_loop3A_1466 : i32 to index
      %parallel_loop3A_1480 = arith.index_cast %parallel_loop3A_1470 : i32 to index
      %parallel_loop3A_1481 = tpu.vector_load %arg5[%parallel_loop3A_1478, %parallel_loop3A_1479, %parallel_loop3A_1480] {strides = array<i32>} : memref<5x16x1024xf32, #tpu.memory_space<vmem>>, vector<1x1x16xf32>,
      %parallel_loop3A_1482 = vector.shape_cast %parallel_loop3A_1481 : vector<1x1x16xf32> to vector<16xf32>
      %parallel_loop3A_1483 = vector.shape_cast %parallel_loop3A_1476 : vector<16xf32> to vector<1x1x16xf32>
      tpu.vector_store %arg5[%parallel_loop3A_1478, %parallel_loop3A_1479, %parallel_loop3A_1480], %parallel_loop3A_1483 {add = true, strides = array<i32>} : memref<5x16x1024xf32, #tpu.memory_space<vmem>>, vector<1x1x16xf32>,
    } {sc.loop_unroll_factor = 8 : i64, sc.parallel_access}
    %add3A_1120 = arith.constant 32 : i32
    %add3A_1121 = arith.addi %mul3A_2, %add3A_1120 : i32
    %dma_start3A_1122 = arith.constant 1 : i32
    %dma_start3A_1123 = arith.constant 3 : i32
    %dma_start3A_1124 = arith.constant 1 : i32
    %dma_start3A_1125 = arith.constant 0 : i32
    %dma_start3A_1126 = arith.constant 0 : i32
    %dma_start3A_1127 = tpu.memref_slice %arg5[%dma_start3A_1122, %dma_start3A_1125, %dma_start3A_1126] : memref<5x16x1024xf32, #tpu.memory_space<vmem>> -> memref<1x16x1024xf32, #tpu.memory_space<vmem>>
    %dma_start3A_1128 = tpu.memref_squeeze %dma_start3A_1127 : memref<1x16x1024xf32, #tpu.memory_space<vmem>> -> memref<16x1024xf32, #tpu.memory_space<vmem>>
    %dma_start3A_1129 = arith.constant 0 : i32
    %dma_start3A_1130 = tpu.memref_slice %arg4[%dma_start3A_1123, %add3A_1121, %dma_start3A_1129] : memref<4x2048x1024xf32, #tpu.memory_space<hbm>> -> memref<1x16x1024xf32, #tpu.memory_space<hbm>>
    %dma_start3A_1131 = tpu.memref_squeeze %dma_start3A_1130 : memref<1x16x1024xf32, #tpu.memory_space<hbm>> -> memref<16x1024xf32, #tpu.memory_space<hbm>>
    %dma_start3A_1132 = tpu.memref_slice %arg8[%dma_start3A_1124] : memref<5x!tpu.dma_semaphore, #tpu.memory_space<semaphore_mem>> -> memref<1x!tpu.dma_semaphore, #tpu.memory_space<semaphore_mem>>
    %dma_start3A_1133 = tpu.memref_squeeze %dma_start3A_1132 : memref<1x!tpu.dma_semaphore, #tpu.memory_space<semaphore_mem>> -> memref<!tpu.dma_semaphore, #tpu.memory_space<semaphore_mem>>
    %dma_start3A_1134 = arith.constant 0 : i32
    %dma_start3A_1135 = tpu.memref_slice %arg4[%dma_start3A_1123, %add3A_1121, %dma_start3A_1134] : memref<4x2048x1024xf32, #tpu.memory_space<hbm>> -> memref<1x16x1024xf32, #tpu.memory_space<hbm>>
    %dma_start3A_1136 = tpu.memref_squeeze %dma_start3A_1135 : memref<1x16x1024xf32, #tpu.memory_space<hbm>> -> memref<16x1024xf32, #tpu.memory_space<hbm>>
    %dma_start3A_1137 = arith.constant 0 : i32
    %dma_start3A_1138 = arith.constant 0 : i32
    %dma_start3A_1139 = tpu.memref_slice %arg5[%dma_start3A_1122, %dma_start3A_1137, %dma_start3A_1138] : memref<5x16x1024xf32, #tpu.memory_space<vmem>> -> memref<1x16x1024xf32, #tpu.memory_space<vmem>>
    %dma_start3A_1140 = tpu.memref_squeeze %dma_start3A_1139 : memref<1x16x1024xf32, #tpu.memory_space<vmem>> -> memref<16x1024xf32, #tpu.memory_space<vmem>>
    tpu.enqueue_dma source(%dma_start3A_1140 : memref<16x1024xf32, #tpu.memory_space<vmem>>) target(%dma_start3A_1136 : memref<16x1024xf32, #tpu.memory_space<hbm>>) target_semaphore(%dma_start3A_1133 : memref<!tpu.dma_semaphore, #tpu.memory_space<semaphore_mem>>)
    %dma_wait3A_1141 = arith.constant 1 : i32
    %dma_wait3A_1142 = arith.constant 1 : i32
    %dma_wait3A_1143 = arith.constant 0 : i32
    %dma_wait3A_1144 = arith.constant 0 : i32
    %dma_wait3A_1145 = tpu.memref_slice %arg6[%dma_wait3A_1141, %dma_wait3A_1143, %dma_wait3A_1144] : memref<2x16x1024xf32, #tpu.memory_space<vmem>> -> memref<1x16x1024xf32, #tpu.memory_space<vmem>>
    %dma_wait3A_1146 = tpu.memref_squeeze %dma_wait3A_1145 : memref<1x16x1024xf32, #tpu.memory_space<vmem>> -> memref<16x1024xf32, #tpu.memory_space<vmem>>
    %dma_wait3A_1147 = arith.constant 0 : i32
    %dma_wait3A_1148 = tpu.memref_slice %arg3[%add3A_776, %dma_wait3A_1147] : memref<2048x1024xf32, #tpu.memory_space<hbm>> -> memref<16x1024xf32, #tpu.memory_space<hbm>>
    %dma_wait3A_1149 = tpu.memref_slice %arg9[%dma_wait3A_1142] : memref<2x!tpu.dma_semaphore, #tpu.memory_space<semaphore_mem>> -> memref<1x!tpu.dma_semaphore, #tpu.memory_space<semaphore_mem>>
    %dma_wait3A_1150 = tpu.memref_squeeze %dma_wait3A_1149 : memref<1x!tpu.dma_semaphore, #tpu.memory_space<semaphore_mem>> -> memref<!tpu.dma_semaphore, #tpu.memory_space<semaphore_mem>>
    %dma_wait3A_1151 = arith.constant 0 : i32
    %dma_wait3A_1152 = arith.constant 0 : i32
    %dma_wait3A_1153 = tpu.memref_slice %arg6[%dma_wait3A_1141, %dma_wait3A_1151, %dma_wait3A_1152] : memref<2x16x1024xf32, #tpu.memory_space<vmem>> -> memref<1x16x1024xf32, #tpu.memory_space<vmem>>
    %dma_wait3A_1154 = tpu.memref_squeeze %dma_wait3A_1153 : memref<1x16x1024xf32, #tpu.memory_space<vmem>> -> memref<16x1024xf32, #tpu.memory_space<vmem>>
    %dma_wait3A_1155 = arith.constant 0 : i32
    %dma_wait3A_1156 = tpu.memref_slice %arg3[%add3A_776, %dma_wait3A_1155] : memref<2048x1024xf32, #tpu.memory_space<hbm>> -> memref<16x1024xf32, #tpu.memory_space<hbm>>
    tpu.wait_dma2 semaphore(%dma_wait3A_1150 : memref<!tpu.dma_semaphore, #tpu.memory_space<semaphore_mem>>) src(%dma_wait3A_1156 : memref<16x1024xf32, #tpu.memory_space<hbm>>) dst(%dma_wait3A_1154 : memref<16x1024xf32, #tpu.memory_space<vmem>>)
    %dma_wait3A_1157 = arith.constant 0 : i32
    %dma_wait3A_1158 = arith.constant 2 : i32
    %dma_wait3A_1159 = arith.constant 2 : i32
    %dma_wait3A_1160 = arith.constant 0 : i32
    %dma_wait3A_1161 = arith.constant 0 : i32
    %dma_wait3A_1162 = tpu.memref_slice %arg5[%dma_wait3A_1158, %dma_wait3A_1160, %dma_wait3A_1161] : memref<5x16x1024xf32, #tpu.memory_space<vmem>> -> memref<1x16x1024xf32, #tpu.memory_space<vmem>>
    %dma_wait3A_1163 = tpu.memref_squeeze %dma_wait3A_1162 : memref<1x16x1024xf32, #tpu.memory_space<vmem>> -> memref<16x1024xf32, #tpu.memory_space<vmem>>
    %dma_wait3A_1164 = arith.constant 0 : i32
    %dma_wait3A_1165 = tpu.memref_slice %arg2[%dma_wait3A_1157, %add3A_931, %dma_wait3A_1164] : memref<4x2048x1024xf32, #tpu.memory_space<hbm>> -> memref<1x16x1024xf32, #tpu.memory_space<hbm>>
    %dma_wait3A_1166 = tpu.memref_squeeze %dma_wait3A_1165 : memref<1x16x1024xf32, #tpu.memory_space<hbm>> -> memref<16x1024xf32, #tpu.memory_space<hbm>>
    %dma_wait3A_1167 = tpu.memref_slice %arg7[%dma_wait3A_1159] : memref<5x!tpu.dma_semaphore, #tpu.memory_space<semaphore_mem>> -> memref<1x!tpu.dma_semaphore, #tpu.memory_space<semaphore_mem>>
    %dma_wait3A_1168 = tpu.memref_squeeze %dma_wait3A_1167 : memref<1x!tpu.dma_semaphore, #tpu.memory_space<semaphore_mem>> -> memref<!tpu.dma_semaphore, #tpu.memory_space<semaphore_mem>>
    %dma_wait3A_1169 = arith.constant 0 : i32
    %dma_wait3A_1170 = arith.constant 0 : i32
    %dma_wait3A_1171 = tpu.memref_slice %arg5[%dma_wait3A_1158, %dma_wait3A_1169, %dma_wait3A_1170] : memref<5x16x1024xf32, #tpu.memory_space<vmem>> -> memref<1x16x1024xf32, #tpu.memory_space<vmem>>
    %dma_wait3A_1172 = tpu.memref_squeeze %dma_wait3A_1171 : memref<1x16x1024xf32, #tpu.memory_space<vmem>> -> memref<16x1024xf32, #tpu.memory_space<vmem>>
    %dma_wait3A_1173 = arith.constant 0 : i32
    %dma_wait3A_1174 = tpu.memref_slice %arg2[%dma_wait3A_1157, %add3A_931, %dma_wait3A_1173] : memref<4x2048x1024xf32, #tpu.memory_space<hbm>> -> memref<1x16x1024xf32, #tpu.memory_space<hbm>>
    %dma_wait3A_1175 = tpu.memref_squeeze %dma_wait3A_1174 : memref<1x16x1024xf32, #tpu.memory_space<hbm>> -> memref<16x1024xf32, #tpu.memory_space<hbm>>
    tpu.wait_dma2 semaphore(%dma_wait3A_1168 : memref<!tpu.dma_semaphore, #tpu.memory_space<semaphore_mem>>) src(%dma_wait3A_1175 : memref<16x1024xf32, #tpu.memory_space<hbm>>) dst(%dma_wait3A_1172 : memref<16x1024xf32, #tpu.memory_space<vmem>>)
    %dma_wait3A_1176 = arith.constant 0 : i32
    %dma_wait3A_1177 = arith.constant 2 : i32
    %dma_wait3A_1178 = arith.constant 0 : i32
    %dma_wait3A_1179 = arith.constant 0 : i32
    %dma_wait3A_1180 = arith.constant 0 : i32
    %dma_wait3A_1181 = tpu.memref_slice %arg5[%dma_wait3A_1176, %dma_wait3A_1179, %dma_wait3A_1180] : memref<5x16x1024xf32, #tpu.memory_space<vmem>> -> memref<1x16x1024xf32, #tpu.memory_space<vmem>>
    %dma_wait3A_1182 = tpu.memref_squeeze %dma_wait3A_1181 : memref<1x16x1024xf32, #tpu.memory_space<vmem>> -> memref<16x1024xf32, #tpu.memory_space<vmem>>
    %dma_wait3A_1183 = arith.constant 0 : i32
    %dma_wait3A_1184 = tpu.memref_slice %arg4[%dma_wait3A_1177, %add3A_1038, %dma_wait3A_1183] : memref<4x2048x1024xf32, #tpu.memory_space<hbm>> -> memref<1x16x1024xf32, #tpu.memory_space<hbm>>
    %dma_wait3A_1185 = tpu.memref_squeeze %dma_wait3A_1184 : memref<1x16x1024xf32, #tpu.memory_space<hbm>> -> memref<16x1024xf32, #tpu.memory_space<hbm>>
    %dma_wait3A_1186 = tpu.memref_slice %arg8[%dma_wait3A_1178] : memref<5x!tpu.dma_semaphore, #tpu.memory_space<semaphore_mem>> -> memref<1x!tpu.dma_semaphore, #tpu.memory_space<semaphore_mem>>
    %dma_wait3A_1187 = tpu.memref_squeeze %dma_wait3A_1186 : memref<1x!tpu.dma_semaphore, #tpu.memory_space<semaphore_mem>> -> memref<!tpu.dma_semaphore, #tpu.memory_space<semaphore_mem>>
    %dma_wait3A_1188 = arith.constant 0 : i32
    %dma_wait3A_1189 = tpu.memref_slice %arg4[%dma_wait3A_1177, %add3A_1038, %dma_wait3A_1188] : memref<4x2048x1024xf32, #tpu.memory_space<hbm>> -> memref<1x16x1024xf32, #tpu.memory_space<hbm>>
    %dma_wait3A_1190 = tpu.memref_squeeze %dma_wait3A_1189 : memref<1x16x1024xf32, #tpu.memory_space<hbm>> -> memref<16x1024xf32, #tpu.memory_space<hbm>>
    %dma_wait3A_1191 = arith.constant 0 : i32
    %dma_wait3A_1192 = arith.constant 0 : i32
    %dma_wait3A_1193 = tpu.memref_slice %arg5[%dma_wait3A_1176, %dma_wait3A_1191, %dma_wait3A_1192] : memref<5x16x1024xf32, #tpu.memory_space<vmem>> -> memref<1x16x1024xf32, #tpu.memory_space<vmem>>
    %dma_wait3A_1194 = tpu.memref_squeeze %dma_wait3A_1193 : memref<1x16x1024xf32, #tpu.memory_space<vmem>> -> memref<16x1024xf32, #tpu.memory_space<vmem>>
    tpu.wait_dma2 semaphore(%dma_wait3A_1187 : memref<!tpu.dma_semaphore, #tpu.memory_space<semaphore_mem>>) src(%dma_wait3A_1194 : memref<16x1024xf32, #tpu.memory_space<vmem>>) dst(%dma_wait3A_1190 : memref<16x1024xf32, #tpu.memory_space<hbm>>)
    %add3A_1195 = arith.constant 48 : i32
    %add3A_1196 = arith.addi %mul3A_2, %add3A_1195 : i32
    %dma_start3A_1197 = arith.constant 3 : i32
    %dma_start3A_1198 = arith.constant 0 : i32
    %dma_start3A_1199 = arith.constant 0 : i32
    %dma_start3A_1200 = arith.constant 0 : i32
    %dma_start3A_1201 = arith.constant 0 : i32
    %dma_start3A_1202 = tpu.memref_slice %arg5[%dma_start3A_1198, %dma_start3A_1200, %dma_start3A_1201] : memref<5x16x1024xf32, #tpu.memory_space<vmem>> -> memref<1x16x1024xf32, #tpu.memory_space<vmem>>
    %dma_start3A_1203 = tpu.memref_squeeze %dma_start3A_1202 : memref<1x16x1024xf32, #tpu.memory_space<vmem>> -> memref<16x1024xf32, #tpu.memory_space<vmem>>
    %dma_start3A_1204 = arith.constant 0 : i32
    %dma_start3A_1205 = tpu.memref_slice %arg2[%dma_start3A_1197, %add3A_1196, %dma_start3A_1204] : memref<4x2048x1024xf32, #tpu.memory_space<hbm>> -> memref<1x16x1024xf32, #tpu.memory_space<hbm>>
    %dma_start3A_1206 = tpu.memref_squeeze %dma_start3A_1205 : memref<1x16x1024xf32, #tpu.memory_space<hbm>> -> memref<16x1024xf32, #tpu.memory_space<hbm>>
    %dma_start3A_1207 = tpu.memref_slice %arg7[%dma_start3A_1199] : memref<5x!tpu.dma_semaphore, #tpu.memory_space<semaphore_mem>> -> memref<1x!tpu.dma_semaphore, #tpu.memory_space<semaphore_mem>>
    %dma_start3A_1208 = tpu.memref_squeeze %dma_start3A_1207 : memref<1x!tpu.dma_semaphore, #tpu.memory_space<semaphore_mem>> -> memref<!tpu.dma_semaphore, #tpu.memory_space<semaphore_mem>>
    %dma_start3A_1209 = arith.constant 0 : i32
    %dma_start3A_1210 = arith.constant 0 : i32
    %dma_start3A_1211 = tpu.memref_slice %arg5[%dma_start3A_1198, %dma_start3A_1209, %dma_start3A_1210] : memref<5x16x1024xf32, #tpu.memory_space<vmem>> -> memref<1x16x1024xf32, #tpu.memory_space<vmem>>
    %dma_start3A_1212 = tpu.memref_squeeze %dma_start3A_1211 : memref<1x16x1024xf32, #tpu.memory_space<vmem>> -> memref<16x1024xf32, #tpu.memory_space<vmem>>
    %dma_start3A_1213 = arith.constant 0 : i32
    %dma_start3A_1214 = tpu.memref_slice %arg2[%dma_start3A_1197, %add3A_1196, %dma_start3A_1213] : memref<4x2048x1024xf32, #tpu.memory_space<hbm>> -> memref<1x16x1024xf32, #tpu.memory_space<hbm>>
    %dma_start3A_1215 = tpu.memref_squeeze %dma_start3A_1214 : memref<1x16x1024xf32, #tpu.memory_space<hbm>> -> memref<16x1024xf32, #tpu.memory_space<hbm>>
    tpu.enqueue_dma source(%dma_start3A_1215 : memref<16x1024xf32, #tpu.memory_space<hbm>>) target(%dma_start3A_1212 : memref<16x1024xf32, #tpu.memory_space<vmem>>) target_semaphore(%dma_start3A_1208 : memref<!tpu.dma_semaphore, #tpu.memory_space<semaphore_mem>>)
    %parallel_loop3A_1216 = arith.constant 0 : i32
    %parallel_loop3A_1217 = arith.constant 1024 : i32
    %parallel_loop3A_1218 = arith.constant 1 : i32
    scf.for %parallel_loop3A_1464 = %parallel_loop3A_1216 to %parallel_loop3A_1217 step %parallel_loop3A_1218  : i32 {
      %parallel_loop3A_1465 = arith.constant 6 : i32
      %parallel_loop3A_1466 = arith.shrsi %parallel_loop3A_1464, %parallel_loop3A_1465 : i32
      %parallel_loop3A_1467 = arith.constant 63 : i32
      %parallel_loop3A_1468 = arith.andi %parallel_loop3A_1464, %parallel_loop3A_1467 : i32
      %parallel_loop3A_1469 = arith.constant 16 : i32
      %parallel_loop3A_1470 = arith.muli %parallel_loop3A_1468, %parallel_loop3A_1469 : i32
      %parallel_loop3A_1471 = arith.constant 1 : i32
      %parallel_loop3A_1472 = arith.index_cast %parallel_loop3A_1471 : i32 to index
      %parallel_loop3A_1473 = arith.index_cast %parallel_loop3A_1466 : i32 to index
      %parallel_loop3A_1474 = arith.index_cast %parallel_loop3A_1470 : i32 to index
      %parallel_loop3A_1475 = tpu.vector_load %arg6[%parallel_loop3A_1472, %parallel_loop3A_1473, %parallel_loop3A_1474] {strides = array<i32>} : memref<2x16x1024xf32, #tpu.memory_space<vmem>>, vector<1x1x16xf32>,
      %parallel_loop3A_1476 = vector.shape_cast %parallel_loop3A_1475 : vector<1x1x16xf32> to vector<16xf32>
      %parallel_loop3A_1477 = arith.constant 2 : i32
      %parallel_loop3A_1478 = arith.index_cast %parallel_loop3A_1477 : i32 to index
      %parallel_loop3A_1479 = arith.index_cast %parallel_loop3A_1466 : i32 to index
      %parallel_loop3A_1480 = arith.index_cast %parallel_loop3A_1470 : i32 to index
      %parallel_loop3A_1481 = tpu.vector_load %arg5[%parallel_loop3A_1478, %parallel_loop3A_1479, %parallel_loop3A_1480] {strides = array<i32>} : memref<5x16x1024xf32, #tpu.memory_space<vmem>>, vector<1x1x16xf32>,
      %parallel_loop3A_1482 = vector.shape_cast %parallel_loop3A_1481 : vector<1x1x16xf32> to vector<16xf32>
      %parallel_loop3A_1483 = vector.shape_cast %parallel_loop3A_1476 : vector<16xf32> to vector<1x1x16xf32>
      tpu.vector_store %arg5[%parallel_loop3A_1478, %parallel_loop3A_1479, %parallel_loop3A_1480], %parallel_loop3A_1483 {add = true, strides = array<i32>} : memref<5x16x1024xf32, #tpu.memory_space<vmem>>, vector<1x1x16xf32>,
    } {sc.loop_unroll_factor = 8 : i64, sc.parallel_access}
    %add3A_1219 = arith.constant 48 : i32
    %add3A_1220 = arith.addi %mul3A_2, %add3A_1219 : i32
    %dma_start3A_1221 = arith.constant 2 : i32
    %dma_start3A_1222 = arith.constant 0 : i32
    %dma_start3A_1223 = arith.constant 2 : i32
    %dma_start3A_1224 = arith.constant 0 : i32
    %dma_start3A_1225 = arith.constant 0 : i32
    %dma_start3A_1226 = tpu.memref_slice %arg5[%dma_start3A_1221, %dma_start3A_1224, %dma_start3A_1225] : memref<5x16x1024xf32, #tpu.memory_space<vmem>> -> memref<1x16x1024xf32, #tpu.memory_space<vmem>>
    %dma_start3A_1227 = tpu.memref_squeeze %dma_start3A_1226 : memref<1x16x1024xf32, #tpu.memory_space<vmem>> -> memref<16x1024xf32, #tpu.memory_space<vmem>>
    %dma_start3A_1228 = arith.constant 0 : i32
    %dma_start3A_1229 = tpu.memref_slice %arg4[%dma_start3A_1222, %add3A_1220, %dma_start3A_1228] : memref<4x2048x1024xf32, #tpu.memory_space<hbm>> -> memref<1x16x1024xf32, #tpu.memory_space<hbm>>
    %dma_start3A_1230 = tpu.memref_squeeze %dma_start3A_1229 : memref<1x16x1024xf32, #tpu.memory_space<hbm>> -> memref<16x1024xf32, #tpu.memory_space<hbm>>
    %dma_start3A_1231 = tpu.memref_slice %arg8[%dma_start3A_1223] : memref<5x!tpu.dma_semaphore, #tpu.memory_space<semaphore_mem>> -> memref<1x!tpu.dma_semaphore, #tpu.memory_space<semaphore_mem>>
    %dma_start3A_1232 = tpu.memref_squeeze %dma_start3A_1231 : memref<1x!tpu.dma_semaphore, #tpu.memory_space<semaphore_mem>> -> memref<!tpu.dma_semaphore, #tpu.memory_space<semaphore_mem>>
    %dma_start3A_1233 = arith.constant 0 : i32
    %dma_start3A_1234 = tpu.memref_slice %arg4[%dma_start3A_1222, %add3A_1220, %dma_start3A_1233] : memref<4x2048x1024xf32, #tpu.memory_space<hbm>> -> memref<1x16x1024xf32, #tpu.memory_space<hbm>>
    %dma_start3A_1235 = tpu.memref_squeeze %dma_start3A_1234 : memref<1x16x1024xf32, #tpu.memory_space<hbm>> -> memref<16x1024xf32, #tpu.memory_space<hbm>>
    %dma_start3A_1236 = arith.constant 0 : i32
    %dma_start3A_1237 = arith.constant 0 : i32
    %dma_start3A_1238 = tpu.memref_slice %arg5[%dma_start3A_1221, %dma_start3A_1236, %dma_start3A_1237] : memref<5x16x1024xf32, #tpu.memory_space<vmem>> -> memref<1x16x1024xf32, #tpu.memory_space<vmem>>
    %dma_start3A_1239 = tpu.memref_squeeze %dma_start3A_1238 : memref<1x16x1024xf32, #tpu.memory_space<vmem>> -> memref<16x1024xf32, #tpu.memory_space<vmem>>
    tpu.enqueue_dma source(%dma_start3A_1239 : memref<16x1024xf32, #tpu.memory_space<vmem>>) target(%dma_start3A_1235 : memref<16x1024xf32, #tpu.memory_space<hbm>>) target_semaphore(%dma_start3A_1232 : memref<!tpu.dma_semaphore, #tpu.memory_space<semaphore_mem>>)
    %dma_wait3A_1240 = arith.constant 1 : i32
    %dma_wait3A_1241 = arith.constant 3 : i32
    %dma_wait3A_1242 = arith.constant 3 : i32
    %dma_wait3A_1243 = arith.constant 0 : i32
    %dma_wait3A_1244 = arith.constant 0 : i32
    %dma_wait3A_1245 = tpu.memref_slice %arg5[%dma_wait3A_1241, %dma_wait3A_1243, %dma_wait3A_1244] : memref<5x16x1024xf32, #tpu.memory_space<vmem>> -> memref<1x16x1024xf32, #tpu.memory_space<vmem>>
    %dma_wait3A_1246 = tpu.memref_squeeze %dma_wait3A_1245 : memref<1x16x1024xf32, #tpu.memory_space<vmem>> -> memref<16x1024xf32, #tpu.memory_space<vmem>>
    %dma_wait3A_1247 = arith.constant 0 : i32
    %dma_wait3A_1248 = tpu.memref_slice %arg2[%dma_wait3A_1240, %add3A_1014, %dma_wait3A_1247] : memref<4x2048x1024xf32, #tpu.memory_space<hbm>> -> memref<1x16x1024xf32, #tpu.memory_space<hbm>>
    %dma_wait3A_1249 = tpu.memref_squeeze %dma_wait3A_1248 : memref<1x16x1024xf32, #tpu.memory_space<hbm>> -> memref<16x1024xf32, #tpu.memory_space<hbm>>
    %dma_wait3A_1250 = tpu.memref_slice %arg7[%dma_wait3A_1242] : memref<5x!tpu.dma_semaphore, #tpu.memory_space<semaphore_mem>> -> memref<1x!tpu.dma_semaphore, #tpu.memory_space<semaphore_mem>>
    %dma_wait3A_1251 = tpu.memref_squeeze %dma_wait3A_1250 : memref<1x!tpu.dma_semaphore, #tpu.memory_space<semaphore_mem>> -> memref<!tpu.dma_semaphore, #tpu.memory_space<semaphore_mem>>
    %dma_wait3A_1252 = arith.constant 0 : i32
    %dma_wait3A_1253 = arith.constant 0 : i32
    %dma_wait3A_1254 = tpu.memref_slice %arg5[%dma_wait3A_1241, %dma_wait3A_1252, %dma_wait3A_1253] : memref<5x16x1024xf32, #tpu.memory_space<vmem>> -> memref<1x16x1024xf32, #tpu.memory_space<vmem>>
    %dma_wait3A_1255 = tpu.memref_squeeze %dma_wait3A_1254 : memref<1x16x1024xf32, #tpu.memory_space<vmem>> -> memref<16x1024xf32, #tpu.memory_space<vmem>>
    %dma_wait3A_1256 = arith.constant 0 : i32
    %dma_wait3A_1257 = tpu.memref_slice %arg2[%dma_wait3A_1240, %add3A_1014, %dma_wait3A_1256] : memref<4x2048x1024xf32, #tpu.memory_space<hbm>> -> memref<1x16x1024xf32, #tpu.memory_space<hbm>>
    %dma_wait3A_1258 = tpu.memref_squeeze %dma_wait3A_1257 : memref<1x16x1024xf32, #tpu.memory_space<hbm>> -> memref<16x1024xf32, #tpu.memory_space<hbm>>
    tpu.wait_dma2 semaphore(%dma_wait3A_1251 : memref<!tpu.dma_semaphore, #tpu.memory_space<semaphore_mem>>) src(%dma_wait3A_1258 : memref<16x1024xf32, #tpu.memory_space<hbm>>) dst(%dma_wait3A_1255 : memref<16x1024xf32, #tpu.memory_space<vmem>>)
    %parallel_loop3A_1259 = arith.constant 0 : i32
    %parallel_loop3A_1260 = arith.constant 1024 : i32
    %parallel_loop3A_1261 = arith.constant 1 : i32
    scf.for %parallel_loop3A_1464 = %parallel_loop3A_1259 to %parallel_loop3A_1260 step %parallel_loop3A_1261  : i32 {
      %parallel_loop3A_1465 = arith.constant 6 : i32
      %parallel_loop3A_1466 = arith.shrsi %parallel_loop3A_1464, %parallel_loop3A_1465 : i32
      %parallel_loop3A_1467 = arith.constant 63 : i32
      %parallel_loop3A_1468 = arith.andi %parallel_loop3A_1464, %parallel_loop3A_1467 : i32
      %parallel_loop3A_1469 = arith.constant 16 : i32
      %parallel_loop3A_1470 = arith.muli %parallel_loop3A_1468, %parallel_loop3A_1469 : i32
      %parallel_loop3A_1471 = arith.constant 1 : i32
      %parallel_loop3A_1472 = arith.index_cast %parallel_loop3A_1471 : i32 to index
      %parallel_loop3A_1473 = arith.index_cast %parallel_loop3A_1466 : i32 to index
      %parallel_loop3A_1474 = arith.index_cast %parallel_loop3A_1470 : i32 to index
      %parallel_loop3A_1475 = tpu.vector_load %arg6[%parallel_loop3A_1472, %parallel_loop3A_1473, %parallel_loop3A_1474] {strides = array<i32>} : memref<2x16x1024xf32, #tpu.memory_space<vmem>>, vector<1x1x16xf32>,
      %parallel_loop3A_1476 = vector.shape_cast %parallel_loop3A_1475 : vector<1x1x16xf32> to vector<16xf32>
      %parallel_loop3A_1477 = arith.constant 3 : i32
      %parallel_loop3A_1478 = arith.index_cast %parallel_loop3A_1477 : i32 to index
      %parallel_loop3A_1479 = arith.index_cast %parallel_loop3A_1466 : i32 to index
      %parallel_loop3A_1480 = arith.index_cast %parallel_loop3A_1470 : i32 to index
      %parallel_loop3A_1481 = tpu.vector_load %arg5[%parallel_loop3A_1478, %parallel_loop3A_1479, %parallel_loop3A_1480] {strides = array<i32>} : memref<5x16x1024xf32, #tpu.memory_space<vmem>>, vector<1x1x16xf32>,
      %parallel_loop3A_1482 = vector.shape_cast %parallel_loop3A_1481 : vector<1x1x16xf32> to vector<16xf32>
      %parallel_loop3A_1483 = vector.shape_cast %parallel_loop3A_1476 : vector<16xf32> to vector<1x1x16xf32>
      tpu.vector_store %arg5[%parallel_loop3A_1478, %parallel_loop3A_1479, %parallel_loop3A_1480], %parallel_loop3A_1483 {add = true, strides = array<i32>} : memref<5x16x1024xf32, #tpu.memory_space<vmem>>, vector<1x1x16xf32>,
    } {sc.loop_unroll_factor = 8 : i64, sc.parallel_access}
    %add3A_1262 = arith.constant 48 : i32
    %add3A_1263 = arith.addi %mul3A_2, %add3A_1262 : i32
    %dma_start3A_1264 = arith.constant 3 : i32
    %dma_start3A_1265 = arith.constant 1 : i32
    %dma_start3A_1266 = arith.constant 3 : i32
    %dma_start3A_1267 = arith.constant 0 : i32
    %dma_start3A_1268 = arith.constant 0 : i32
    %dma_start3A_1269 = tpu.memref_slice %arg5[%dma_start3A_1264, %dma_start3A_1267, %dma_start3A_1268] : memref<5x16x1024xf32, #tpu.memory_space<vmem>> -> memref<1x16x1024xf32, #tpu.memory_space<vmem>>
    %dma_start3A_1270 = tpu.memref_squeeze %dma_start3A_1269 : memref<1x16x1024xf32, #tpu.memory_space<vmem>> -> memref<16x1024xf32, #tpu.memory_space<vmem>>
    %dma_start3A_1271 = arith.constant 0 : i32
    %dma_start3A_1272 = tpu.memref_slice %arg4[%dma_start3A_1265, %add3A_1263, %dma_start3A_1271] : memref<4x2048x1024xf32, #tpu.memory_space<hbm>> -> memref<1x16x1024xf32, #tpu.memory_space<hbm>>
    %dma_start3A_1273 = tpu.memref_squeeze %dma_start3A_1272 : memref<1x16x1024xf32, #tpu.memory_space<hbm>> -> memref<16x1024xf32, #tpu.memory_space<hbm>>
    %dma_start3A_1274 = tpu.memref_slice %arg8[%dma_start3A_1266] : memref<5x!tpu.dma_semaphore, #tpu.memory_space<semaphore_mem>> -> memref<1x!tpu.dma_semaphore, #tpu.memory_space<semaphore_mem>>
    %dma_start3A_1275 = tpu.memref_squeeze %dma_start3A_1274 : memref<1x!tpu.dma_semaphore, #tpu.memory_space<semaphore_mem>> -> memref<!tpu.dma_semaphore, #tpu.memory_space<semaphore_mem>>
    %dma_start3A_1276 = arith.constant 0 : i32
    %dma_start3A_1277 = tpu.memref_slice %arg4[%dma_start3A_1265, %add3A_1263, %dma_start3A_1276] : memref<4x2048x1024xf32, #tpu.memory_space<hbm>> -> memref<1x16x1024xf32, #tpu.memory_space<hbm>>
    %dma_start3A_1278 = tpu.memref_squeeze %dma_start3A_1277 : memref<1x16x1024xf32, #tpu.memory_space<hbm>> -> memref<16x1024xf32, #tpu.memory_space<hbm>>
    %dma_start3A_1279 = arith.constant 0 : i32
    %dma_start3A_1280 = arith.constant 0 : i32
    %dma_start3A_1281 = tpu.memref_slice %arg5[%dma_start3A_1264, %dma_start3A_1279, %dma_start3A_1280] : memref<5x16x1024xf32, #tpu.memory_space<vmem>> -> memref<1x16x1024xf32, #tpu.memory_space<vmem>>
    %dma_start3A_1282 = tpu.memref_squeeze %dma_start3A_1281 : memref<1x16x1024xf32, #tpu.memory_space<vmem>> -> memref<16x1024xf32, #tpu.memory_space<vmem>>
    tpu.enqueue_dma source(%dma_start3A_1282 : memref<16x1024xf32, #tpu.memory_space<vmem>>) target(%dma_start3A_1278 : memref<16x1024xf32, #tpu.memory_space<hbm>>) target_semaphore(%dma_start3A_1275 : memref<!tpu.dma_semaphore, #tpu.memory_space<semaphore_mem>>)
    %dma_wait3A_1283 = arith.constant 2 : i32
    %dma_wait3A_1284 = arith.constant 4 : i32
    %dma_wait3A_1285 = arith.constant 4 : i32
    %dma_wait3A_1286 = arith.constant 0 : i32
    %dma_wait3A_1287 = arith.constant 0 : i32
    %dma_wait3A_1288 = tpu.memref_slice %arg5[%dma_wait3A_1284, %dma_wait3A_1286, %dma_wait3A_1287] : memref<5x16x1024xf32, #tpu.memory_space<vmem>> -> memref<1x16x1024xf32, #tpu.memory_space<vmem>>
    %dma_wait3A_1289 = tpu.memref_squeeze %dma_wait3A_1288 : memref<1x16x1024xf32, #tpu.memory_space<vmem>> -> memref<16x1024xf32, #tpu.memory_space<vmem>>
    %dma_wait3A_1290 = arith.constant 0 : i32
    %dma_wait3A_1291 = tpu.memref_slice %arg2[%dma_wait3A_1283, %add3A_1097, %dma_wait3A_1290] : memref<4x2048x1024xf32, #tpu.memory_space<hbm>> -> memref<1x16x1024xf32, #tpu.memory_space<hbm>>
    %dma_wait3A_1292 = tpu.memref_squeeze %dma_wait3A_1291 : memref<1x16x1024xf32, #tpu.memory_space<hbm>> -> memref<16x1024xf32, #tpu.memory_space<hbm>>
    %dma_wait3A_1293 = tpu.memref_slice %arg7[%dma_wait3A_1285] : memref<5x!tpu.dma_semaphore, #tpu.memory_space<semaphore_mem>> -> memref<1x!tpu.dma_semaphore, #tpu.memory_space<semaphore_mem>>
    %dma_wait3A_1294 = tpu.memref_squeeze %dma_wait3A_1293 : memref<1x!tpu.dma_semaphore, #tpu.memory_space<semaphore_mem>> -> memref<!tpu.dma_semaphore, #tpu.memory_space<semaphore_mem>>
    %dma_wait3A_1295 = arith.constant 0 : i32
    %dma_wait3A_1296 = arith.constant 0 : i32
    %dma_wait3A_1297 = tpu.memref_slice %arg5[%dma_wait3A_1284, %dma_wait3A_1295, %dma_wait3A_1296] : memref<5x16x1024xf32, #tpu.memory_space<vmem>> -> memref<1x16x1024xf32, #tpu.memory_space<vmem>>
    %dma_wait3A_1298 = tpu.memref_squeeze %dma_wait3A_1297 : memref<1x16x1024xf32, #tpu.memory_space<vmem>> -> memref<16x1024xf32, #tpu.memory_space<vmem>>
    %dma_wait3A_1299 = arith.constant 0 : i32
    %dma_wait3A_1300 = tpu.memref_slice %arg2[%dma_wait3A_1283, %add3A_1097, %dma_wait3A_1299] : memref<4x2048x1024xf32, #tpu.memory_space<hbm>> -> memref<1x16x1024xf32, #tpu.memory_space<hbm>>
    %dma_wait3A_1301 = tpu.memref_squeeze %dma_wait3A_1300 : memref<1x16x1024xf32, #tpu.memory_space<hbm>> -> memref<16x1024xf32, #tpu.memory_space<hbm>>
    tpu.wait_dma2 semaphore(%dma_wait3A_1294 : memref<!tpu.dma_semaphore, #tpu.memory_space<semaphore_mem>>) src(%dma_wait3A_1301 : memref<16x1024xf32, #tpu.memory_space<hbm>>) dst(%dma_wait3A_1298 : memref<16x1024xf32, #tpu.memory_space<vmem>>)
    %parallel_loop3A_1302 = arith.constant 0 : i32
    %parallel_loop3A_1303 = arith.constant 1024 : i32
    %parallel_loop3A_1304 = arith.constant 1 : i32
    scf.for %parallel_loop3A_1464 = %parallel_loop3A_1302 to %parallel_loop3A_1303 step %parallel_loop3A_1304  : i32 {
      %parallel_loop3A_1465 = arith.constant 6 : i32
      %parallel_loop3A_1466 = arith.shrsi %parallel_loop3A_1464, %parallel_loop3A_1465 : i32
      %parallel_loop3A_1467 = arith.constant 63 : i32
      %parallel_loop3A_1468 = arith.andi %parallel_loop3A_1464, %parallel_loop3A_1467 : i32
      %parallel_loop3A_1469 = arith.constant 16 : i32
      %parallel_loop3A_1470 = arith.muli %parallel_loop3A_1468, %parallel_loop3A_1469 : i32
      %parallel_loop3A_1471 = arith.constant 1 : i32
      %parallel_loop3A_1472 = arith.index_cast %parallel_loop3A_1471 : i32 to index
      %parallel_loop3A_1473 = arith.index_cast %parallel_loop3A_1466 : i32 to index
      %parallel_loop3A_1474 = arith.index_cast %parallel_loop3A_1470 : i32 to index
      %parallel_loop3A_1475 = tpu.vector_load %arg6[%parallel_loop3A_1472, %parallel_loop3A_1473, %parallel_loop3A_1474] {strides = array<i32>} : memref<2x16x1024xf32, #tpu.memory_space<vmem>>, vector<1x1x16xf32>,
      %parallel_loop3A_1476 = vector.shape_cast %parallel_loop3A_1475 : vector<1x1x16xf32> to vector<16xf32>
      %parallel_loop3A_1477 = arith.constant 4 : i32
      %parallel_loop3A_1478 = arith.index_cast %parallel_loop3A_1477 : i32 to index
      %parallel_loop3A_1479 = arith.index_cast %parallel_loop3A_1466 : i32 to index
      %parallel_loop3A_1480 = arith.index_cast %parallel_loop3A_1470 : i32 to index
      %parallel_loop3A_1481 = tpu.vector_load %arg5[%parallel_loop3A_1478, %parallel_loop3A_1479, %parallel_loop3A_1480] {strides = array<i32>} : memref<5x16x1024xf32, #tpu.memory_space<vmem>>, vector<1x1x16xf32>,
      %parallel_loop3A_1482 = vector.shape_cast %parallel_loop3A_1481 : vector<1x1x16xf32> to vector<16xf32>
      %parallel_loop3A_1483 = vector.shape_cast %parallel_loop3A_1476 : vector<16xf32> to vector<1x1x16xf32>
      tpu.vector_store %arg5[%parallel_loop3A_1478, %parallel_loop3A_1479, %parallel_loop3A_1480], %parallel_loop3A_1483 {add = true, strides = array<i32>} : memref<5x16x1024xf32, #tpu.memory_space<vmem>>, vector<1x1x16xf32>,
    } {sc.loop_unroll_factor = 8 : i64, sc.parallel_access}
    %add3A_1305 = arith.constant 48 : i32
    %add3A_1306 = arith.addi %mul3A_2, %add3A_1305 : i32
    %dma_start3A_1307 = arith.constant 4 : i32
    %dma_start3A_1308 = arith.constant 2 : i32
    %dma_start3A_1309 = arith.constant 4 : i32
    %dma_start3A_1310 = arith.constant 0 : i32
    %dma_start3A_1311 = arith.constant 0 : i32
    %dma_start3A_1312 = tpu.memref_slice %arg5[%dma_start3A_1307, %dma_start3A_1310, %dma_start3A_1311] : memref<5x16x1024xf32, #tpu.memory_space<vmem>> -> memref<1x16x1024xf32, #tpu.memory_space<vmem>>
    %dma_start3A_1313 = tpu.memref_squeeze %dma_start3A_1312 : memref<1x16x1024xf32, #tpu.memory_space<vmem>> -> memref<16x1024xf32, #tpu.memory_space<vmem>>
    %dma_start3A_1314 = arith.constant 0 : i32
    %dma_start3A_1315 = tpu.memref_slice %arg4[%dma_start3A_1308, %add3A_1306, %dma_start3A_1314] : memref<4x2048x1024xf32, #tpu.memory_space<hbm>> -> memref<1x16x1024xf32, #tpu.memory_space<hbm>>
    %dma_start3A_1316 = tpu.memref_squeeze %dma_start3A_1315 : memref<1x16x1024xf32, #tpu.memory_space<hbm>> -> memref<16x1024xf32, #tpu.memory_space<hbm>>
    %dma_start3A_1317 = tpu.memref_slice %arg8[%dma_start3A_1309] : memref<5x!tpu.dma_semaphore, #tpu.memory_space<semaphore_mem>> -> memref<1x!tpu.dma_semaphore, #tpu.memory_space<semaphore_mem>>
    %dma_start3A_1318 = tpu.memref_squeeze %dma_start3A_1317 : memref<1x!tpu.dma_semaphore, #tpu.memory_space<semaphore_mem>> -> memref<!tpu.dma_semaphore, #tpu.memory_space<semaphore_mem>>
    %dma_start3A_1319 = arith.constant 0 : i32
    %dma_start3A_1320 = tpu.memref_slice %arg4[%dma_start3A_1308, %add3A_1306, %dma_start3A_1319] : memref<4x2048x1024xf32, #tpu.memory_space<hbm>> -> memref<1x16x1024xf32, #tpu.memory_space<hbm>>
    %dma_start3A_1321 = tpu.memref_squeeze %dma_start3A_1320 : memref<1x16x1024xf32, #tpu.memory_space<hbm>> -> memref<16x1024xf32, #tpu.memory_space<hbm>>
    %dma_start3A_1322 = arith.constant 0 : i32
    %dma_start3A_1323 = arith.constant 0 : i32
    %dma_start3A_1324 = tpu.memref_slice %arg5[%dma_start3A_1307, %dma_start3A_1322, %dma_start3A_1323] : memref<5x16x1024xf32, #tpu.memory_space<vmem>> -> memref<1x16x1024xf32, #tpu.memory_space<vmem>>
    %dma_start3A_1325 = tpu.memref_squeeze %dma_start3A_1324 : memref<1x16x1024xf32, #tpu.memory_space<vmem>> -> memref<16x1024xf32, #tpu.memory_space<vmem>>
    tpu.enqueue_dma source(%dma_start3A_1325 : memref<16x1024xf32, #tpu.memory_space<vmem>>) target(%dma_start3A_1321 : memref<16x1024xf32, #tpu.memory_space<hbm>>) target_semaphore(%dma_start3A_1318 : memref<!tpu.dma_semaphore, #tpu.memory_space<semaphore_mem>>)
    %dma_wait3A_1326 = arith.constant 3 : i32
    %dma_wait3A_1327 = arith.constant 0 : i32
    %dma_wait3A_1328 = arith.constant 0 : i32
    %dma_wait3A_1329 = arith.constant 0 : i32
    %dma_wait3A_1330 = arith.constant 0 : i32
    %dma_wait3A_1331 = tpu.memref_slice %arg5[%dma_wait3A_1327, %dma_wait3A_1329, %dma_wait3A_1330] : memref<5x16x1024xf32, #tpu.memory_space<vmem>> -> memref<1x16x1024xf32, #tpu.memory_space<vmem>>
    %dma_wait3A_1332 = tpu.memref_squeeze %dma_wait3A_1331 : memref<1x16x1024xf32, #tpu.memory_space<vmem>> -> memref<16x1024xf32, #tpu.memory_space<vmem>>
    %dma_wait3A_1333 = arith.constant 0 : i32
    %dma_wait3A_1334 = tpu.memref_slice %arg2[%dma_wait3A_1326, %add3A_1196, %dma_wait3A_1333] : memref<4x2048x1024xf32, #tpu.memory_space<hbm>> -> memref<1x16x1024xf32, #tpu.memory_space<hbm>>
    %dma_wait3A_1335 = tpu.memref_squeeze %dma_wait3A_1334 : memref<1x16x1024xf32, #tpu.memory_space<hbm>> -> memref<16x1024xf32, #tpu.memory_space<hbm>>
    %dma_wait3A_1336 = tpu.memref_slice %arg7[%dma_wait3A_1328] : memref<5x!tpu.dma_semaphore, #tpu.memory_space<semaphore_mem>> -> memref<1x!tpu.dma_semaphore, #tpu.memory_space<semaphore_mem>>
    %dma_wait3A_1337 = tpu.memref_squeeze %dma_wait3A_1336 : memref<1x!tpu.dma_semaphore, #tpu.memory_space<semaphore_mem>> -> memref<!tpu.dma_semaphore, #tpu.memory_space<semaphore_mem>>
    %dma_wait3A_1338 = arith.constant 0 : i32
    %dma_wait3A_1339 = arith.constant 0 : i32
    %dma_wait3A_1340 = tpu.memref_slice %arg5[%dma_wait3A_1327, %dma_wait3A_1338, %dma_wait3A_1339] : memref<5x16x1024xf32, #tpu.memory_space<vmem>> -> memref<1x16x1024xf32, #tpu.memory_space<vmem>>
    %dma_wait3A_1341 = tpu.memref_squeeze %dma_wait3A_1340 : memref<1x16x1024xf32, #tpu.memory_space<vmem>> -> memref<16x1024xf32, #tpu.memory_space<vmem>>
    %dma_wait3A_1342 = arith.constant 0 : i32
    %dma_wait3A_1343 = tpu.memref_slice %arg2[%dma_wait3A_1326, %add3A_1196, %dma_wait3A_1342] : memref<4x2048x1024xf32, #tpu.memory_space<hbm>> -> memref<1x16x1024xf32, #tpu.memory_space<hbm>>
    %dma_wait3A_1344 = tpu.memref_squeeze %dma_wait3A_1343 : memref<1x16x1024xf32, #tpu.memory_space<hbm>> -> memref<16x1024xf32, #tpu.memory_space<hbm>>
    tpu.wait_dma2 semaphore(%dma_wait3A_1337 : memref<!tpu.dma_semaphore, #tpu.memory_space<semaphore_mem>>) src(%dma_wait3A_1344 : memref<16x1024xf32, #tpu.memory_space<hbm>>) dst(%dma_wait3A_1341 : memref<16x1024xf32, #tpu.memory_space<vmem>>)
    %parallel_loop3A_1345 = arith.constant 0 : i32
    %parallel_loop3A_1346 = arith.constant 1024 : i32
    %parallel_loop3A_1347 = arith.constant 1 : i32
    scf.for %parallel_loop3A_1464 = %parallel_loop3A_1345 to %parallel_loop3A_1346 step %parallel_loop3A_1347  : i32 {
      %parallel_loop3A_1465 = arith.constant 6 : i32
      %parallel_loop3A_1466 = arith.shrsi %parallel_loop3A_1464, %parallel_loop3A_1465 : i32
      %parallel_loop3A_1467 = arith.constant 63 : i32
      %parallel_loop3A_1468 = arith.andi %parallel_loop3A_1464, %parallel_loop3A_1467 : i32
      %parallel_loop3A_1469 = arith.constant 16 : i32
      %parallel_loop3A_1470 = arith.muli %parallel_loop3A_1468, %parallel_loop3A_1469 : i32
      %parallel_loop3A_1471 = arith.constant 1 : i32
      %parallel_loop3A_1472 = arith.index_cast %parallel_loop3A_1471 : i32 to index
      %parallel_loop3A_1473 = arith.index_cast %parallel_loop3A_1466 : i32 to index
      %parallel_loop3A_1474 = arith.index_cast %parallel_loop3A_1470 : i32 to index
      %parallel_loop3A_1475 = tpu.vector_load %arg6[%parallel_loop3A_1472, %parallel_loop3A_1473, %parallel_loop3A_1474] {strides = array<i32>} : memref<2x16x1024xf32, #tpu.memory_space<vmem>>, vector<1x1x16xf32>,
      %parallel_loop3A_1476 = vector.shape_cast %parallel_loop3A_1475 : vector<1x1x16xf32> to vector<16xf32>
      %parallel_loop3A_1477 = arith.constant 0 : i32
      %parallel_loop3A_1478 = arith.index_cast %parallel_loop3A_1477 : i32 to index
      %parallel_loop3A_1479 = arith.index_cast %parallel_loop3A_1466 : i32 to index
      %parallel_loop3A_1480 = arith.index_cast %parallel_loop3A_1470 : i32 to index
      %parallel_loop3A_1481 = tpu.vector_load %arg5[%parallel_loop3A_1478, %parallel_loop3A_1479, %parallel_loop3A_1480] {strides = array<i32>} : memref<5x16x1024xf32, #tpu.memory_space<vmem>>, vector<1x1x16xf32>,
      %parallel_loop3A_1482 = vector.shape_cast %parallel_loop3A_1481 : vector<1x1x16xf32> to vector<16xf32>
      %parallel_loop3A_1483 = vector.shape_cast %parallel_loop3A_1476 : vector<16xf32> to vector<1x1x16xf32>
      tpu.vector_store %arg5[%parallel_loop3A_1478, %parallel_loop3A_1479, %parallel_loop3A_1480], %parallel_loop3A_1483 {add = true, strides = array<i32>} : memref<5x16x1024xf32, #tpu.memory_space<vmem>>, vector<1x1x16xf32>,
    } {sc.loop_unroll_factor = 8 : i64, sc.parallel_access}
    %add3A_1348 = arith.constant 48 : i32
    %add3A_1349 = arith.addi %mul3A_2, %add3A_1348 : i32
    %dma_start3A_1350 = arith.constant 0 : i32
    %dma_start3A_1351 = arith.constant 3 : i32
    %dma_start3A_1352 = arith.constant 0 : i32
    %dma_start3A_1353 = arith.constant 0 : i32
    %dma_start3A_1354 = arith.constant 0 : i32
    %dma_start3A_1355 = tpu.memref_slice %arg5[%dma_start3A_1350, %dma_start3A_1353, %dma_start3A_1354] : memref<5x16x1024xf32, #tpu.memory_space<vmem>> -> memref<1x16x1024xf32, #tpu.memory_space<vmem>>
    %dma_start3A_1356 = tpu.memref_squeeze %dma_start3A_1355 : memref<1x16x1024xf32, #tpu.memory_space<vmem>> -> memref<16x1024xf32, #tpu.memory_space<vmem>>
    %dma_start3A_1357 = arith.constant 0 : i32
    %dma_start3A_1358 = tpu.memref_slice %arg4[%dma_start3A_1351, %add3A_1349, %dma_start3A_1357] : memref<4x2048x1024xf32, #tpu.memory_space<hbm>> -> memref<1x16x1024xf32, #tpu.memory_space<hbm>>
    %dma_start3A_1359 = tpu.memref_squeeze %dma_start3A_1358 : memref<1x16x1024xf32, #tpu.memory_space<hbm>> -> memref<16x1024xf32, #tpu.memory_space<hbm>>
    %dma_start3A_1360 = tpu.memref_slice %arg8[%dma_start3A_1352] : memref<5x!tpu.dma_semaphore, #tpu.memory_space<semaphore_mem>> -> memref<1x!tpu.dma_semaphore, #tpu.memory_space<semaphore_mem>>
    %dma_start3A_1361 = tpu.memref_squeeze %dma_start3A_1360 : memref<1x!tpu.dma_semaphore, #tpu.memory_space<semaphore_mem>> -> memref<!tpu.dma_semaphore, #tpu.memory_space<semaphore_mem>>
    %dma_start3A_1362 = arith.constant 0 : i32
    %dma_start3A_1363 = tpu.memref_slice %arg4[%dma_start3A_1351, %add3A_1349, %dma_start3A_1362] : memref<4x2048x1024xf32, #tpu.memory_space<hbm>> -> memref<1x16x1024xf32, #tpu.memory_space<hbm>>
    %dma_start3A_1364 = tpu.memref_squeeze %dma_start3A_1363 : memref<1x16x1024xf32, #tpu.memory_space<hbm>> -> memref<16x1024xf32, #tpu.memory_space<hbm>>
    %dma_start3A_1365 = arith.constant 0 : i32
    %dma_start3A_1366 = arith.constant 0 : i32
    %dma_start3A_1367 = tpu.memref_slice %arg5[%dma_start3A_1350, %dma_start3A_1365, %dma_start3A_1366] : memref<5x16x1024xf32, #tpu.memory_space<vmem>> -> memref<1x16x1024xf32, #tpu.memory_space<vmem>>
    %dma_start3A_1368 = tpu.memref_squeeze %dma_start3A_1367 : memref<1x16x1024xf32, #tpu.memory_space<vmem>> -> memref<16x1024xf32, #tpu.memory_space<vmem>>
    tpu.enqueue_dma source(%dma_start3A_1368 : memref<16x1024xf32, #tpu.memory_space<vmem>>) target(%dma_start3A_1364 : memref<16x1024xf32, #tpu.memory_space<hbm>>) target_semaphore(%dma_start3A_1361 : memref<!tpu.dma_semaphore, #tpu.memory_space<semaphore_mem>>)
    %dma_wait3A_1369 = arith.constant 1 : i32
    %dma_wait3A_1370 = arith.constant 3 : i32
    %dma_wait3A_1371 = arith.constant 1 : i32
    %dma_wait3A_1372 = arith.constant 0 : i32
    %dma_wait3A_1373 = arith.constant 0 : i32
    %dma_wait3A_1374 = tpu.memref_slice %arg5[%dma_wait3A_1369, %dma_wait3A_1372, %dma_wait3A_1373] : memref<5x16x1024xf32, #tpu.memory_space<vmem>> -> memref<1x16x1024xf32, #tpu.memory_space<vmem>>
    %dma_wait3A_1375 = tpu.memref_squeeze %dma_wait3A_1374 : memref<1x16x1024xf32, #tpu.memory_space<vmem>> -> memref<16x1024xf32, #tpu.memory_space<vmem>>
    %dma_wait3A_1376 = arith.constant 0 : i32
    %dma_wait3A_1377 = tpu.memref_slice %arg4[%dma_wait3A_1370, %add3A_1121, %dma_wait3A_1376] : memref<4x2048x1024xf32, #tpu.memory_space<hbm>> -> memref<1x16x1024xf32, #tpu.memory_space<hbm>>
    %dma_wait3A_1378 = tpu.memref_squeeze %dma_wait3A_1377 : memref<1x16x1024xf32, #tpu.memory_space<hbm>> -> memref<16x1024xf32, #tpu.memory_space<hbm>>
    %dma_wait3A_1379 = tpu.memref_slice %arg8[%dma_wait3A_1371] : memref<5x!tpu.dma_semaphore, #tpu.memory_space<semaphore_mem>> -> memref<1x!tpu.dma_semaphore, #tpu.memory_space<semaphore_mem>>
    %dma_wait3A_1380 = tpu.memref_squeeze %dma_wait3A_1379 : memref<1x!tpu.dma_semaphore, #tpu.memory_space<semaphore_mem>> -> memref<!tpu.dma_semaphore, #tpu.memory_space<semaphore_mem>>
    %dma_wait3A_1381 = arith.constant 0 : i32
    %dma_wait3A_1382 = tpu.memref_slice %arg4[%dma_wait3A_1370, %add3A_1121, %dma_wait3A_1381] : memref<4x2048x1024xf32, #tpu.memory_space<hbm>> -> memref<1x16x1024xf32, #tpu.memory_space<hbm>>
    %dma_wait3A_1383 = tpu.memref_squeeze %dma_wait3A_1382 : memref<1x16x1024xf32, #tpu.memory_space<hbm>> -> memref<16x1024xf32, #tpu.memory_space<hbm>>
    %dma_wait3A_1384 = arith.constant 0 : i32
    %dma_wait3A_1385 = arith.constant 0 : i32
    %dma_wait3A_1386 = tpu.memref_slice %arg5[%dma_wait3A_1369, %dma_wait3A_1384, %dma_wait3A_1385] : memref<5x16x1024xf32, #tpu.memory_space<vmem>> -> memref<1x16x1024xf32, #tpu.memory_space<vmem>>
    %dma_wait3A_1387 = tpu.memref_squeeze %dma_wait3A_1386 : memref<1x16x1024xf32, #tpu.memory_space<vmem>> -> memref<16x1024xf32, #tpu.memory_space<vmem>>
    tpu.wait_dma2 semaphore(%dma_wait3A_1380 : memref<!tpu.dma_semaphore, #tpu.memory_space<semaphore_mem>>) src(%dma_wait3A_1387 : memref<16x1024xf32, #tpu.memory_space<vmem>>) dst(%dma_wait3A_1383 : memref<16x1024xf32, #tpu.memory_space<hbm>>)
    %dma_wait3A_1388 = arith.constant 2 : i32
    %dma_wait3A_1389 = arith.constant 0 : i32
    %dma_wait3A_1390 = arith.constant 2 : i32
    %dma_wait3A_1391 = arith.constant 0 : i32
    %dma_wait3A_1392 = arith.constant 0 : i32
    %dma_wait3A_1393 = tpu.memref_slice %arg5[%dma_wait3A_1388, %dma_wait3A_1391, %dma_wait3A_1392] : memref<5x16x1024xf32, #tpu.memory_space<vmem>> -> memref<1x16x1024xf32, #tpu.memory_space<vmem>>
    %dma_wait3A_1394 = tpu.memref_squeeze %dma_wait3A_1393 : memref<1x16x1024xf32, #tpu.memory_space<vmem>> -> memref<16x1024xf32, #tpu.memory_space<vmem>>
    %dma_wait3A_1395 = arith.constant 0 : i32
    %dma_wait3A_1396 = tpu.memref_slice %arg4[%dma_wait3A_1389, %add3A_1220, %dma_wait3A_1395] : memref<4x2048x1024xf32, #tpu.memory_space<hbm>> -> memref<1x16x1024xf32, #tpu.memory_space<hbm>>
    %dma_wait3A_1397 = tpu.memref_squeeze %dma_wait3A_1396 : memref<1x16x1024xf32, #tpu.memory_space<hbm>> -> memref<16x1024xf32, #tpu.memory_space<hbm>>
    %dma_wait3A_1398 = tpu.memref_slice %arg8[%dma_wait3A_1390] : memref<5x!tpu.dma_semaphore, #tpu.memory_space<semaphore_mem>> -> memref<1x!tpu.dma_semaphore, #tpu.memory_space<semaphore_mem>>
    %dma_wait3A_1399 = tpu.memref_squeeze %dma_wait3A_1398 : memref<1x!tpu.dma_semaphore, #tpu.memory_space<semaphore_mem>> -> memref<!tpu.dma_semaphore, #tpu.memory_space<semaphore_mem>>
    %dma_wait3A_1400 = arith.constant 0 : i32
    %dma_wait3A_1401 = tpu.memref_slice %arg4[%dma_wait3A_1389, %add3A_1220, %dma_wait3A_1400] : memref<4x2048x1024xf32, #tpu.memory_space<hbm>> -> memref<1x16x1024xf32, #tpu.memory_space<hbm>>
    %dma_wait3A_1402 = tpu.memref_squeeze %dma_wait3A_1401 : memref<1x16x1024xf32, #tpu.memory_space<hbm>> -> memref<16x1024xf32, #tpu.memory_space<hbm>>
    %dma_wait3A_1403 = arith.constant 0 : i32
    %dma_wait3A_1404 = arith.constant 0 : i32
    %dma_wait3A_1405 = tpu.memref_slice %arg5[%dma_wait3A_1388, %dma_wait3A_1403, %dma_wait3A_1404] : memref<5x16x1024xf32, #tpu.memory_space<vmem>> -> memref<1x16x1024xf32, #tpu.memory_space<vmem>>
    %dma_wait3A_1406 = tpu.memref_squeeze %dma_wait3A_1405 : memref<1x16x1024xf32, #tpu.memory_space<vmem>> -> memref<16x1024xf32, #tpu.memory_space<vmem>>
    tpu.wait_dma2 semaphore(%dma_wait3A_1399 : memref<!tpu.dma_semaphore, #tpu.memory_space<semaphore_mem>>) src(%dma_wait3A_1406 : memref<16x1024xf32, #tpu.memory_space<vmem>>) dst(%dma_wait3A_1402 : memref<16x1024xf32, #tpu.memory_space<hbm>>)
    %dma_wait3A_1407 = arith.constant 3 : i32
    %dma_wait3A_1408 = arith.constant 1 : i32
    %dma_wait3A_1409 = arith.constant 3 : i32
    %dma_wait3A_1410 = arith.constant 0 : i32
    %dma_wait3A_1411 = arith.constant 0 : i32
    %dma_wait3A_1412 = tpu.memref_slice %arg5[%dma_wait3A_1407, %dma_wait3A_1410, %dma_wait3A_1411] : memref<5x16x1024xf32, #tpu.memory_space<vmem>> -> memref<1x16x1024xf32, #tpu.memory_space<vmem>>
    %dma_wait3A_1413 = tpu.memref_squeeze %dma_wait3A_1412 : memref<1x16x1024xf32, #tpu.memory_space<vmem>> -> memref<16x1024xf32, #tpu.memory_space<vmem>>
    %dma_wait3A_1414 = arith.constant 0 : i32
    %dma_wait3A_1415 = tpu.memref_slice %arg4[%dma_wait3A_1408, %add3A_1263, %dma_wait3A_1414] : memref<4x2048x1024xf32, #tpu.memory_space<hbm>> -> memref<1x16x1024xf32, #tpu.memory_space<hbm>>
    %dma_wait3A_1416 = tpu.memref_squeeze %dma_wait3A_1415 : memref<1x16x1024xf32, #tpu.memory_space<hbm>> -> memref<16x1024xf32, #tpu.memory_space<hbm>>
    %dma_wait3A_1417 = tpu.memref_slice %arg8[%dma_wait3A_1409] : memref<5x!tpu.dma_semaphore, #tpu.memory_space<semaphore_mem>> -> memref<1x!tpu.dma_semaphore, #tpu.memory_space<semaphore_mem>>
    %dma_wait3A_1418 = tpu.memref_squeeze %dma_wait3A_1417 : memref<1x!tpu.dma_semaphore, #tpu.memory_space<semaphore_mem>> -> memref<!tpu.dma_semaphore, #tpu.memory_space<semaphore_mem>>
    %dma_wait3A_1419 = arith.constant 0 : i32
    %dma_wait3A_1420 = tpu.memref_slice %arg4[%dma_wait3A_1408, %add3A_1263, %dma_wait3A_1419] : memref<4x2048x1024xf32, #tpu.memory_space<hbm>> -> memref<1x16x1024xf32, #tpu.memory_space<hbm>>
    %dma_wait3A_1421 = tpu.memref_squeeze %dma_wait3A_1420 : memref<1x16x1024xf32, #tpu.memory_space<hbm>> -> memref<16x1024xf32, #tpu.memory_space<hbm>>
    %dma_wait3A_1422 = arith.constant 0 : i32
    %dma_wait3A_1423 = arith.constant 0 : i32
    %dma_wait3A_1424 = tpu.memref_slice %arg5[%dma_wait3A_1407, %dma_wait3A_1422, %dma_wait3A_1423] : memref<5x16x1024xf32, #tpu.memory_space<vmem>> -> memref<1x16x1024xf32, #tpu.memory_space<vmem>>
    %dma_wait3A_1425 = tpu.memref_squeeze %dma_wait3A_1424 : memref<1x16x1024xf32, #tpu.memory_space<vmem>> -> memref<16x1024xf32, #tpu.memory_space<vmem>>
    tpu.wait_dma2 semaphore(%dma_wait3A_1418 : memref<!tpu.dma_semaphore, #tpu.memory_space<semaphore_mem>>) src(%dma_wait3A_1425 : memref<16x1024xf32, #tpu.memory_space<vmem>>) dst(%dma_wait3A_1421 : memref<16x1024xf32, #tpu.memory_space<hbm>>)
    %dma_wait3A_1426 = arith.constant 4 : i32
    %dma_wait3A_1427 = arith.constant 2 : i32
    %dma_wait3A_1428 = arith.constant 4 : i32
    %dma_wait3A_1429 = arith.constant 0 : i32
    %dma_wait3A_1430 = arith.constant 0 : i32
    %dma_wait3A_1431 = tpu.memref_slice %arg5[%dma_wait3A_1426, %dma_wait3A_1429, %dma_wait3A_1430] : memref<5x16x1024xf32, #tpu.memory_space<vmem>> -> memref<1x16x1024xf32, #tpu.memory_space<vmem>>
    %dma_wait3A_1432 = tpu.memref_squeeze %dma_wait3A_1431 : memref<1x16x1024xf32, #tpu.memory_space<vmem>> -> memref<16x1024xf32, #tpu.memory_space<vmem>>
    %dma_wait3A_1433 = arith.constant 0 : i32
    %dma_wait3A_1434 = tpu.memref_slice %arg4[%dma_wait3A_1427, %add3A_1306, %dma_wait3A_1433] : memref<4x2048x1024xf32, #tpu.memory_space<hbm>> -> memref<1x16x1024xf32, #tpu.memory_space<hbm>>
    %dma_wait3A_1435 = tpu.memref_squeeze %dma_wait3A_1434 : memref<1x16x1024xf32, #tpu.memory_space<hbm>> -> memref<16x1024xf32, #tpu.memory_space<hbm>>
    %dma_wait3A_1436 = tpu.memref_slice %arg8[%dma_wait3A_1428] : memref<5x!tpu.dma_semaphore, #tpu.memory_space<semaphore_mem>> -> memref<1x!tpu.dma_semaphore, #tpu.memory_space<semaphore_mem>>
    %dma_wait3A_1437 = tpu.memref_squeeze %dma_wait3A_1436 : memref<1x!tpu.dma_semaphore, #tpu.memory_space<semaphore_mem>> -> memref<!tpu.dma_semaphore, #tpu.memory_space<semaphore_mem>>
    %dma_wait3A_1438 = arith.constant 0 : i32
    %dma_wait3A_1439 = tpu.memref_slice %arg4[%dma_wait3A_1427, %add3A_1306, %dma_wait3A_1438] : memref<4x2048x1024xf32, #tpu.memory_space<hbm>> -> memref<1x16x1024xf32, #tpu.memory_space<hbm>>
    %dma_wait3A_1440 = tpu.memref_squeeze %dma_wait3A_1439 : memref<1x16x1024xf32, #tpu.memory_space<hbm>> -> memref<16x1024xf32, #tpu.memory_space<hbm>>
    %dma_wait3A_1441 = arith.constant 0 : i32
    %dma_wait3A_1442 = arith.constant 0 : i32
    %dma_wait3A_1443 = tpu.memref_slice %arg5[%dma_wait3A_1426, %dma_wait3A_1441, %dma_wait3A_1442] : memref<5x16x1024xf32, #tpu.memory_space<vmem>> -> memref<1x16x1024xf32, #tpu.memory_space<vmem>>
    %dma_wait3A_1444 = tpu.memref_squeeze %dma_wait3A_1443 : memref<1x16x1024xf32, #tpu.memory_space<vmem>> -> memref<16x1024xf32, #tpu.memory_space<vmem>>
    tpu.wait_dma2 semaphore(%dma_wait3A_1437 : memref<!tpu.dma_semaphore, #tpu.memory_space<semaphore_mem>>) src(%dma_wait3A_1444 : memref<16x1024xf32, #tpu.memory_space<vmem>>) dst(%dma_wait3A_1440 : memref<16x1024xf32, #tpu.memory_space<hbm>>)
    %dma_wait3A_1445 = arith.constant 0 : i32
    %dma_wait3A_1446 = arith.constant 3 : i32
    %dma_wait3A_1447 = arith.constant 0 : i32
    %dma_wait3A_1448 = arith.constant 0 : i32
    %dma_wait3A_1449 = arith.constant 0 : i32
    %dma_wait3A_1450 = tpu.memref_slice %arg5[%dma_wait3A_1445, %dma_wait3A_1448, %dma_wait3A_1449] : memref<5x16x1024xf32, #tpu.memory_space<vmem>> -> memref<1x16x1024xf32, #tpu.memory_space<vmem>>
    %dma_wait3A_1451 = tpu.memref_squeeze %dma_wait3A_1450 : memref<1x16x1024xf32, #tpu.memory_space<vmem>> -> memref<16x1024xf32, #tpu.memory_space<vmem>>
    %dma_wait3A_1452 = arith.constant 0 : i32
    %dma_wait3A_1453 = tpu.memref_slice %arg4[%dma_wait3A_1446, %add3A_1349, %dma_wait3A_1452] : memref<4x2048x1024xf32, #tpu.memory_space<hbm>> -> memref<1x16x1024xf32, #tpu.memory_space<hbm>>
    %dma_wait3A_1454 = tpu.memref_squeeze %dma_wait3A_1453 : memref<1x16x1024xf32, #tpu.memory_space<hbm>> -> memref<16x1024xf32, #tpu.memory_space<hbm>>
    %dma_wait3A_1455 = tpu.memref_slice %arg8[%dma_wait3A_1447] : memref<5x!tpu.dma_semaphore, #tpu.memory_space<semaphore_mem>> -> memref<1x!tpu.dma_semaphore, #tpu.memory_space<semaphore_mem>>
    %dma_wait3A_1456 = tpu.memref_squeeze %dma_wait3A_1455 : memref<1x!tpu.dma_semaphore, #tpu.memory_space<semaphore_mem>> -> memref<!tpu.dma_semaphore, #tpu.memory_space<semaphore_mem>>
    %dma_wait3A_1457 = arith.constant 0 : i32
    %dma_wait3A_1458 = tpu.memref_slice %arg4[%dma_wait3A_1446, %add3A_1349, %dma_wait3A_1457] : memref<4x2048x1024xf32, #tpu.memory_space<hbm>> -> memref<1x16x1024xf32, #tpu.memory_space<hbm>>
    %dma_wait3A_1459 = tpu.memref_squeeze %dma_wait3A_1458 : memref<1x16x1024xf32, #tpu.memory_space<hbm>> -> memref<16x1024xf32, #tpu.memory_space<hbm>>
    %dma_wait3A_1460 = arith.constant 0 : i32
    %dma_wait3A_1461 = arith.constant 0 : i32
    %dma_wait3A_1462 = tpu.memref_slice %arg5[%dma_wait3A_1445, %dma_wait3A_1460, %dma_wait3A_1461] : memref<5x16x1024xf32, #tpu.memory_space<vmem>> -> memref<1x16x1024xf32, #tpu.memory_space<vmem>>
    %dma_wait3A_1463 = tpu.memref_squeeze %dma_wait3A_1462 : memref<1x16x1024xf32, #tpu.memory_space<vmem>> -> memref<16x1024xf32, #tpu.memory_space<vmem>>
    tpu.wait_dma2 semaphore(%dma_wait3A_1456 : memref<!tpu.dma_semaphore, #tpu.memory_space<semaphore_mem>>) src(%dma_wait3A_1463 : memref<16x1024xf32, #tpu.memory_space<vmem>>) dst(%dma_wait3A_1459 : memref<16x1024xf32, #tpu.memory_space<hbm>>)
    return
  }
}

</mosaic_0001>

<sc_bundles>
// kernel: kernel.3.cloned.1.call-start
scs
__scs_entry_jumppad:
0x0: {  	(pc) =	sbr.rel $0x88, $3  }
0x1: {  	(tag) =	ssettag $0x0;
	lr =	simm.s32 $0x1  }
0x2: {  	[smem:$0x3F9F] =	sst lr;
	_ =	strace $0xD0000000  }
0x3: {  	_ = 	snop  }
0x4: {  	_ = 	snop  }
0x5: {  	_ = 	snop  }
0x6: {  	_ = 	snop  }
0x7: {  	_ = 	snop  }
__scs_overlays_trampoline_lowered:
0x8: {  	[smem:$0x3FAE] =	sst s0  }
0x9: {  	[smem:$0x3FAF] =	sst s1  }
0xa: {  	[smem:$0x3FB0] =	sst s2  }
0xb: {  	[smem:$0x3FB1] =	sst s3  }
0xc: {  	[smem:$0x3FB2] =	sst s4  }
0xd: {  	[smem:$0x3FB3] =	sst s5  }
0xe: {  	[smem:$0x3FB4] =	sst s6  }
0xf: {  	[smem:$0x3FB5] =	sst s7  }
0x10: {  	[smem:$0x3FB6] =	sst s8  }
0x11: {  	[smem:$0x3FB7] =	sst s9;
	s0 =	simm.s32 @!p0 $0x0  }
0x12: {  	s1 =	sld [smem:$0x3F9D];
	s0 =	simm.s32 @p0 $0x1  }
0x13: {  	[smem:$0x3FB8] =	sst s0;
	s0 =	simm.s32 @!p1 $0x0  }
0x14: {  	s2 =	sld [smem:$0x3F9C];
	s0 =	simm.s32 @p1 $0x1  }
0x15: {  	[smem:$0x3FB9] =	sst s0;
	s0 =	simm.s32 @!p2 $0x0  }
0x16: {  	s3 =	sld [smem:$0x3FDB];
	s0 =	simm.s32 @p2 $0x1  }
0x17: {  	s4 =	simm.s32 $0x1BF5;
	[smem:$0x3FBB] =	sst s0  }
0x18: {  	s0 =	sld [smem:$0x3F9E];
	_ =	swait.ge [sflag:s4], $0x0  }
0x19: {  	s7 =	sld [smem:$0x3F9F]  }
0x1a: {  	s8 =	sadd.s32 $0xFFFFE003, lr  }
0x1b: {  	s9 =	sadd.s32 $0xFFFFFEF7, lr;
	s5 =	simm.s32 $0xFFFFFFFF;
	p2 =	slt.u32 s8, $0xFFFFF086  }
0x1c: {  	p1 =	slt.u32 s9, $0xF7A;
	s5 =	simm.s32 @!p2 $0x0  }
0x1d: {  	s5 =	simm.s32 @p1 $0x1;
	p0 =	seq.s32 s7, s2  }
0x1e: {  	s7 =	smul.u32 @!p0 $0xF7A, s2;
	p2 =	seq.s32 @!p0 s5, $0x0  }
0x1f: {  	s9 =	smul.u32 $0xF7A, s1;
	s8 =	simm.s32 @!p0 $0x1BF5;
	p2 =	por !p2, p0  }
0x20: {  	[sflag:s8] =	ssyncset.s32 @!p0 $0xFFFFF086;
	s6 =	sadd.s32 @!p0 s3, s7;
	s7 =	simm.s32 @!p0 $0x108  }
0x21: {  	s3 =	sadd.s32 s3, s9;
	s6 =	sadd.s32 @!p0 $0x88, s6;
	s7 =	simm.s32 @p2 $0x1082  }
0x22: {  	[simem:s7], [sflag:s8] =	dma.local @!p0 [hbm:s6], $0xF7A  }
0x23: {  	s9 =	sor.u32 $0xD0000000, s2;
	s6 =	simm.s32 $0x108;
	_ =	swait.ge @!p0 [sflag:s8], $0x0  }
0x24: {  	s3 =	sadd.s32 $0x88, s3;
	s6 =	simm.s32 @!p1 $0x1082;
	[sflag:s4] =	ssyncset.s32 $0xFFFFF086  }
0x25: {  	[simem:s6], [sflag:s4] =	dma.local [hbm:s3], $0xF7A  }
0x26: {  	[smem:$0x3F9F] =	sst s1;
	(tag) =	ssettag s2;
	_ =	strace s9  }
0x27: {  	s1 =	sld [smem:$0x3FAF]  }
0x28: {  	s2 =	sld [smem:$0x3FB0]  }
0x29: {  	s4 =	sld [smem:$0x3FB2]  }
0x2a: {  	p0 =	seq.s32 s5, $0x0;
	s5 =	sld [smem:$0x3FB3]  }
0x2b: {  	s6 =	sld [smem:$0x3FB4]  }
0x2c: {  	s7 =	sld [smem:$0x3FB5]  }
0x2d: {  	s3 =	simm.s32 $0x108;
	s8 =	sld [smem:$0x3FB6]  }
0x2e: {  	s3 =	simm.s32 @!p0 $0x1082;
	s9 =	sld [smem:$0x3FB7]  }
0x2f: {  	lr =	sadd.s32 s0, s3;
	s0 =	sld [smem:$0x3FAE]  }
0x30: {  	s3 =	sld [smem:$0x3FB1]  }
0x31: {  	[smem:$0x3FBA] =	sst s10  }
0x32: {  	s10 =	sld [smem:$0x3FB8];
	_ =	sdelay $0x3  }
0x33: {  	p0 =	seq.s32 s10, $0x1;
	s10 =	sld [smem:$0x3FBA];
	_ =	sdelay $0x3  }
0x34: {  	[smem:$0x3FBA] =	sst s10  }
0x35: {  	s10 =	sld [smem:$0x3FB9];
	_ =	sdelay $0x3  }
0x36: {  	p1 =	seq.s32 s10, $0x1;
	s10 =	sld [smem:$0x3FBA];
	_ =	sdelay $0x3  }
0x37: {  	[smem:$0x3FBA] =	sst s10  }
0x38: {  	s10 =	sld [smem:$0x3FBB]  }
0x39: {  	_ = 	snop;
	(pc) =	sbr.ind lr, $3  }
0x3a: {  	_ = 	snop  }
0x3b: {  	_ = 	snop  }
0x3c: {  	p2 =	seq.s32 s10, $0x1;
	s10 =	sld [smem:$0x3FBA]  }
0x3d: {  	_ =	shalt  }
0x3e: {  	_ =	shalt  }
0x3f: {  	_ =	shalt  }
0x40: {  	_ =	shalt  }
0x41: {  	_ =	shalt  }
0x42: {  	_ =	shalt  }
0x43: {  	_ =	shalt  }
0x44: {  	_ =	shalt  }
0x45: {  	_ =	shalt  }
0x46: {  	_ =	shalt  }
0x47: {  	_ =	shalt  }
0x48: {  	_ =	shalt  }
0x49: {  	_ =	shalt  }
0x4a: {  	_ =	shalt  }
0x4b: {  	_ =	shalt  }
0x4c: {  	_ =	shalt  }
0x4d: {  	_ =	shalt  }
0x4e: {  	_ =	shalt  }
0x4f: {  	_ =	shalt  }
0x50: {  	_ =	shalt  }
0x51: {  	_ =	shalt  }
0x52: {  	_ =	shalt  }
0x53: {  	_ =	shalt  }
0x54: {  	_ =	shalt  }
0x55: {  	_ =	shalt  }
0x56: {  	_ =	shalt  }
0x57: {  	_ =	shalt  }
0x58: {  	_ =	shalt  }
0x59: {  	_ =	shalt  }
0x5a: {  	_ =	shalt  }
0x5b: {  	_ =	shalt  }
0x5c: {  	_ =	shalt  }
0x5d: {  	_ =	shalt  }
0x5e: {  	_ =	shalt  }
0x5f: {  	_ =	shalt  }
0x60: {  	_ =	shalt  }
0x61: {  	_ =	shalt  }
0x62: {  	_ =	shalt  }
0x63: {  	_ =	shalt  }
0x64: {  	_ =	shalt  }
0x65: {  	_ =	shalt  }
0x66: {  	_ =	shalt  }
0x67: {  	_ =	shalt  }
0x68: {  	_ =	shalt  }
0x69: {  	_ =	shalt  }
0x6a: {  	_ =	shalt  }
0x6b: {  	_ =	shalt  }
0x6c: {  	_ =	shalt  }
0x6d: {  	_ =	shalt  }
0x6e: {  	_ =	shalt  }
0x6f: {  	_ =	shalt  }
0x70: {  	_ =	shalt  }
0x71: {  	_ =	shalt  }
0x72: {  	_ =	shalt  }
0x73: {  	_ =	shalt  }
0x74: {  	_ =	shalt  }
0x75: {  	_ =	shalt  }
0x76: {  	_ =	shalt  }
0x77: {  	_ =	shalt  }
0x78: {  	_ =	shalt  }
0x79: {  	_ =	shalt  }
0x7a: {  	_ =	shalt  }
0x7b: {  	_ =	shalt  }
0x7c: {  	_ =	shalt  }
0x7d: {  	_ =	shalt  }
0x7e: {  	_ =	shalt  }
0x7f: {  	_ =	shalt  }
0x80: {  	_ =	shalt  }
0x81: {  	_ =	shalt  }
0x82: {  	_ =	shalt  }
0x83: {  	_ =	shalt  }
0x84: {  	_ =	shalt  }
0x85: {  	_ =	shalt  }
0x86: {  	_ =	shalt  }
0x87: {  	_ =	shalt  }
.Lfunc_end0:
.L_simem_size_0:
called_computation_lowered:
.L_overlay_start_0:
0x88: {  	s2 =	sld [smem:$0x3FD9]  }
0x89: {  	s3 =	sld [smem:$0x3FFE];
	_ =	sdelay $0x1  }
0x8a: {  	s1 =	srdreg.scid  }
0x8b: {  	s0 =	sand.u32 $0x1, s1  }
0x8c: {  	s18 =	sshll.u32 s0, $0xA;
	s2 =	sadd.s32 s3, s2  }
0x8d: {  	s2 =	sadd.s32 s2, s18  }
0x8e: {  	[smem:$0x3FC6] =	sst s2  }
0x8f: {  	_ = 	snop  }
0x90: {  	s2 =	sld [smem:$0x3FC9]  }
0x91: {  	s19 =	sld [smem:$0x3FC8]  }
0x92: {  	s4 =	sld [smem:$0x3FD0];
	(tm) =	ssettm $0x1  }
0x93: {  	s5 =	sld [smem:$0x3FFB];
	_ =	sdelay $0x3  }
0x94: {  	_ =	strace s5  }
0x95: {  	s5 =	sld [smem:$0x3FFC];
	_ =	sdelay $0x3  }
0x96: {  	_ =	strace s5  }
0x97: {  	s5 =	sld [smem:$0x3FFD];
	_ =	sdelay $0x3  }
0x98: {  	_ =	strace s5  }
0x99: {  	_ =	strace $0x8FFFFFFF  }
0x9a: {  	s20 =	sld [smem:$0x3FDB];
	_ =	sdelay $0x1  }
0x9b: {  	s6 =	simm.s32 $_scs_section_size  }
0x9c: {  	s7 =	simm.s32 $_size__tile_overlayer_lowered;
	s8 =	simm.s32 $_tile_overlayer_lowered  }
0x9d: {  	s23 =	simm.s32 $0x1BFF;
	s22 =	sshll.u32 s8, $0x1;
	s5 =	sadd.s32 s6, s20  }
0x9e: {  	s9 =	simm.s32 $0x0;
	s21 =	sshll.u32 s7, $0x1;
	s7 =	sadd.s32 s22, s5  }
0x9f: {  	[timem:s9], [sflag:s23] =	dma.local [hbm:s7], s21  }
0xa0: {  	_ =	swait.ge [sflag:s23], s21  }
0xa1: {  	s6 =	ssub.s32 $0x0, s21;
	[sflag:s23] =	ssyncset.done $0x0  }
0xa2: {  	[sflag:s23] =	ssyncadd.s32 s6;
	_ =	sdelay $0x1  }
0xa3: {  	s24 =	simm.s32 $0x1B8B  }
0xa4: {  	_ =	swait.ge [sflag:s24], $0x1  }
0xa5: {  	[sflag:s24] =	ssyncset.done $0x0  }
0xa6: {  	s25 =	simm.s32 $0x1B8E;
	[sflag:s24] =	ssyncadd.s32 $0xFFFFFFFF  }
0xa7: {  	s26 =	simm.s32 $execute0_lowered;
	[smem:$0x3FD2] =	sst s25  }
0xa8: {  	s6 =	sshll.u32 s26, $0x1;
	_ =	strace $0x80000046;
	[dreg:$0x1] =	wrdreg $0xFFFFFFFF  }
0xa9: {  	s28 =	simm.s32 $_size_execute0_lowered;
	s5 =	sadd.s32 s5, s6;
	[dreg:$0x0] =	wrdreg $0x0  }
0xaa: {  	s6 =	sshll.u32 s28, $0x1;
	[dreg:$0x2] =	wrdreg s5  }
0xab: {  	[dreg:$0x3] =	wrdreg s6  }
0xac: {  	[dreg:$0x4] =	wrdreg $0xC0  }
0xad: {  	_ =	task [dreg:s9], $0x5FFFF  }
0xae: {  	[dreg:$0x1] =	wrdreg $0xFFFFFFFF  }
0xaf: {  	[dreg:$0x0] =	wrdreg $0x60  }
0xb0: {  	[dreg:$0x2] =	wrdreg s2  }
0xb1: {  	[dreg:$0x3] =	wrdreg s19  }
0xb2: {  	[dreg:$0x4] =	wrdreg s4  }
0xb3: {  	[dreg:$0x5] =	wrdreg $0x9  }
0xb4: {  	_ =	task.clear_ibuf [dreg:s9], $0x6FFFF;
	_ =	strace $0x90000046  }
0xb5: {  	s29 =	simm.s32 $0x9;
	_ =	strace $0x80000048  }
0xb6: {  	_ =	swait.ge [sflag:s29], $0x1  }
0xb7: {  	[sflag:s29] =	ssyncadd.s32 $0xFFFFFFFF  }
0xb8: {  	_ =	strace $0x90000048  }
0xb9: {  	_ =	sfence  }
0xba: {  	s30 =	sld [smem:$0x0];
	_ =	sdelay $0x2  }
0xbb: {  	s31 =	sshll.u32 s1, $0xD;
	s1 =	sshrl.u32 s1, $0x2  }
0xbc: {  	s3 =	sand.u32 $0x4000, s31;
	s1 =	sadd.s32 s1, s30  }
0xbd: {  	s0 =	sor.u32 s3, s0;
	s1 =	sshll.u32 s1, $0x11  }
0xbe: {  	s0 =	sor.u32 s1, s0  }
0xbf: {  	s0 =	sadd.s32 $0x8F2B, s0  }
0xc0: {  	[sflag:s0] =	ssyncadd.remote.s32 $0x1  }
0xc1: {  	_ =	sfence.sel $0xFFFF  }
0xc2: {  	[dreg:$0x0] =	wrdreg $0xFFFFFFFF;
	(pc) =	sbr.abs _section_cstart, $3  }
0xc3: {  	[dreg:$0x1] =	wrdreg $0xFFFFFFFF  }
0xc4: {  	_ =	task.clear_ibuf [dreg:s9], $0x2FFFF;
	_ =	strace $0x9FFFFFFF  }
0xc5: {  	(tm) =	ssettm $0x7FFFFFFF  }
tec
execute0_lowered:
.L_overlay_start_1:
0x0: {  	(tag) =	ssettag $0x1  }
0x1: {  	s1 =	srdreg.scid  }
0x2: {  	s0 =	rddreg [dreg:$0x0];
	s4 =	stileid.u32;
	s3 =	sand.u32 $0x1, s1  }
0x3: {  	s2 =	rddreg [dreg:$0x1];
	s4 =	sshll.u32 s4, $0xE;
	s5 =	sshll.u32 s3, $0xD  }
0x4: {  	s7 =	rddreg [dreg:$0x2];
	s1 =	simm.s32 $0x0;
	s4 =	sor.u32 s5, s4  }
0x5: {  	[smem:$0x7FF] =	sst s1;
	s6 =	sor.u32 $0x40000, s4;
	s16 =	sadd.s32 s2, s4  }
0x6: {  	s8 =	sor.u32 $0x80000, s4;
	s14 =	sadd.s32 s0, s6;
	[dreg:$0x6] =	wrdreg s16  }
0x7: {  	s17 =	sor.u32 $0x800, s4;
	s15 =	sadd.s32 s0, s8;
	[dreg:$0x4] =	wrdreg s14  }
0x8: {  	s18 =	sor.u32 $0xC0000, s4;
	s10 =	sadd.s32 s2, s17;
	[dreg:$0x5] =	wrdreg s15  }
0x9: {  	s19 =	sadd.s32 s0, s18;
	[dreg:$0x7] =	wrdreg s10  }
0xa: {  	s20 =	sadd.s32 s0, s17;
	[dreg:$0x8] =	wrdreg s19  }
0xb: {  	s21 =	sor.u32 $0x40800, s4;
	s6 =	sadd.s32 s7, s6;
	[dreg:$0x9] =	wrdreg s20  }
0xc: {  	s3 =	ssub.s32 $0x2, s3;
	s11 =	sadd.s32 s0, s21;
	[dreg:$0xa] =	wrdreg s6  }
0xd: {  	s22 =	sor.u32 $0x80800, s4;
	s8 =	sadd.s32 s7, s8;
	[dreg:$0xb] =	wrdreg s11  }
0xe: {  	s13 =	sshrl.u32 s3, $0x1;
	s23 =	sadd.s32 s0, s22;
	[dreg:$0xc] =	wrdreg s8  }
0xf: {  	s24 =	sor.u32 $0x1000, s4;
	s5 =	sadd.s32 s7, s18;
	[dreg:$0xd] =	wrdreg s23  }
0x10: {  	s25 =	sor.u32 $0xC0800, s4;
	s26 =	sadd.s32 s2, s24;
	[dreg:$0xe] =	wrdreg s5  }
0x11: {  	s9 =	ssub.s32 s3, s13;
	s28 =	sadd.s32 s0, s25;
	[dreg:$0xf] =	wrdreg s26  }
0x12: {  	s31 =	sor.u32 $0x1800, s4;
	s3 =	sadd.s32 s7, s17;
	[dreg:$0x10] =	wrdreg s28  }
0x13: {  	s29 =	sadd.s32 s7, s21;
	s30 =	sadd.s32 s7, s22;
	[dreg:$0x11] =	wrdreg s3  }
0x14: {  	s2 =	sadd.s32 s2, s31;
	s12 =	sadd.s32 s0, s24;
	[dreg:$0x12] =	wrdreg s29  }
0x15: {  	s13 =	sadd.s32 s7, s24;
	s16 =	sor.u32 $0xC1000, s4;
	[dreg:$0x13] =	wrdreg s30  }
0x16: {  	s21 =	sadd.s32 s7, s4;
	s22 =	sor.u32 $0x41800, s4;
	[dreg:$0x15] =	wrdreg s2  }
0x17: {  	s24 =	sor.u32 $0xC1800, s4;
	s10 =	sadd.s32 s7, s25;
	[dreg:$0x16] =	wrdreg s12  }
0x18: {  	s11 =	sor.u32 $0x41000, s4;
	[dreg:$0x17] =	wrdreg s13;
	s15 =	sor.u32 $0x81000, s4  }
0x19: {  	s18 =	sadd.s32 s0, s16;
	s19 =	sadd.s32 s7, s16;
	[dreg:$0x1f] =	wrdreg s21  }
0x1a: {  	s20 =	sadd.s32 s0, s4;
	s23 =	sor.u32 $0x81800, s4;
	[dreg:$0x14] =	wrdreg s10  }
0x1b: {  	s25 =	sadd.s32 s0, s31;
	s26 =	sadd.s32 s0, s22;
	[dreg:$0x1c] =	wrdreg s18  }
0x1c: {  	s29 =	sadd.s32 s7, s31;
	s30 =	sadd.s32 s7, s22;
	[dreg:$0x1d] =	wrdreg s19  }
0x1d: {  	s8 =	smax.u32 s9, $0x1;
	s9 =	simm.s32 $0x4000;
	[dreg:$0x1e] =	wrdreg s20  }
0x1e: {  	s13 =	simm.s32 $0xB;
	s16 =	simm.s32 $0x2;
	[smem:$0x7F7] =	sst s25  }
0x1f: {  	s21 =	simm.s32 $0x7;
	s22 =	simm.s32 $0xC;
	[smem:$0x7F8] =	sst s26  }
0x20: {  	s12 =	simm.s32 $0x9;
	s14 =	sadd.s32 s0, s11;
	[smem:$0x7FB] =	sst s29  }
0x21: {  	s2 =	sadd.s32 s7, s11;
	s17 =	sadd.s32 s0, s15;
	[smem:$0x7FC] =	sst s30  }
0x22: {  	s28 =	sadd.s32 s0, s23;
	s0 =	sadd.s32 s0, s24;
	[dreg:$0x18] =	wrdreg s14  }
0x23: {  	s31 =	sadd.s32 s7, s23;
	s10 =	simm.s32 $0x8000;
	[dreg:$0x19] =	wrdreg s2  }
0x24: {  	s18 =	simm.s32 $0x3;
	s19 =	simm.s32 $0x6;
	[dreg:$0x1a] =	wrdreg s17  }
0x25: {  	s20 =	simm.s32 $0x4;
	s23 =	simm.s32 $0x5;
	[smem:$0x7F9] =	sst s28  }
0x26: {  	s11 =	simm.s32 $0x8;
	s25 =	simm.s32 $0x0;
	[smem:$0x7FA] =	sst s0  }
0x27: {  	s2 =	sadd.s32 s7, s15;
	[smem:$0x7FD] =	sst s31;
	s7 =	sadd.s32 s7, s24  }
0x28: {  	s14 =	simm.s32 $0x1;
	s15 =	simm.s32 $0xC000;
	[dreg:$0x1b] =	wrdreg s2  }
0x29: {  	s17 =	simm.s32 $0x10000;
	s24 =	simm.s32 $0xA;
	_ =	strace $0x80000047  }
.LBB2_1:
0x2a: {  	s0 =	rddreg [dreg:$0x1e]  }
0x2b: {  	[tilespmem:s1], [sflag:$0x1] =	stream.linear.gather [hbm4b:s0+s1], $0x4000, $0x38;
	[tilespmem:$0x1C000] =	vst v63  }
0x2c: {  	s5 =	rddreg [dreg:$0x4]  }
0x2d: {  	[tilespmem:s9], [sflag:$0x2] =	stream.linear.gather [hbm4b:s5+s1], $0x4000, $0x38;
	[tilespmem:$0x1C000] =	vst v63  }
0x2e: {  	s6 =	rddreg [dreg:$0x5]  }
0x2f: {  	[tilespmem:s10], [sflag:$0x3] =	stream.linear.gather [hbm4b:s6+s1], $0x4000, $0x38;
	[tilespmem:$0x1C000] =	vst v63  }
0x30: {  	s26 =	rddreg [dreg:$0x6];
	s2 =	simm.s32 $0x14000  }
0x31: {  	[tilespmem:s2], [sflag:$0xB] =	stream.linear.gather [hbm4b:s26+s1], $0x4000, $0x38;
	[tilespmem:$0x1C000] =	vst v63  }
0x32: {  	s3 =	simm.s32 $0x18000;
	s2 =	rddreg [dreg:$0x7]  }
0x33: {  	[tilespmem:s3], [sflag:$0xC] =	stream.linear.gather [hbm4b:s2+s1], $0x4000, $0x38;
	[tilespmem:$0x1C000] =	vst v63  }
0x34: {  	_ =	swait.ge [sflag:s13], $0x4000  }
0x35: {  	s5 =	simm.s32 $0x0;
	[sflag:s13] =	ssyncset.done $0x0  }
0x36: {  	s0 =	sand.u32 $0x2000, s5;
	[sflag:s13] =	ssyncadd.s32 $0xFFFFC000  }
0x37: {  	s6 =	sand.u32 $0x1C00, s1;
	s26 =	simm.s32 $0x0;
	_ =	swait.ge [sflag:s14], $0x4000  }
0x38: {  	s0 =	sor.u32 s6, s0;
	s26 =	sand.u32 $0x380, s26;
	[sflag:s14] =	ssyncset.done $0x0  }
0x39: {  	s28 =	sor.u32 s26, s0;
	s4 =	rddreg [dreg:$0x8];
	[sflag:s14] =	ssyncadd.s32 $0xFFFFC000  }
0x3a: {  	[tilespmem:s15], [sflag:$0x4] =	stream.linear.gather [hbm4b:s4+s1], $0x4000, $0x38;
	[tilespmem:$0x1C000] =	vst v63  }
0x3b: {  	v0 =	vld [tilespmem:s28+$0x14070]  }
0x3c: {  	v5 =	vld [tilespmem:s28+$0x14000]  }
0x3d: {  	v6 =	vld [tilespmem:s28+$0x14010]  }
0x3e: {  	v4 =	vld [tilespmem:s28+$0x14020]  }
0x3f: {  	v1 =	vld [tilespmem:s28+$0x14030]  }
0x40: {  	v3 =	vld [tilespmem:s28+$0x14040]  }
0x41: {  	s0 =	sor.u32 $0x70, s28;
	v2 =	vld [tilespmem:s28+$0x14060]  }
0x42: {  	[tilespmem:s0+$0x0] =	vst.add.f32.msk $0xffff, v0  }
0x43: {  	s26 =	simm.s32 $0x0;
	s3 =	sor.u32 $0x10, s28;
	v0 =	vld [tilespmem:s28+$0x14050]  }
0x44: {  	s2 =	sor.u32 $0x20, s28;
	s31 =	sor.u32 $0x40, s28;
	s30 =	sor.u32 $0x50, s28;
	[tilespmem:s28+$0x0] =	vst.add.f32.msk $0xffff, v5  }
0x45: {  	s29 =	sor.u32 $0x60, s28;
	s0 =	sor.u32 $0x30, s28;
	[tilespmem:s3+$0x0] =	vst.add.f32.msk $0xffff, v6;
	s28 =	simm.s32 $0x0  }
.LBB2_2:
0x46: {  	s26 =	sadd.s32 $0x8, s26;
	[tilespmem:s2+$0x0] =	vst.add.f32.msk $0xffff, v4  }
0x47: {  	s28 =	sadd.s32 $0x400, s28;
	s2 =	sshll.u32 s26, $0x4;
	p0 =	slt.u32 s26, $0x3F8;
	[tilespmem:s0+$0x0] =	vst.add.f32.msk $0xffff, v1  }
0x48: {  	s3 =	sshll.u32 s26, $0x1;
	s0 =	sand.u32 $0x2000, s2;
	s2 =	sand.u32 $0x1C00, s28;
	[tilespmem:s31+$0x0] =	vst.add.f32.msk $0xffff, v3  }
0x49: {  	s0 =	sor.u32 s2, s0;
	s2 =	sand.u32 $0x380, s3;
	[tilespmem:s30+$0x0] =	vst.add.f32.msk $0xffff, v0  }
0x4a: {  	s3 =	sor.u32 s2, s0;
	[tilespmem:s29+$0x0] =	vst.add.f32.msk $0xffff, v2  }
0x4b: {  	s4 =	sor.u32 $0x10, s3;
	s2 =	sor.u32 $0x20, s3;
	s0 =	sor.u32 $0x30, s3;
	v0 =	vld [tilespmem:s3+$0x14070]  }
0x4c: {  	s31 =	sor.u32 $0x40, s3;
	s30 =	sor.u32 $0x50, s3;
	s29 =	sor.u32 $0x60, s3;
	v5 =	vld [tilespmem:s3+$0x14000]  }
0x4d: {  	v6 =	vld [tilespmem:s3+$0x14010]  }
0x4e: {  	v4 =	vld [tilespmem:s3+$0x14020]  }
0x4f: {  	s5 =	sor.u32 $0x70, s3;
	v1 =	vld [tilespmem:s3+$0x14030]  }
0x50: {  	[tilespmem:s5+$0x0] =	vst.add.f32.msk $0xffff, v0  }
.Ltmp0:
0x51: {  	v3 =	vld [tilespmem:s3+$0x14040];
	(pc) =	sbr.rel @p0 .LBB2_2-.Ltmp0, $4  }
0x52: {  	v0 =	vld [tilespmem:s3+$0x14050]  }
0x53: {  	v2 =	vld [tilespmem:s3+$0x14060]  }
0x54: {  	[tilespmem:s3+$0x0] =	vst.add.f32.msk $0xffff, v5  }
0x55: {  	[tilespmem:s4+$0x0] =	vst.add.f32.msk $0xffff, v6  }
0x56: {  	[tilespmem:s2+$0x0] =	vst.add.f32.msk $0xffff, v4  }
0x57: {  	[tilespmem:s0+$0x0] =	vst.add.f32.msk $0xffff, v1  }
0x58: {  	[tilespmem:s31+$0x0] =	vst.add.f32.msk $0xffff, v3  }
0x59: {  	[tilespmem:s30+$0x0] =	vst.add.f32.msk $0xffff, v0  }
0x5a: {  	[tilespmem:s29+$0x0] =	vst.add.f32.msk $0xffff, v2  }
0x5b: {  	s26 =	simm.s32 $0x0;
	s0 =	rddreg [dreg:$0x1f]  }
0x5c: {  	[hbm4b:s0+s26] =	stream.linear.scatter [tilespmem:s26], [sflag:$0x6], $0x4000, $0x38;
	[tilespmem:$0x1C000] =	vst v63  }
0x5d: {  	_ =	swait.ge [sflag:s16], $0x4000  }
0x5e: {  	[sflag:s16] =	ssyncset.done $0x0  }
0x5f: {  	s4 =	simm.s32 $0x0;
	s3 =	rddreg [dreg:$0x9];
	[sflag:s16] =	ssyncadd.s32 $0xFFFFC000  }
0x60: {  	[tilespmem:s17], [sflag:$0x5] =	stream.linear.gather [hbm4b:s3+s26], $0x4000, $0x38;
	[tilespmem:$0x1C000] =	vst v63  }
0x61: {  	s5 =	sand.u32 $0x1C00, s26;
	s0 =	sand.u32 $0x2000, s4;
	s3 =	simm.s32 $0x0  }
0x62: {  	s0 =	sor.u32 s5, s0;
	s3 =	sand.u32 $0x380, s3  }
0x63: {  	s3 =	sor.u32 s3, s0  }
0x64: {  	v0 =	vld [tilespmem:s3+$0x14070]  }
0x65: {  	v5 =	vld [tilespmem:s3+$0x14000]  }
0x66: {  	v6 =	vld [tilespmem:s3+$0x14010]  }
0x67: {  	v4 =	vld [tilespmem:s3+$0x14020]  }
0x68: {  	v1 =	vld [tilespmem:s3+$0x14030]  }
0x69: {  	v3 =	vld [tilespmem:s3+$0x14040]  }
0x6a: {  	s0 =	sor.u32 $0x4070, s3;
	v2 =	vld [tilespmem:s3+$0x14060]  }
0x6b: {  	[tilespmem:s0+$0x0] =	vst.add.f32.msk $0xffff, v0  }
0x6c: {  	s28 =	simm.s32 $0x0;
	s6 =	sor.u32 $0x4000, s3;
	v0 =	vld [tilespmem:s3+$0x14050]  }
0x6d: {  	s4 =	sor.u32 $0x4010, s3;
	s2 =	sor.u32 $0x4020, s3;
	s31 =	sor.u32 $0x4030, s3;
	[tilespmem:s6+$0x0] =	vst.add.f32.msk $0xffff, v5  }
0x6e: {  	s29 =	sor.u32 $0x4050, s3;
	s30 =	sor.u32 $0x4060, s3;
	s0 =	sor.u32 $0x4040, s3;
	[tilespmem:s4+$0x0] =	vst.add.f32.msk $0xffff, v6  }
.LBB2_4:
0x6f: {  	s28 =	sadd.s32 $0x8, s28;
	[tilespmem:s2+$0x0] =	vst.add.f32.msk $0xffff, v4  }
0x70: {  	s26 =	sadd.s32 $0x400, s26;
	s2 =	sshll.u32 s28, $0x4;
	p0 =	slt.u32 s28, $0x3F8;
	[tilespmem:s31+$0x0] =	vst.add.f32.msk $0xffff, v1  }
0x71: {  	s3 =	sand.u32 $0x1C00, s26;
	s4 =	sshll.u32 s28, $0x1;
	s2 =	sand.u32 $0x2000, s2;
	[tilespmem:s0+$0x0] =	vst.add.f32.msk $0xffff, v3  }
0x72: {  	s0 =	sand.u32 $0x380, s4;
	s2 =	sor.u32 s3, s2;
	[tilespmem:s29+$0x0] =	vst.add.f32.msk $0xffff, v0  }
0x73: {  	s3 =	sor.u32 s0, s2;
	[tilespmem:s30+$0x0] =	vst.add.f32.msk $0xffff, v2  }
0x74: {  	s4 =	sor.u32 $0x4000, s3;
	s5 =	sor.u32 $0x4010, s3;
	s2 =	sor.u32 $0x4020, s3;
	v0 =	vld [tilespmem:s3+$0x14070]  }
0x75: {  	s31 =	sor.u32 $0x4030, s3;
	s0 =	sor.u32 $0x4040, s3;
	s29 =	sor.u32 $0x4050, s3;
	v5 =	vld [tilespmem:s3+$0x14000]  }
0x76: {  	s30 =	sor.u32 $0x4060, s3;
	v6 =	vld [tilespmem:s3+$0x14010]  }
0x77: {  	v4 =	vld [tilespmem:s3+$0x14020]  }
0x78: {  	s6 =	sor.u32 $0x4070, s3;
	v1 =	vld [tilespmem:s3+$0x14030]  }
0x79: {  	[tilespmem:s6+$0x0] =	vst.add.f32.msk $0xffff, v0  }
.Ltmp1:
0x7a: {  	v3 =	vld [tilespmem:s3+$0x14040];
	(pc) =	sbr.rel @p0 .LBB2_4-.Ltmp1, $4  }
0x7b: {  	v0 =	vld [tilespmem:s3+$0x14050]  }
0x7c: {  	v2 =	vld [tilespmem:s3+$0x14060]  }
0x7d: {  	[tilespmem:s4+$0x0] =	vst.add.f32.msk $0xffff, v5  }
0x7e: {  	[tilespmem:s5+$0x0] =	vst.add.f32.msk $0xffff, v6  }
0x7f: {  	[tilespmem:s2+$0x0] =	vst.add.f32.msk $0xffff, v4  }
0x80: {  	[tilespmem:s31+$0x0] =	vst.add.f32.msk $0xffff, v1  }
0x81: {  	[tilespmem:s0+$0x0] =	vst.add.f32.msk $0xffff, v3  }
0x82: {  	[tilespmem:s29+$0x0] =	vst.add.f32.msk $0xffff, v0  }
0x83: {  	[tilespmem:s30+$0x0] =	vst.add.f32.msk $0xffff, v2  }
0x84: {  	s26 =	simm.s32 $0x0;
	s0 =	rddreg [dreg:$0xa]  }
0x85: {  	[hbm4b:s0+s26] =	stream.linear.scatter [tilespmem:s9], [sflag:$0x7], $0x4000, $0x38;
	[tilespmem:$0x1C000] =	vst v63  }
0x86: {  	_ =	swait.ge [sflag:s18], $0x4000  }
0x87: {  	[sflag:s18] =	ssyncset.done $0x0  }
0x88: {  	[sflag:s18] =	ssyncadd.s32 $0xFFFFC000  }
0x89: {  	_ =	swait.ge [sflag:s19], $0x4000  }
0x8a: {  	[sflag:s19] =	ssyncset.done $0x0  }
0x8b: {  	s4 =	simm.s32 $0x0;
	s3 =	rddreg [dreg:$0xb];
	[sflag:s19] =	ssyncadd.s32 $0xFFFFC000  }
0x8c: {  	[tilespmem:s26], [sflag:$0x1] =	stream.linear.gather [hbm4b:s3+s26], $0x4000, $0x38;
	[tilespmem:$0x1C000] =	vst v63  }
0x8d: {  	s5 =	sand.u32 $0x1C00, s26;
	s0 =	sand.u32 $0x2000, s4;
	s3 =	simm.s32 $0x0  }
0x8e: {  	s0 =	sor.u32 s5, s0;
	s3 =	sand.u32 $0x380, s3  }
0x8f: {  	s3 =	sor.u32 s3, s0  }
0x90: {  	v0 =	vld [tilespmem:s3+$0x14070]  }
0x91: {  	v5 =	vld [tilespmem:s3+$0x14000]  }
0x92: {  	v6 =	vld [tilespmem:s3+$0x14010]  }
0x93: {  	v4 =	vld [tilespmem:s3+$0x14020]  }
0x94: {  	v1 =	vld [tilespmem:s3+$0x14030]  }
0x95: {  	v3 =	vld [tilespmem:s3+$0x14040]  }
0x96: {  	s0 =	sor.u32 $0x8070, s3;
	v2 =	vld [tilespmem:s3+$0x14060]  }
0x97: {  	[tilespmem:s0+$0x0] =	vst.add.f32.msk $0xffff, v0  }
0x98: {  	s28 =	simm.s32 $0x0;
	s6 =	sor.u32 $0x8000, s3;
	v0 =	vld [tilespmem:s3+$0x14050]  }
0x99: {  	s4 =	sor.u32 $0x8010, s3;
	s2 =	sor.u32 $0x8020, s3;
	s31 =	sor.u32 $0x8030, s3;
	[tilespmem:s6+$0x0] =	vst.add.f32.msk $0xffff, v5  }
0x9a: {  	s29 =	sor.u32 $0x8050, s3;
	s30 =	sor.u32 $0x8060, s3;
	s0 =	sor.u32 $0x8040, s3;
	[tilespmem:s4+$0x0] =	vst.add.f32.msk $0xffff, v6  }
.LBB2_6:
0x9b: {  	s28 =	sadd.s32 $0x8, s28;
	[tilespmem:s2+$0x0] =	vst.add.f32.msk $0xffff, v4  }
0x9c: {  	s26 =	sadd.s32 $0x400, s26;
	s2 =	sshll.u32 s28, $0x4;
	p0 =	slt.u32 s28, $0x3F8;
	[tilespmem:s31+$0x0] =	vst.add.f32.msk $0xffff, v1  }
0x9d: {  	s3 =	sand.u32 $0x1C00, s26;
	s4 =	sshll.u32 s28, $0x1;
	s2 =	sand.u32 $0x2000, s2;
	[tilespmem:s0+$0x0] =	vst.add.f32.msk $0xffff, v3  }
0x9e: {  	s0 =	sand.u32 $0x380, s4;
	s2 =	sor.u32 s3, s2;
	[tilespmem:s29+$0x0] =	vst.add.f32.msk $0xffff, v0  }
0x9f: {  	s3 =	sor.u32 s0, s2;
	[tilespmem:s30+$0x0] =	vst.add.f32.msk $0xffff, v2  }
0xa0: {  	s4 =	sor.u32 $0x8000, s3;
	s5 =	sor.u32 $0x8010, s3;
	s2 =	sor.u32 $0x8020, s3;
	v0 =	vld [tilespmem:s3+$0x14070]  }
0xa1: {  	s31 =	sor.u32 $0x8030, s3;
	s0 =	sor.u32 $0x8040, s3;
	s29 =	sor.u32 $0x8050, s3;
	v5 =	vld [tilespmem:s3+$0x14000]  }
0xa2: {  	s30 =	sor.u32 $0x8060, s3;
	v6 =	vld [tilespmem:s3+$0x14010]  }
0xa3: {  	v4 =	vld [tilespmem:s3+$0x14020]  }
0xa4: {  	s6 =	sor.u32 $0x8070, s3;
	v1 =	vld [tilespmem:s3+$0x14030]  }
0xa5: {  	[tilespmem:s6+$0x0] =	vst.add.f32.msk $0xffff, v0  }
.Ltmp2:
0xa6: {  	v3 =	vld [tilespmem:s3+$0x14040];
	(pc) =	sbr.rel @p0 .LBB2_6-.Ltmp2, $4  }
0xa7: {  	v0 =	vld [tilespmem:s3+$0x14050]  }
0xa8: {  	v2 =	vld [tilespmem:s3+$0x14060]  }
0xa9: {  	[tilespmem:s4+$0x0] =	vst.add.f32.msk $0xffff, v5  }
0xaa: {  	[tilespmem:s5+$0x0] =	vst.add.f32.msk $0xffff, v6  }
0xab: {  	[tilespmem:s2+$0x0] =	vst.add.f32.msk $0xffff, v4  }
0xac: {  	[tilespmem:s31+$0x0] =	vst.add.f32.msk $0xffff, v1  }
0xad: {  	[tilespmem:s0+$0x0] =	vst.add.f32.msk $0xffff, v3  }
0xae: {  	[tilespmem:s29+$0x0] =	vst.add.f32.msk $0xffff, v0  }
0xaf: {  	[tilespmem:s30+$0x0] =	vst.add.f32.msk $0xffff, v2  }
0xb0: {  	s26 =	simm.s32 $0x0;
	s0 =	rddreg [dreg:$0xc]  }
0xb1: {  	[hbm4b:s0+s26] =	stream.linear.scatter [tilespmem:s10], [sflag:$0x8], $0x4000, $0x38;
	[tilespmem:$0x1C000] =	vst v63  }
0xb2: {  	_ =	swait.ge [sflag:s20], $0x4000  }
0xb3: {  	[sflag:s20] =	ssyncset.done $0x0  }
0xb4: {  	[sflag:s20] =	ssyncadd.s32 $0xFFFFC000  }
0xb5: {  	_ =	swait.ge [sflag:s21], $0x4000  }
0xb6: {  	[sflag:s21] =	ssyncset.done $0x0  }
0xb7: {  	s4 =	simm.s32 $0x0;
	s3 =	rddreg [dreg:$0xd];
	[sflag:s21] =	ssyncadd.s32 $0xFFFFC000  }
0xb8: {  	[tilespmem:s9], [sflag:$0x2] =	stream.linear.gather [hbm4b:s3+s26], $0x4000, $0x38;
	[tilespmem:$0x1C000] =	vst v63  }
0xb9: {  	s5 =	sand.u32 $0x1C00, s26;
	s0 =	sand.u32 $0x2000, s4;
	s3 =	simm.s32 $0x0  }
0xba: {  	s0 =	sor.u32 s5, s0;
	s3 =	sand.u32 $0x380, s3  }
0xbb: {  	s3 =	sor.u32 s3, s0  }
0xbc: {  	v0 =	vld [tilespmem:s3+$0x14070]  }
0xbd: {  	v5 =	vld [tilespmem:s3+$0x14000]  }
0xbe: {  	v6 =	vld [tilespmem:s3+$0x14010]  }
0xbf: {  	v4 =	vld [tilespmem:s3+$0x14020]  }
0xc0: {  	v1 =	vld [tilespmem:s3+$0x14030]  }
0xc1: {  	v3 =	vld [tilespmem:s3+$0x14040]  }
0xc2: {  	s0 =	sor.u32 $0xC070, s3;
	v2 =	vld [tilespmem:s3+$0x14060]  }
0xc3: {  	[tilespmem:s0+$0x0] =	vst.add.f32.msk $0xffff, v0  }
0xc4: {  	s28 =	simm.s32 $0x0;
	s6 =	sor.u32 $0xC000, s3;
	v0 =	vld [tilespmem:s3+$0x14050]  }
0xc5: {  	s4 =	sor.u32 $0xC010, s3;
	s2 =	sor.u32 $0xC020, s3;
	s31 =	sor.u32 $0xC030, s3;
	[tilespmem:s6+$0x0] =	vst.add.f32.msk $0xffff, v5  }
0xc6: {  	s29 =	sor.u32 $0xC050, s3;
	s30 =	sor.u32 $0xC060, s3;
	s0 =	sor.u32 $0xC040, s3;
	[tilespmem:s4+$0x0] =	vst.add.f32.msk $0xffff, v6  }
.LBB2_8:
0xc7: {  	s28 =	sadd.s32 $0x8, s28;
	[tilespmem:s2+$0x0] =	vst.add.f32.msk $0xffff, v4  }
0xc8: {  	s26 =	sadd.s32 $0x400, s26;
	s2 =	sshll.u32 s28, $0x4;
	p0 =	slt.u32 s28, $0x3F8;
	[tilespmem:s31+$0x0] =	vst.add.f32.msk $0xffff, v1  }
0xc9: {  	s3 =	sand.u32 $0x1C00, s26;
	s4 =	sshll.u32 s28, $0x1;
	s2 =	sand.u32 $0x2000, s2;
	[tilespmem:s0+$0x0] =	vst.add.f32.msk $0xffff, v3  }
0xca: {  	s0 =	sand.u32 $0x380, s4;
	s2 =	sor.u32 s3, s2;
	[tilespmem:s29+$0x0] =	vst.add.f32.msk $0xffff, v0  }
0xcb: {  	s3 =	sor.u32 s0, s2;
	[tilespmem:s30+$0x0] =	vst.add.f32.msk $0xffff, v2  }
0xcc: {  	s4 =	sor.u32 $0xC000, s3;
	s5 =	sor.u32 $0xC010, s3;
	s2 =	sor.u32 $0xC020, s3;
	v0 =	vld [tilespmem:s3+$0x14070]  }
0xcd: {  	s31 =	sor.u32 $0xC030, s3;
	s0 =	sor.u32 $0xC040, s3;
	s29 =	sor.u32 $0xC050, s3;
	v5 =	vld [tilespmem:s3+$0x14000]  }
0xce: {  	s30 =	sor.u32 $0xC060, s3;
	v6 =	vld [tilespmem:s3+$0x14010]  }
0xcf: {  	v4 =	vld [tilespmem:s3+$0x14020]  }
0xd0: {  	s6 =	sor.u32 $0xC070, s3;
	v1 =	vld [tilespmem:s3+$0x14030]  }
0xd1: {  	[tilespmem:s6+$0x0] =	vst.add.f32.msk $0xffff, v0  }
.Ltmp3:
0xd2: {  	v3 =	vld [tilespmem:s3+$0x14040];
	(pc) =	sbr.rel @p0 .LBB2_8-.Ltmp3, $4  }
0xd3: {  	v0 =	vld [tilespmem:s3+$0x14050]  }
0xd4: {  	v2 =	vld [tilespmem:s3+$0x14060]  }
0xd5: {  	[tilespmem:s4+$0x0] =	vst.add.f32.msk $0xffff, v5  }
0xd6: {  	[tilespmem:s5+$0x0] =	vst.add.f32.msk $0xffff, v6  }
0xd7: {  	[tilespmem:s2+$0x0] =	vst.add.f32.msk $0xffff, v4  }
0xd8: {  	[tilespmem:s31+$0x0] =	vst.add.f32.msk $0xffff, v1  }
0xd9: {  	[tilespmem:s0+$0x0] =	vst.add.f32.msk $0xffff, v3  }
0xda: {  	[tilespmem:s29+$0x0] =	vst.add.f32.msk $0xffff, v0  }
0xdb: {  	[tilespmem:s30+$0x0] =	vst.add.f32.msk $0xffff, v2  }
0xdc: {  	s26 =	simm.s32 $0x0;
	s0 =	rddreg [dreg:$0xe]  }
0xdd: {  	[hbm4b:s0+s26] =	stream.linear.scatter [tilespmem:s15], [sflag:$0x9], $0x4000, $0x38;
	[tilespmem:$0x1C000] =	vst v63  }
0xde: {  	s6 =	simm.s32 $0x14000;
	s5 =	rddreg [dreg:$0xf]  }
0xdf: {  	[tilespmem:s6], [sflag:$0xB] =	stream.linear.gather [hbm4b:s5+s26], $0x4000, $0x38;
	[tilespmem:$0x1C000] =	vst v63  }
0xe0: {  	_ =	swait.ge [sflag:s22], $0x4000  }
0xe1: {  	[sflag:s22] =	ssyncset.done $0x0  }
0xe2: {  	[sflag:s22] =	ssyncadd.s32 $0xFFFFC000  }
0xe3: {  	_ =	swait.ge [sflag:s23], $0x4000  }
0xe4: {  	[sflag:s23] =	ssyncset.done $0x0  }
0xe5: {  	[sflag:s23] =	ssyncadd.s32 $0xFFFFC000  }
0xe6: {  	_ =	swait.ge [sflag:s11], $0x4000  }
0xe7: {  	[sflag:s11] =	ssyncset.done $0x0  }
0xe8: {  	s4 =	simm.s32 $0x0;
	s3 =	rddreg [dreg:$0x10];
	[sflag:s11] =	ssyncadd.s32 $0xFFFFC000  }
0xe9: {  	[tilespmem:s10], [sflag:$0x3] =	stream.linear.gather [hbm4b:s3+s26], $0x4000, $0x38;
	[tilespmem:$0x1C000] =	vst v63  }
0xea: {  	s0 =	sand.u32 $0x2000, s4;
	s5 =	sand.u32 $0x1C00, s26;
	s3 =	simm.s32 $0x0  }
0xeb: {  	s0 =	sor.u32 s5, s0;
	s3 =	sand.u32 $0x380, s3  }
0xec: {  	s3 =	sor.u32 s3, s0  }
0xed: {  	v0 =	vld [tilespmem:s3+$0x18070]  }
0xee: {  	v5 =	vld [tilespmem:s3+$0x18000]  }
0xef: {  	v6 =	vld [tilespmem:s3+$0x18010]  }
0xf0: {  	v4 =	vld [tilespmem:s3+$0x18020]  }
0xf1: {  	v1 =	vld [tilespmem:s3+$0x18030]  }
0xf2: {  	v3 =	vld [tilespmem:s3+$0x18040]  }
0xf3: {  	s0 =	sor.u32 $0x10070, s3;
	v2 =	vld [tilespmem:s3+$0x18060]  }
0xf4: {  	[tilespmem:s0+$0x0] =	vst.add.f32.msk $0xffff, v0  }
0xf5: {  	s28 =	simm.s32 $0x0;
	s6 =	sor.u32 $0x10000, s3;
	v0 =	vld [tilespmem:s3+$0x18050]  }
0xf6: {  	s4 =	sor.u32 $0x10010, s3;
	s2 =	sor.u32 $0x10020, s3;
	s31 =	sor.u32 $0x10030, s3;
	[tilespmem:s6+$0x0] =	vst.add.f32.msk $0xffff, v5  }
0xf7: {  	s29 =	sor.u32 $0x10050, s3;
	s30 =	sor.u32 $0x10060, s3;
	s0 =	sor.u32 $0x10040, s3;
	[tilespmem:s4+$0x0] =	vst.add.f32.msk $0xffff, v6  }
.LBB2_10:
0xf8: {  	s28 =	sadd.s32 $0x8, s28;
	[tilespmem:s2+$0x0] =	vst.add.f32.msk $0xffff, v4  }
0xf9: {  	s26 =	sadd.s32 $0x400, s26;
	s2 =	sshll.u32 s28, $0x4;
	p0 =	slt.u32 s28, $0x3F8;
	[tilespmem:s31+$0x0] =	vst.add.f32.msk $0xffff, v1  }
0xfa: {  	s3 =	sand.u32 $0x1C00, s26;
	s4 =	sshll.u32 s28, $0x1;
	s2 =	sand.u32 $0x2000, s2;
	[tilespmem:s0+$0x0] =	vst.add.f32.msk $0xffff, v3  }
0xfb: {  	s0 =	sand.u32 $0x380, s4;
	s2 =	sor.u32 s3, s2;
	[tilespmem:s29+$0x0] =	vst.add.f32.msk $0xffff, v0  }
0xfc: {  	s3 =	sor.u32 s0, s2;
	[tilespmem:s30+$0x0] =	vst.add.f32.msk $0xffff, v2  }
0xfd: {  	s4 =	sor.u32 $0x10000, s3;
	s5 =	sor.u32 $0x10010, s3;
	s2 =	sor.u32 $0x10020, s3;
	v0 =	vld [tilespmem:s3+$0x18070]  }
0xfe: {  	s31 =	sor.u32 $0x10030, s3;
	s0 =	sor.u32 $0x10040, s3;
	s29 =	sor.u32 $0x10050, s3;
	v5 =	vld [tilespmem:s3+$0x18000]  }
0xff: {  	s30 =	sor.u32 $0x10060, s3;
	v6 =	vld [tilespmem:s3+$0x18010]  }
0x100: {  	v4 =	vld [tilespmem:s3+$0x18020]  }
0x101: {  	s6 =	sor.u32 $0x10070, s3;
	v1 =	vld [tilespmem:s3+$0x18030]  }
0x102: {  	[tilespmem:s6+$0x0] =	vst.add.f32.msk $0xffff, v0  }
.Ltmp4:
0x103: {  	v3 =	vld [tilespmem:s3+$0x18040];
	(pc) =	sbr.rel @p0 .LBB2_10-.Ltmp4, $4  }
0x104: {  	v0 =	vld [tilespmem:s3+$0x18050]  }
0x105: {  	v2 =	vld [tilespmem:s3+$0x18060]  }
0x106: {  	[tilespmem:s4+$0x0] =	vst.add.f32.msk $0xffff, v5  }
0x107: {  	[tilespmem:s5+$0x0] =	vst.add.f32.msk $0xffff, v6  }
0x108: {  	[tilespmem:s2+$0x0] =	vst.add.f32.msk $0xffff, v4  }
0x109: {  	[tilespmem:s31+$0x0] =	vst.add.f32.msk $0xffff, v1  }
0x10a: {  	[tilespmem:s0+$0x0] =	vst.add.f32.msk $0xffff, v3  }
0x10b: {  	[tilespmem:s29+$0x0] =	vst.add.f32.msk $0xffff, v0  }
0x10c: {  	[tilespmem:s30+$0x0] =	vst.add.f32.msk $0xffff, v2  }
0x10d: {  	s26 =	simm.s32 $0x0;
	s0 =	rddreg [dreg:$0x11]  }
0x10e: {  	[hbm4b:s0+s26] =	stream.linear.scatter [tilespmem:s17], [sflag:$0xA], $0x4000, $0x38;
	[tilespmem:$0x1C000] =	vst v63  }
0x10f: {  	_ =	swait.ge [sflag:s14], $0x4000  }
0x110: {  	[sflag:s14] =	ssyncset.done $0x0  }
0x111: {  	s5 =	simm.s32 $0x0;
	s3 =	simm.s32 $0x0;
	[sflag:s14] =	ssyncadd.s32 $0xFFFFC000  }
0x112: {  	s6 =	sand.u32 $0x1C00, s26;
	s0 =	sand.u32 $0x2000, s5;
	_ =	swait.ge [sflag:s12], $0x4000  }
0x113: {  	s3 =	sand.u32 $0x380, s3;
	s0 =	sor.u32 s6, s0;
	[sflag:s12] =	ssyncset.done $0x0  }
0x114: {  	s3 =	sor.u32 s3, s0;
	s4 =	rddreg [dreg:$0x16];
	[sflag:s12] =	ssyncadd.s32 $0xFFFFC000  }
0x115: {  	[tilespmem:s15], [sflag:$0x4] =	stream.linear.gather [hbm4b:s4+s26], $0x4000, $0x38;
	[tilespmem:$0x1C000] =	vst v63  }
0x116: {  	v0 =	vld [tilespmem:s3+$0x18070]  }
0x117: {  	v5 =	vld [tilespmem:s3+$0x18000]  }
0x118: {  	v6 =	vld [tilespmem:s3+$0x18010]  }
0x119: {  	v4 =	vld [tilespmem:s3+$0x18020]  }
0x11a: {  	v2 =	vld [tilespmem:s3+$0x18030]  }
0x11b: {  	v3 =	vld [tilespmem:s3+$0x18040]  }
0x11c: {  	s0 =	sor.u32 $0x70, s3;
	v1 =	vld [tilespmem:s3+$0x18060]  }
0x11d: {  	[tilespmem:s0+$0x0] =	vst.add.f32.msk $0xffff, v0  }
0x11e: {  	s28 =	simm.s32 $0x0;
	v0 =	vld [tilespmem:s3+$0x18050]  }
0x11f: {  	s2 =	sor.u32 $0x20, s3;
	s31 =	sor.u32 $0x30, s3;
	s4 =	sor.u32 $0x10, s3;
	[tilespmem:s3+$0x0] =	vst.add.f32.msk $0xffff, v5  }
0x120: {  	s30 =	sor.u32 $0x50, s3;
	s29 =	sor.u32 $0x60, s3;
	s0 =	sor.u32 $0x40, s3;
	[tilespmem:s4+$0x0] =	vst.add.f32.msk $0xffff, v6  }
.LBB2_12:
0x121: {  	s28 =	sadd.s32 $0x8, s28;
	[tilespmem:s2+$0x0] =	vst.add.f32.msk $0xffff, v4  }
0x122: {  	s26 =	sadd.s32 $0x400, s26;
	s2 =	sshll.u32 s28, $0x4;
	p0 =	slt.u32 s28, $0x3F8;
	[tilespmem:s31+$0x0] =	vst.add.f32.msk $0xffff, v2  }
0x123: {  	s3 =	sand.u32 $0x1C00, s26;
	s4 =	sshll.u32 s28, $0x1;
	s2 =	sand.u32 $0x2000, s2;
	[tilespmem:s0+$0x0] =	vst.add.f32.msk $0xffff, v3  }
0x124: {  	s0 =	sand.u32 $0x380, s4;
	s2 =	sor.u32 s3, s2;
	[tilespmem:s30+$0x0] =	vst.add.f32.msk $0xffff, v0  }
0x125: {  	s3 =	sor.u32 s0, s2;
	[tilespmem:s29+$0x0] =	vst.add.f32.msk $0xffff, v1  }
0x126: {  	s4 =	sor.u32 $0x10, s3;
	s2 =	sor.u32 $0x20, s3;
	s31 =	sor.u32 $0x30, s3;
	v0 =	vld [tilespmem:s3+$0x18070]  }
0x127: {  	s0 =	sor.u32 $0x40, s3;
	s30 =	sor.u32 $0x50, s3;
	s29 =	sor.u32 $0x60, s3;
	v5 =	vld [tilespmem:s3+$0x18000]  }
0x128: {  	v6 =	vld [tilespmem:s3+$0x18010]  }
0x129: {  	v4 =	vld [tilespmem:s3+$0x18020]  }
0x12a: {  	s5 =	sor.u32 $0x70, s3;
	v2 =	vld [tilespmem:s3+$0x18030]  }
0x12b: {  	[tilespmem:s5+$0x0] =	vst.add.f32.msk $0xffff, v0  }
.Ltmp5:
0x12c: {  	v3 =	vld [tilespmem:s3+$0x18040];
	(pc) =	sbr.rel @p0 .LBB2_12-.Ltmp5, $4  }
0x12d: {  	v0 =	vld [tilespmem:s3+$0x18050]  }
0x12e: {  	v1 =	vld [tilespmem:s3+$0x18060]  }
0x12f: {  	[tilespmem:s3+$0x0] =	vst.add.f32.msk $0xffff, v5  }
0x130: {  	[tilespmem:s4+$0x0] =	vst.add.f32.msk $0xffff, v6  }
0x131: {  	[tilespmem:s2+$0x0] =	vst.add.f32.msk $0xffff, v4  }
0x132: {  	[tilespmem:s31+$0x0] =	vst.add.f32.msk $0xffff, v2  }
0x133: {  	[tilespmem:s0+$0x0] =	vst.add.f32.msk $0xffff, v3  }
0x134: {  	[tilespmem:s30+$0x0] =	vst.add.f32.msk $0xffff, v0  }
0x135: {  	[tilespmem:s29+$0x0] =	vst.add.f32.msk $0xffff, v1  }
0x136: {  	s26 =	simm.s32 $0x0;
	s0 =	rddreg [dreg:$0x12]  }
0x137: {  	[hbm4b:s0+s26] =	stream.linear.scatter [tilespmem:s26], [sflag:$0x6], $0x4000, $0x38;
	[tilespmem:$0x1C000] =	vst v63  }
0x138: {  	_ =	swait.ge [sflag:s16], $0x4000  }
0x139: {  	[sflag:s16] =	ssyncset.done $0x0  }
0x13a: {  	s3 =	simm.s32 $0x0;
	s4 =	sand.u32 $0x1C00, s26;
	[sflag:s16] =	ssyncadd.s32 $0xFFFFC000  }
0x13b: {  	s0 =	sand.u32 $0x2000, s3;
	s3 =	simm.s32 $0x0;
	_ =	swait.ge [sflag:s24], $0x4000  }
0x13c: {  	s0 =	sor.u32 s4, s0;
	s5 =	sand.u32 $0x380, s3;
	[sflag:s24] =	ssyncset.done $0x0  }
0x13d: {  	s3 =	sor.u32 s5, s0;
	s2 =	rddreg [dreg:$0x18];
	[sflag:s24] =	ssyncadd.s32 $0xFFFFC000  }
0x13e: {  	[tilespmem:s17], [sflag:$0x5] =	stream.linear.gather [hbm4b:s2+s26], $0x4000, $0x38;
	[tilespmem:$0x1C000] =	vst v63  }
0x13f: {  	v0 =	vld [tilespmem:s3+$0x18070]  }
0x140: {  	v5 =	vld [tilespmem:s3+$0x18000]  }
0x141: {  	v6 =	vld [tilespmem:s3+$0x18010]  }
0x142: {  	v4 =	vld [tilespmem:s3+$0x18020]  }
0x143: {  	v1 =	vld [tilespmem:s3+$0x18030]  }
0x144: {  	v3 =	vld [tilespmem:s3+$0x18040]  }
0x145: {  	s0 =	sor.u32 $0x4070, s3;
	v2 =	vld [tilespmem:s3+$0x18060]  }
0x146: {  	[tilespmem:s0+$0x0] =	vst.add.f32.msk $0xffff, v0  }
0x147: {  	s28 =	simm.s32 $0x0;
	s6 =	sor.u32 $0x4000, s3;
	v0 =	vld [tilespmem:s3+$0x18050]  }
0x148: {  	s4 =	sor.u32 $0x4010, s3;
	s31 =	sor.u32 $0x4030, s3;
	s29 =	sor.u32 $0x4050, s3;
	[tilespmem:s6+$0x0] =	vst.add.f32.msk $0xffff, v5  }
0x149: {  	s30 =	sor.u32 $0x4060, s3;
	s2 =	sor.u32 $0x4020, s3;
	s0 =	sor.u32 $0x4040, s3;
	[tilespmem:s4+$0x0] =	vst.add.f32.msk $0xffff, v6  }
.LBB2_14:
0x14a: {  	s28 =	sadd.s32 $0x8, s28;
	[tilespmem:s2+$0x0] =	vst.add.f32.msk $0xffff, v4  }
0x14b: {  	s26 =	sadd.s32 $0x400, s26;
	s2 =	sshll.u32 s28, $0x4;
	p0 =	slt.u32 s28, $0x3F8;
	[tilespmem:s31+$0x0] =	vst.add.f32.msk $0xffff, v1  }
0x14c: {  	s3 =	sand.u32 $0x1C00, s26;
	s4 =	sshll.u32 s28, $0x1;
	s2 =	sand.u32 $0x2000, s2;
	[tilespmem:s0+$0x0] =	vst.add.f32.msk $0xffff, v3  }
0x14d: {  	s0 =	sor.u32 s3, s2;
	s2 =	sand.u32 $0x380, s4;
	[tilespmem:s29+$0x0] =	vst.add.f32.msk $0xffff, v0  }
0x14e: {  	s3 =	sor.u32 s2, s0;
	[tilespmem:s30+$0x0] =	vst.add.f32.msk $0xffff, v2  }
0x14f: {  	s4 =	sor.u32 $0x4000, s3;
	s5 =	sor.u32 $0x4010, s3;
	s2 =	sor.u32 $0x4020, s3;
	v0 =	vld [tilespmem:s3+$0x18070]  }
0x150: {  	s31 =	sor.u32 $0x4030, s3;
	s0 =	sor.u32 $0x4040, s3;
	s29 =	sor.u32 $0x4050, s3;
	v5 =	vld [tilespmem:s3+$0x18000]  }
0x151: {  	s30 =	sor.u32 $0x4060, s3;
	v6 =	vld [tilespmem:s3+$0x18010]  }
0x152: {  	v4 =	vld [tilespmem:s3+$0x18020]  }
0x153: {  	s6 =	sor.u32 $0x4070, s3;
	v1 =	vld [tilespmem:s3+$0x18030]  }
0x154: {  	[tilespmem:s6+$0x0] =	vst.add.f32.msk $0xffff, v0  }
.Ltmp6:
0x155: {  	v3 =	vld [tilespmem:s3+$0x18040];
	(pc) =	sbr.rel @p0 .LBB2_14-.Ltmp6, $4  }
0x156: {  	v0 =	vld [tilespmem:s3+$0x18050]  }
0x157: {  	v2 =	vld [tilespmem:s3+$0x18060]  }
0x158: {  	[tilespmem:s4+$0x0] =	vst.add.f32.msk $0xffff, v5  }
0x159: {  	[tilespmem:s5+$0x0] =	vst.add.f32.msk $0xffff, v6  }
0x15a: {  	[tilespmem:s2+$0x0] =	vst.add.f32.msk $0xffff, v4  }
0x15b: {  	[tilespmem:s31+$0x0] =	vst.add.f32.msk $0xffff, v1  }
0x15c: {  	[tilespmem:s0+$0x0] =	vst.add.f32.msk $0xffff, v3  }
0x15d: {  	[tilespmem:s29+$0x0] =	vst.add.f32.msk $0xffff, v0  }
0x15e: {  	[tilespmem:s30+$0x0] =	vst.add.f32.msk $0xffff, v2  }
0x15f: {  	s26 =	simm.s32 $0x0;
	s0 =	rddreg [dreg:$0x13]  }
0x160: {  	[hbm4b:s0+s26] =	stream.linear.scatter [tilespmem:s9], [sflag:$0x7], $0x4000, $0x38;
	[tilespmem:$0x1C000] =	vst v63  }
0x161: {  	_ =	swait.ge [sflag:s18], $0x4000  }
0x162: {  	[sflag:s18] =	ssyncset.done $0x0  }
0x163: {  	[sflag:s18] =	ssyncadd.s32 $0xFFFFC000  }
0x164: {  	_ =	swait.ge [sflag:s19], $0x4000  }
0x165: {  	[sflag:s19] =	ssyncset.done $0x0  }
0x166: {  	s4 =	simm.s32 $0x0;
	s3 =	rddreg [dreg:$0x1a];
	[sflag:s19] =	ssyncadd.s32 $0xFFFFC000  }
0x167: {  	[tilespmem:s26], [sflag:$0x1] =	stream.linear.gather [hbm4b:s3+s26], $0x4000, $0x38;
	[tilespmem:$0x1C000] =	vst v63  }
0x168: {  	s5 =	sand.u32 $0x1C00, s26;
	s0 =	sand.u32 $0x2000, s4;
	s3 =	simm.s32 $0x0  }
0x169: {  	s0 =	sor.u32 s5, s0;
	s3 =	sand.u32 $0x380, s3  }
0x16a: {  	s3 =	sor.u32 s3, s0  }
0x16b: {  	v0 =	vld [tilespmem:s3+$0x18070]  }
0x16c: {  	v5 =	vld [tilespmem:s3+$0x18000]  }
0x16d: {  	v6 =	vld [tilespmem:s3+$0x18010]  }
0x16e: {  	v4 =	vld [tilespmem:s3+$0x18020]  }
0x16f: {  	v1 =	vld [tilespmem:s3+$0x18030]  }
0x170: {  	v3 =	vld [tilespmem:s3+$0x18040]  }
0x171: {  	s0 =	sor.u32 $0x8070, s3;
	v2 =	vld [tilespmem:s3+$0x18060]  }
0x172: {  	[tilespmem:s0+$0x0] =	vst.add.f32.msk $0xffff, v0  }
0x173: {  	s28 =	simm.s32 $0x0;
	s6 =	sor.u32 $0x8000, s3;
	v0 =	vld [tilespmem:s3+$0x18050]  }
0x174: {  	s4 =	sor.u32 $0x8010, s3;
	s2 =	sor.u32 $0x8020, s3;
	s31 =	sor.u32 $0x8030, s3;
	[tilespmem:s6+$0x0] =	vst.add.f32.msk $0xffff, v5  }
0x175: {  	s29 =	sor.u32 $0x8050, s3;
	s30 =	sor.u32 $0x8060, s3;
	s0 =	sor.u32 $0x8040, s3;
	[tilespmem:s4+$0x0] =	vst.add.f32.msk $0xffff, v6  }
.LBB2_16:
0x176: {  	s28 =	sadd.s32 $0x8, s28;
	[tilespmem:s2+$0x0] =	vst.add.f32.msk $0xffff, v4  }
0x177: {  	s26 =	sadd.s32 $0x400, s26;
	s2 =	sshll.u32 s28, $0x4;
	p0 =	slt.u32 s28, $0x3F8;
	[tilespmem:s31+$0x0] =	vst.add.f32.msk $0xffff, v1  }
0x178: {  	s3 =	sand.u32 $0x1C00, s26;
	s4 =	sshll.u32 s28, $0x1;
	s2 =	sand.u32 $0x2000, s2;
	[tilespmem:s0+$0x0] =	vst.add.f32.msk $0xffff, v3  }
0x179: {  	s0 =	sand.u32 $0x380, s4;
	s2 =	sor.u32 s3, s2;
	[tilespmem:s29+$0x0] =	vst.add.f32.msk $0xffff, v0  }
0x17a: {  	s3 =	sor.u32 s0, s2;
	[tilespmem:s30+$0x0] =	vst.add.f32.msk $0xffff, v2  }
0x17b: {  	s4 =	sor.u32 $0x8000, s3;
	s5 =	sor.u32 $0x8010, s3;
	s2 =	sor.u32 $0x8020, s3;
	v0 =	vld [tilespmem:s3+$0x18070]  }
0x17c: {  	s31 =	sor.u32 $0x8030, s3;
	s0 =	sor.u32 $0x8040, s3;
	s29 =	sor.u32 $0x8050, s3;
	v5 =	vld [tilespmem:s3+$0x18000]  }
0x17d: {  	s30 =	sor.u32 $0x8060, s3;
	v6 =	vld [tilespmem:s3+$0x18010]  }
0x17e: {  	v4 =	vld [tilespmem:s3+$0x18020]  }
0x17f: {  	s6 =	sor.u32 $0x8070, s3;
	v1 =	vld [tilespmem:s3+$0x18030]  }
0x180: {  	[tilespmem:s6+$0x0] =	vst.add.f32.msk $0xffff, v0  }
.Ltmp7:
0x181: {  	v3 =	vld [tilespmem:s3+$0x18040];
	(pc) =	sbr.rel @p0 .LBB2_16-.Ltmp7, $4  }
0x182: {  	v0 =	vld [tilespmem:s3+$0x18050]  }
0x183: {  	v2 =	vld [tilespmem:s3+$0x18060]  }
0x184: {  	[tilespmem:s4+$0x0] =	vst.add.f32.msk $0xffff, v5  }
0x185: {  	[tilespmem:s5+$0x0] =	vst.add.f32.msk $0xffff, v6  }
0x186: {  	[tilespmem:s2+$0x0] =	vst.add.f32.msk $0xffff, v4  }
0x187: {  	[tilespmem:s31+$0x0] =	vst.add.f32.msk $0xffff, v1  }
0x188: {  	[tilespmem:s0+$0x0] =	vst.add.f32.msk $0xffff, v3  }
0x189: {  	[tilespmem:s29+$0x0] =	vst.add.f32.msk $0xffff, v0  }
0x18a: {  	[tilespmem:s30+$0x0] =	vst.add.f32.msk $0xffff, v2  }
0x18b: {  	s26 =	simm.s32 $0x0;
	s0 =	rddreg [dreg:$0x14]  }
0x18c: {  	[hbm4b:s0+s26] =	stream.linear.scatter [tilespmem:s10], [sflag:$0x8], $0x4000, $0x38;
	[tilespmem:$0x1C000] =	vst v63  }
0x18d: {  	s6 =	simm.s32 $0x18000;
	s5 =	rddreg [dreg:$0x15]  }
0x18e: {  	[tilespmem:s6], [sflag:$0xC] =	stream.linear.gather [hbm4b:s5+s26], $0x4000, $0x38;
	[tilespmem:$0x1C000] =	vst v63  }
0x18f: {  	_ =	swait.ge [sflag:s13], $0x4000  }
0x190: {  	[sflag:s13] =	ssyncset.done $0x0  }
0x191: {  	[sflag:s13] =	ssyncadd.s32 $0xFFFFC000  }
0x192: {  	_ =	swait.ge [sflag:s20], $0x4000  }
0x193: {  	[sflag:s20] =	ssyncset.done $0x0  }
0x194: {  	[sflag:s20] =	ssyncadd.s32 $0xFFFFC000  }
0x195: {  	_ =	swait.ge [sflag:s21], $0x4000  }
0x196: {  	[sflag:s21] =	ssyncset.done $0x0  }
0x197: {  	s4 =	simm.s32 $0x0;
	s3 =	rddreg [dreg:$0x1c];
	[sflag:s21] =	ssyncadd.s32 $0xFFFFC000  }
0x198: {  	[tilespmem:s9], [sflag:$0x2] =	stream.linear.gather [hbm4b:s3+s26], $0x4000, $0x38;
	[tilespmem:$0x1C000] =	vst v63  }
0x199: {  	s0 =	sand.u32 $0x2000, s4;
	s5 =	sand.u32 $0x1C00, s26;
	s3 =	simm.s32 $0x0  }
0x19a: {  	s0 =	sor.u32 s5, s0;
	s3 =	sand.u32 $0x380, s3  }
0x19b: {  	s3 =	sor.u32 s3, s0  }
0x19c: {  	v0 =	vld [tilespmem:s3+$0x14070]  }
0x19d: {  	v5 =	vld [tilespmem:s3+$0x14000]  }
0x19e: {  	v6 =	vld [tilespmem:s3+$0x14010]  }
0x19f: {  	v4 =	vld [tilespmem:s3+$0x14020]  }
0x1a0: {  	v1 =	vld [tilespmem:s3+$0x14030]  }
0x1a1: {  	v3 =	vld [tilespmem:s3+$0x14040]  }
0x1a2: {  	s0 =	sor.u32 $0xC070, s3;
	v2 =	vld [tilespmem:s3+$0x14060]  }
0x1a3: {  	[tilespmem:s0+$0x0] =	vst.add.f32.msk $0xffff, v0  }
0x1a4: {  	s28 =	simm.s32 $0x0;
	s6 =	sor.u32 $0xC000, s3;
	v0 =	vld [tilespmem:s3+$0x14050]  }
0x1a5: {  	s4 =	sor.u32 $0xC010, s3;
	s2 =	sor.u32 $0xC020, s3;
	s31 =	sor.u32 $0xC030, s3;
	[tilespmem:s6+$0x0] =	vst.add.f32.msk $0xffff, v5  }
0x1a6: {  	s29 =	sor.u32 $0xC050, s3;
	s30 =	sor.u32 $0xC060, s3;
	s0 =	sor.u32 $0xC040, s3;
	[tilespmem:s4+$0x0] =	vst.add.f32.msk $0xffff, v6  }
.LBB2_18:
0x1a7: {  	s28 =	sadd.s32 $0x8, s28;
	[tilespmem:s2+$0x0] =	vst.add.f32.msk $0xffff, v4  }
0x1a8: {  	s26 =	sadd.s32 $0x400, s26;
	s2 =	sshll.u32 s28, $0x4;
	p0 =	slt.u32 s28, $0x3F8;
	[tilespmem:s31+$0x0] =	vst.add.f32.msk $0xffff, v1  }
0x1a9: {  	s3 =	sand.u32 $0x1C00, s26;
	s4 =	sshll.u32 s28, $0x1;
	s2 =	sand.u32 $0x2000, s2;
	[tilespmem:s0+$0x0] =	vst.add.f32.msk $0xffff, v3  }
0x1aa: {  	s0 =	sand.u32 $0x380, s4;
	s2 =	sor.u32 s3, s2;
	[tilespmem:s29+$0x0] =	vst.add.f32.msk $0xffff, v0  }
0x1ab: {  	s3 =	sor.u32 s0, s2;
	[tilespmem:s30+$0x0] =	vst.add.f32.msk $0xffff, v2  }
0x1ac: {  	s4 =	sor.u32 $0xC000, s3;
	s5 =	sor.u32 $0xC010, s3;
	s2 =	sor.u32 $0xC020, s3;
	v0 =	vld [tilespmem:s3+$0x14070]  }
0x1ad: {  	s31 =	sor.u32 $0xC030, s3;
	s0 =	sor.u32 $0xC040, s3;
	s29 =	sor.u32 $0xC050, s3;
	v5 =	vld [tilespmem:s3+$0x14000]  }
0x1ae: {  	s30 =	sor.u32 $0xC060, s3;
	v6 =	vld [tilespmem:s3+$0x14010]  }
0x1af: {  	v4 =	vld [tilespmem:s3+$0x14020]  }
0x1b0: {  	s6 =	sor.u32 $0xC070, s3;
	v1 =	vld [tilespmem:s3+$0x14030]  }
0x1b1: {  	[tilespmem:s6+$0x0] =	vst.add.f32.msk $0xffff, v0  }
.Ltmp8:
0x1b2: {  	v3 =	vld [tilespmem:s3+$0x14040];
	(pc) =	sbr.rel @p0 .LBB2_18-.Ltmp8, $4  }
0x1b3: {  	v0 =	vld [tilespmem:s3+$0x14050]  }
0x1b4: {  	v2 =	vld [tilespmem:s3+$0x14060]  }
0x1b5: {  	[tilespmem:s4+$0x0] =	vst.add.f32.msk $0xffff, v5  }
0x1b6: {  	[tilespmem:s5+$0x0] =	vst.add.f32.msk $0xffff, v6  }
0x1b7: {  	[tilespmem:s2+$0x0] =	vst.add.f32.msk $0xffff, v4  }
0x1b8: {  	[tilespmem:s31+$0x0] =	vst.add.f32.msk $0xffff, v1  }
0x1b9: {  	[tilespmem:s0+$0x0] =	vst.add.f32.msk $0xffff, v3  }
0x1ba: {  	[tilespmem:s29+$0x0] =	vst.add.f32.msk $0xffff, v0  }
0x1bb: {  	[tilespmem:s30+$0x0] =	vst.add.f32.msk $0xffff, v2  }
0x1bc: {  	s26 =	simm.s32 $0x0;
	s0 =	rddreg [dreg:$0x17]  }
0x1bd: {  	[hbm4b:s0+s26] =	stream.linear.scatter [tilespmem:s15], [sflag:$0x9], $0x4000, $0x38;
	[tilespmem:$0x1C000] =	vst v63  }
0x1be: {  	_ =	swait.ge [sflag:s23], $0x4000  }
0x1bf: {  	[sflag:s23] =	ssyncset.done $0x0  }
0x1c0: {  	[sflag:s23] =	ssyncadd.s32 $0xFFFFC000  }
0x1c1: {  	_ =	swait.ge [sflag:s11], $0x4000  }
0x1c2: {  	s3 =	sld [smem:$0x7F7]  }
0x1c3: {  	[sflag:s11] =	ssyncset.done $0x0  }
0x1c4: {  	s4 =	simm.s32 $0x0;
	[sflag:s11] =	ssyncadd.s32 $0xFFFFC000  }
0x1c5: {  	[tilespmem:s10], [sflag:$0x3] =	stream.linear.gather [hbm4b:s3+s26], $0x4000, $0x38;
	[tilespmem:$0x1C000] =	vst v63  }
0x1c6: {  	s5 =	sand.u32 $0x1C00, s26;
	s0 =	sand.u32 $0x2000, s4;
	s3 =	simm.s32 $0x0  }
0x1c7: {  	s0 =	sor.u32 s5, s0;
	s3 =	sand.u32 $0x380, s3  }
0x1c8: {  	s3 =	sor.u32 s3, s0  }
0x1c9: {  	v0 =	vld [tilespmem:s3+$0x14070]  }
0x1ca: {  	v5 =	vld [tilespmem:s3+$0x14000]  }
0x1cb: {  	v6 =	vld [tilespmem:s3+$0x14010]  }
0x1cc: {  	v4 =	vld [tilespmem:s3+$0x14020]  }
0x1cd: {  	v1 =	vld [tilespmem:s3+$0x14030]  }
0x1ce: {  	v3 =	vld [tilespmem:s3+$0x14040]  }
0x1cf: {  	s0 =	sor.u32 $0x10070, s3;
	v2 =	vld [tilespmem:s3+$0x14060]  }
0x1d0: {  	[tilespmem:s0+$0x0] =	vst.add.f32.msk $0xffff, v0  }
0x1d1: {  	s28 =	simm.s32 $0x0;
	s6 =	sor.u32 $0x10000, s3;
	v0 =	vld [tilespmem:s3+$0x14050]  }
0x1d2: {  	s4 =	sor.u32 $0x10010, s3;
	s2 =	sor.u32 $0x10020, s3;
	s31 =	sor.u32 $0x10030, s3;
	[tilespmem:s6+$0x0] =	vst.add.f32.msk $0xffff, v5  }
0x1d3: {  	s29 =	sor.u32 $0x10050, s3;
	s30 =	sor.u32 $0x10060, s3;
	s0 =	sor.u32 $0x10040, s3;
	[tilespmem:s4+$0x0] =	vst.add.f32.msk $0xffff, v6  }
.LBB2_20:
0x1d4: {  	s28 =	sadd.s32 $0x8, s28;
	[tilespmem:s2+$0x0] =	vst.add.f32.msk $0xffff, v4  }
0x1d5: {  	s26 =	sadd.s32 $0x400, s26;
	s2 =	sshll.u32 s28, $0x4;
	p0 =	slt.u32 s28, $0x3F8;
	[tilespmem:s31+$0x0] =	vst.add.f32.msk $0xffff, v1  }
0x1d6: {  	s3 =	sand.u32 $0x1C00, s26;
	s4 =	sshll.u32 s28, $0x1;
	s2 =	sand.u32 $0x2000, s2;
	[tilespmem:s0+$0x0] =	vst.add.f32.msk $0xffff, v3  }
0x1d7: {  	s0 =	sand.u32 $0x380, s4;
	s2 =	sor.u32 s3, s2;
	[tilespmem:s29+$0x0] =	vst.add.f32.msk $0xffff, v0  }
0x1d8: {  	s3 =	sor.u32 s0, s2;
	[tilespmem:s30+$0x0] =	vst.add.f32.msk $0xffff, v2  }
0x1d9: {  	s4 =	sor.u32 $0x10000, s3;
	s5 =	sor.u32 $0x10010, s3;
	s2 =	sor.u32 $0x10020, s3;
	v0 =	vld [tilespmem:s3+$0x14070]  }
0x1da: {  	s31 =	sor.u32 $0x10030, s3;
	s0 =	sor.u32 $0x10040, s3;
	s29 =	sor.u32 $0x10050, s3;
	v5 =	vld [tilespmem:s3+$0x14000]  }
0x1db: {  	s30 =	sor.u32 $0x10060, s3;
	v6 =	vld [tilespmem:s3+$0x14010]  }
0x1dc: {  	v4 =	vld [tilespmem:s3+$0x14020]  }
0x1dd: {  	s6 =	sor.u32 $0x10070, s3;
	v1 =	vld [tilespmem:s3+$0x14030]  }
0x1de: {  	[tilespmem:s6+$0x0] =	vst.add.f32.msk $0xffff, v0  }
.Ltmp9:
0x1df: {  	v3 =	vld [tilespmem:s3+$0x14040];
	(pc) =	sbr.rel @p0 .LBB2_20-.Ltmp9, $4  }
0x1e0: {  	v0 =	vld [tilespmem:s3+$0x14050]  }
0x1e1: {  	v2 =	vld [tilespmem:s3+$0x14060]  }
0x1e2: {  	[tilespmem:s4+$0x0] =	vst.add.f32.msk $0xffff, v5  }
0x1e3: {  	[tilespmem:s5+$0x0] =	vst.add.f32.msk $0xffff, v6  }
0x1e4: {  	[tilespmem:s2+$0x0] =	vst.add.f32.msk $0xffff, v4  }
0x1e5: {  	[tilespmem:s31+$0x0] =	vst.add.f32.msk $0xffff, v1  }
0x1e6: {  	[tilespmem:s0+$0x0] =	vst.add.f32.msk $0xffff, v3  }
0x1e7: {  	[tilespmem:s29+$0x0] =	vst.add.f32.msk $0xffff, v0  }
0x1e8: {  	[tilespmem:s30+$0x0] =	vst.add.f32.msk $0xffff, v2  }
0x1e9: {  	s26 =	simm.s32 $0x0;
	s0 =	rddreg [dreg:$0x19]  }
0x1ea: {  	[hbm4b:s0+s26] =	stream.linear.scatter [tilespmem:s17], [sflag:$0xA], $0x4000, $0x38;
	[tilespmem:$0x1C000] =	vst v63  }
0x1eb: {  	_ =	swait.ge [sflag:s14], $0x4000  }
0x1ec: {  	[sflag:s14] =	ssyncset.done $0x0  }
0x1ed: {  	[sflag:s14] =	ssyncadd.s32 $0xFFFFC000  }
0x1ee: {  	_ =	swait.ge [sflag:s12], $0x4000  }
0x1ef: {  	s3 =	sld [smem:$0x7F8]  }
0x1f0: {  	[sflag:s12] =	ssyncset.done $0x0  }
0x1f1: {  	s4 =	simm.s32 $0x0;
	[sflag:s12] =	ssyncadd.s32 $0xFFFFC000  }
0x1f2: {  	[tilespmem:s15], [sflag:$0x4] =	stream.linear.gather [hbm4b:s3+s26], $0x4000, $0x38;
	[tilespmem:$0x1C000] =	vst v63  }
0x1f3: {  	s5 =	sand.u32 $0x1C00, s26;
	s0 =	sand.u32 $0x2000, s4;
	s3 =	simm.s32 $0x0  }
0x1f4: {  	s0 =	sor.u32 s5, s0;
	s6 =	sand.u32 $0x380, s3  }
0x1f5: {  	s3 =	sor.u32 s6, s0  }
0x1f6: {  	v0 =	vld [tilespmem:s3+$0x14070]  }
0x1f7: {  	v5 =	vld [tilespmem:s3+$0x14000]  }
0x1f8: {  	v6 =	vld [tilespmem:s3+$0x14010]  }
0x1f9: {  	v4 =	vld [tilespmem:s3+$0x14020]  }
0x1fa: {  	v2 =	vld [tilespmem:s3+$0x14030]  }
0x1fb: {  	v3 =	vld [tilespmem:s3+$0x14040]  }
0x1fc: {  	s0 =	sor.u32 $0x70, s3;
	v1 =	vld [tilespmem:s3+$0x14060]  }
0x1fd: {  	[tilespmem:s0+$0x0] =	vst.add.f32.msk $0xffff, v0  }
0x1fe: {  	s28 =	simm.s32 $0x0;
	v0 =	vld [tilespmem:s3+$0x14050]  }
0x1ff: {  	s4 =	sor.u32 $0x10, s3;
	s2 =	sor.u32 $0x20, s3;
	s31 =	sor.u32 $0x30, s3;
	[tilespmem:s3+$0x0] =	vst.add.f32.msk $0xffff, v5  }
0x200: {  	s30 =	sor.u32 $0x50, s3;
	s29 =	sor.u32 $0x60, s3;
	s0 =	sor.u32 $0x40, s3;
	[tilespmem:s4+$0x0] =	vst.add.f32.msk $0xffff, v6  }
.LBB2_22:
0x201: {  	s28 =	sadd.s32 $0x8, s28;
	[tilespmem:s2+$0x0] =	vst.add.f32.msk $0xffff, v4  }
0x202: {  	s26 =	sadd.s32 $0x400, s26;
	s2 =	sshll.u32 s28, $0x4;
	p0 =	slt.u32 s28, $0x3F8;
	[tilespmem:s31+$0x0] =	vst.add.f32.msk $0xffff, v2  }
0x203: {  	s3 =	sand.u32 $0x1C00, s26;
	s4 =	sshll.u32 s28, $0x1;
	s2 =	sand.u32 $0x2000, s2;
	[tilespmem:s0+$0x0] =	vst.add.f32.msk $0xffff, v3  }
0x204: {  	s0 =	sor.u32 s3, s2;
	s2 =	sand.u32 $0x380, s4;
	[tilespmem:s30+$0x0] =	vst.add.f32.msk $0xffff, v0  }
0x205: {  	s3 =	sor.u32 s2, s0;
	[tilespmem:s29+$0x0] =	vst.add.f32.msk $0xffff, v1  }
0x206: {  	s4 =	sor.u32 $0x10, s3;
	s2 =	sor.u32 $0x20, s3;
	s31 =	sor.u32 $0x30, s3;
	v0 =	vld [tilespmem:s3+$0x14070]  }
0x207: {  	s0 =	sor.u32 $0x40, s3;
	s30 =	sor.u32 $0x50, s3;
	s29 =	sor.u32 $0x60, s3;
	v5 =	vld [tilespmem:s3+$0x14000]  }
0x208: {  	v6 =	vld [tilespmem:s3+$0x14010]  }
0x209: {  	v4 =	vld [tilespmem:s3+$0x14020]  }
0x20a: {  	s5 =	sor.u32 $0x70, s3;
	v2 =	vld [tilespmem:s3+$0x14030]  }
0x20b: {  	[tilespmem:s5+$0x0] =	vst.add.f32.msk $0xffff, v0  }
.Ltmp10:
0x20c: {  	v3 =	vld [tilespmem:s3+$0x14040];
	(pc) =	sbr.rel @p0 .LBB2_22-.Ltmp10, $4  }
0x20d: {  	v0 =	vld [tilespmem:s3+$0x14050]  }
0x20e: {  	v1 =	vld [tilespmem:s3+$0x14060]  }
0x20f: {  	[tilespmem:s3+$0x0] =	vst.add.f32.msk $0xffff, v5  }
0x210: {  	[tilespmem:s4+$0x0] =	vst.add.f32.msk $0xffff, v6  }
0x211: {  	[tilespmem:s2+$0x0] =	vst.add.f32.msk $0xffff, v4  }
0x212: {  	[tilespmem:s31+$0x0] =	vst.add.f32.msk $0xffff, v2  }
0x213: {  	[tilespmem:s0+$0x0] =	vst.add.f32.msk $0xffff, v3  }
0x214: {  	[tilespmem:s30+$0x0] =	vst.add.f32.msk $0xffff, v0  }
0x215: {  	[tilespmem:s29+$0x0] =	vst.add.f32.msk $0xffff, v1  }
0x216: {  	s26 =	simm.s32 $0x0;
	s0 =	rddreg [dreg:$0x1b]  }
0x217: {  	[hbm4b:s0+s26] =	stream.linear.scatter [tilespmem:s26], [sflag:$0x6], $0x4000, $0x38;
	[tilespmem:$0x1C000] =	vst v63  }
0x218: {  	_ =	swait.ge [sflag:s16], $0x4000  }
0x219: {  	[sflag:s16] =	ssyncset.done $0x0  }
0x21a: {  	[sflag:s16] =	ssyncadd.s32 $0xFFFFC000  }
0x21b: {  	_ =	swait.ge [sflag:s24], $0x4000  }
0x21c: {  	s3 =	sld [smem:$0x7F9]  }
0x21d: {  	[sflag:s24] =	ssyncset.done $0x0  }
0x21e: {  	s4 =	simm.s32 $0x0;
	[sflag:s24] =	ssyncadd.s32 $0xFFFFC000  }
0x21f: {  	[tilespmem:s17], [sflag:$0x5] =	stream.linear.gather [hbm4b:s3+s26], $0x4000, $0x38;
	[tilespmem:$0x1C000] =	vst v63  }
0x220: {  	s5 =	sand.u32 $0x1C00, s26;
	s0 =	sand.u32 $0x2000, s4;
	s3 =	simm.s32 $0x0  }
0x221: {  	s0 =	sor.u32 s5, s0;
	s3 =	sand.u32 $0x380, s3  }
0x222: {  	s3 =	sor.u32 s3, s0  }
0x223: {  	v0 =	vld [tilespmem:s3+$0x14070]  }
0x224: {  	v5 =	vld [tilespmem:s3+$0x14000]  }
0x225: {  	v6 =	vld [tilespmem:s3+$0x14010]  }
0x226: {  	v4 =	vld [tilespmem:s3+$0x14020]  }
0x227: {  	v1 =	vld [tilespmem:s3+$0x14030]  }
0x228: {  	v3 =	vld [tilespmem:s3+$0x14040]  }
0x229: {  	s0 =	sor.u32 $0x4070, s3;
	v2 =	vld [tilespmem:s3+$0x14060]  }
0x22a: {  	[tilespmem:s0+$0x0] =	vst.add.f32.msk $0xffff, v0  }
0x22b: {  	s28 =	simm.s32 $0x0;
	s6 =	sor.u32 $0x4000, s3;
	v0 =	vld [tilespmem:s3+$0x14050]  }
0x22c: {  	s4 =	sor.u32 $0x4010, s3;
	s2 =	sor.u32 $0x4020, s3;
	s31 =	sor.u32 $0x4030, s3;
	[tilespmem:s6+$0x0] =	vst.add.f32.msk $0xffff, v5  }
0x22d: {  	s29 =	sor.u32 $0x4050, s3;
	s30 =	sor.u32 $0x4060, s3;
	s0 =	sor.u32 $0x4040, s3;
	[tilespmem:s4+$0x0] =	vst.add.f32.msk $0xffff, v6  }
.LBB2_24:
0x22e: {  	s28 =	sadd.s32 $0x8, s28;
	[tilespmem:s2+$0x0] =	vst.add.f32.msk $0xffff, v4  }
0x22f: {  	s26 =	sadd.s32 $0x400, s26;
	s2 =	sshll.u32 s28, $0x4;
	p0 =	slt.u32 s28, $0x3F8;
	[tilespmem:s31+$0x0] =	vst.add.f32.msk $0xffff, v1  }
0x230: {  	s3 =	sand.u32 $0x1C00, s26;
	s4 =	sshll.u32 s28, $0x1;
	s2 =	sand.u32 $0x2000, s2;
	[tilespmem:s0+$0x0] =	vst.add.f32.msk $0xffff, v3  }
0x231: {  	s0 =	sand.u32 $0x380, s4;
	s2 =	sor.u32 s3, s2;
	[tilespmem:s29+$0x0] =	vst.add.f32.msk $0xffff, v0  }
0x232: {  	s3 =	sor.u32 s0, s2;
	[tilespmem:s30+$0x0] =	vst.add.f32.msk $0xffff, v2  }
0x233: {  	s4 =	sor.u32 $0x4000, s3;
	s5 =	sor.u32 $0x4010, s3;
	s2 =	sor.u32 $0x4020, s3;
	v0 =	vld [tilespmem:s3+$0x14070]  }
0x234: {  	s31 =	sor.u32 $0x4030, s3;
	s0 =	sor.u32 $0x4040, s3;
	s29 =	sor.u32 $0x4050, s3;
	v5 =	vld [tilespmem:s3+$0x14000]  }
0x235: {  	s30 =	sor.u32 $0x4060, s3;
	v6 =	vld [tilespmem:s3+$0x14010]  }
0x236: {  	v4 =	vld [tilespmem:s3+$0x14020]  }
0x237: {  	s6 =	sor.u32 $0x4070, s3;
	v1 =	vld [tilespmem:s3+$0x14030]  }
0x238: {  	[tilespmem:s6+$0x0] =	vst.add.f32.msk $0xffff, v0  }
.Ltmp11:
0x239: {  	v3 =	vld [tilespmem:s3+$0x14040];
	(pc) =	sbr.rel @p0 .LBB2_24-.Ltmp11, $4  }
0x23a: {  	v0 =	vld [tilespmem:s3+$0x14050]  }
0x23b: {  	v2 =	vld [tilespmem:s3+$0x14060]  }
0x23c: {  	[tilespmem:s4+$0x0] =	vst.add.f32.msk $0xffff, v5  }
0x23d: {  	[tilespmem:s5+$0x0] =	vst.add.f32.msk $0xffff, v6  }
0x23e: {  	[tilespmem:s2+$0x0] =	vst.add.f32.msk $0xffff, v4  }
0x23f: {  	[tilespmem:s31+$0x0] =	vst.add.f32.msk $0xffff, v1  }
0x240: {  	[tilespmem:s0+$0x0] =	vst.add.f32.msk $0xffff, v3  }
0x241: {  	[tilespmem:s29+$0x0] =	vst.add.f32.msk $0xffff, v0  }
0x242: {  	[tilespmem:s30+$0x0] =	vst.add.f32.msk $0xffff, v2  }
0x243: {  	s26 =	simm.s32 $0x0;
	s0 =	rddreg [dreg:$0x1d]  }
0x244: {  	[hbm4b:s0+s26] =	stream.linear.scatter [tilespmem:s9], [sflag:$0x7], $0x4000, $0x38;
	[tilespmem:$0x1C000] =	vst v63  }
0x245: {  	_ =	swait.ge [sflag:s22], $0x4000  }
0x246: {  	[sflag:s22] =	ssyncset.done $0x0  }
0x247: {  	[sflag:s22] =	ssyncadd.s32 $0xFFFFC000  }
0x248: {  	_ =	swait.ge [sflag:s18], $0x4000  }
0x249: {  	[sflag:s18] =	ssyncset.done $0x0  }
0x24a: {  	[sflag:s18] =	ssyncadd.s32 $0xFFFFC000  }
0x24b: {  	_ =	swait.ge [sflag:s19], $0x4000  }
0x24c: {  	s3 =	sld [smem:$0x7FA]  }
0x24d: {  	[sflag:s19] =	ssyncset.done $0x0  }
0x24e: {  	s4 =	simm.s32 $0x0;
	[sflag:s19] =	ssyncadd.s32 $0xFFFFC000  }
0x24f: {  	[tilespmem:s26], [sflag:$0x1] =	stream.linear.gather [hbm4b:s3+s26], $0x4000, $0x38;
	[tilespmem:$0x1C000] =	vst v63  }
0x250: {  	s5 =	sand.u32 $0x1C00, s26;
	s0 =	sand.u32 $0x2000, s4;
	s3 =	simm.s32 $0x0  }
0x251: {  	s0 =	sor.u32 s5, s0;
	s3 =	sand.u32 $0x380, s3  }
0x252: {  	s3 =	sor.u32 s3, s0  }
0x253: {  	v0 =	vld [tilespmem:s3+$0x18070]  }
0x254: {  	v5 =	vld [tilespmem:s3+$0x18000]  }
0x255: {  	v6 =	vld [tilespmem:s3+$0x18010]  }
0x256: {  	v4 =	vld [tilespmem:s3+$0x18020]  }
0x257: {  	v1 =	vld [tilespmem:s3+$0x18030]  }
0x258: {  	v3 =	vld [tilespmem:s3+$0x18040]  }
0x259: {  	s0 =	sor.u32 $0x8070, s3;
	v2 =	vld [tilespmem:s3+$0x18060]  }
0x25a: {  	[tilespmem:s0+$0x0] =	vst.add.f32.msk $0xffff, v0  }
0x25b: {  	s28 =	simm.s32 $0x0;
	s6 =	sor.u32 $0x8000, s3;
	v0 =	vld [tilespmem:s3+$0x18050]  }
0x25c: {  	s4 =	sor.u32 $0x8010, s3;
	s2 =	sor.u32 $0x8020, s3;
	s31 =	sor.u32 $0x8030, s3;
	[tilespmem:s6+$0x0] =	vst.add.f32.msk $0xffff, v5  }
0x25d: {  	s29 =	sor.u32 $0x8050, s3;
	s30 =	sor.u32 $0x8060, s3;
	s0 =	sor.u32 $0x8040, s3;
	[tilespmem:s4+$0x0] =	vst.add.f32.msk $0xffff, v6  }
.LBB2_26:
0x25e: {  	s28 =	sadd.s32 $0x8, s28;
	[tilespmem:s2+$0x0] =	vst.add.f32.msk $0xffff, v4  }
0x25f: {  	s26 =	sadd.s32 $0x400, s26;
	s2 =	sshll.u32 s28, $0x4;
	p0 =	slt.u32 s28, $0x3F8;
	[tilespmem:s31+$0x0] =	vst.add.f32.msk $0xffff, v1  }
0x260: {  	s3 =	sand.u32 $0x1C00, s26;
	s4 =	sshll.u32 s28, $0x1;
	s2 =	sand.u32 $0x2000, s2;
	[tilespmem:s0+$0x0] =	vst.add.f32.msk $0xffff, v3  }
0x261: {  	s0 =	sand.u32 $0x380, s4;
	s2 =	sor.u32 s3, s2;
	[tilespmem:s29+$0x0] =	vst.add.f32.msk $0xffff, v0  }
0x262: {  	s3 =	sor.u32 s0, s2;
	[tilespmem:s30+$0x0] =	vst.add.f32.msk $0xffff, v2  }
0x263: {  	s4 =	sor.u32 $0x8000, s3;
	s5 =	sor.u32 $0x8010, s3;
	s2 =	sor.u32 $0x8020, s3;
	v0 =	vld [tilespmem:s3+$0x18070]  }
0x264: {  	s31 =	sor.u32 $0x8030, s3;
	s0 =	sor.u32 $0x8040, s3;
	s29 =	sor.u32 $0x8050, s3;
	v5 =	vld [tilespmem:s3+$0x18000]  }
0x265: {  	s30 =	sor.u32 $0x8060, s3;
	v6 =	vld [tilespmem:s3+$0x18010]  }
0x266: {  	v4 =	vld [tilespmem:s3+$0x18020]  }
0x267: {  	s6 =	sor.u32 $0x8070, s3;
	v1 =	vld [tilespmem:s3+$0x18030]  }
0x268: {  	[tilespmem:s6+$0x0] =	vst.add.f32.msk $0xffff, v0  }
.Ltmp12:
0x269: {  	v3 =	vld [tilespmem:s3+$0x18040];
	(pc) =	sbr.rel @p0 .LBB2_26-.Ltmp12, $4  }
0x26a: {  	v0 =	vld [tilespmem:s3+$0x18050]  }
0x26b: {  	v2 =	vld [tilespmem:s3+$0x18060]  }
0x26c: {  	[tilespmem:s4+$0x0] =	vst.add.f32.msk $0xffff, v5  }
0x26d: {  	[tilespmem:s5+$0x0] =	vst.add.f32.msk $0xffff, v6  }
0x26e: {  	[tilespmem:s2+$0x0] =	vst.add.f32.msk $0xffff, v4  }
0x26f: {  	[tilespmem:s31+$0x0] =	vst.add.f32.msk $0xffff, v1  }
0x270: {  	[tilespmem:s0+$0x0] =	vst.add.f32.msk $0xffff, v3  }
0x271: {  	[tilespmem:s29+$0x0] =	vst.add.f32.msk $0xffff, v0  }
0x272: {  	[tilespmem:s30+$0x0] =	vst.add.f32.msk $0xffff, v2  }
0x273: {  	s0 =	sld [smem:$0x7FB];
	_ =	sdelay $0x1  }
0x274: {  	s26 =	simm.s32 $0x0;
	s4 =	simm.s32 $0x0;
	s3 =	simm.s32 $0x0  }
0x275: {  	[hbm4b:s0+s26] =	stream.linear.scatter [tilespmem:s10], [sflag:$0x8], $0x4000, $0x38;
	[tilespmem:$0x1C000] =	vst v63  }
0x276: {  	s5 =	sand.u32 $0x1C00, s26;
	s0 =	sand.u32 $0x2000, s4;
	_ =	swait.ge [sflag:s20], $0x4000  }
0x277: {  	s3 =	sand.u32 $0x380, s3;
	s0 =	sor.u32 s5, s0;
	[sflag:s20] =	ssyncset.done $0x0  }
0x278: {  	s3 =	sor.u32 s3, s0;
	[sflag:s20] =	ssyncadd.s32 $0xFFFFC000  }
0x279: {  	v0 =	vld [tilespmem:s3+$0x18070]  }
0x27a: {  	v5 =	vld [tilespmem:s3+$0x18000]  }
0x27b: {  	v6 =	vld [tilespmem:s3+$0x18010]  }
0x27c: {  	v4 =	vld [tilespmem:s3+$0x18020]  }
0x27d: {  	v1 =	vld [tilespmem:s3+$0x18030]  }
0x27e: {  	v3 =	vld [tilespmem:s3+$0x18040]  }
0x27f: {  	s0 =	sor.u32 $0xC070, s3;
	v2 =	vld [tilespmem:s3+$0x18060]  }
0x280: {  	[tilespmem:s0+$0x0] =	vst.add.f32.msk $0xffff, v0  }
0x281: {  	s28 =	simm.s32 $0x0;
	s6 =	sor.u32 $0xC000, s3;
	v0 =	vld [tilespmem:s3+$0x18050]  }
0x282: {  	s4 =	sor.u32 $0xC010, s3;
	s2 =	sor.u32 $0xC020, s3;
	s31 =	sor.u32 $0xC030, s3;
	[tilespmem:s6+$0x0] =	vst.add.f32.msk $0xffff, v5  }
0x283: {  	s29 =	sor.u32 $0xC050, s3;
	s30 =	sor.u32 $0xC060, s3;
	s0 =	sor.u32 $0xC040, s3;
	[tilespmem:s4+$0x0] =	vst.add.f32.msk $0xffff, v6  }
.LBB2_28:
0x284: {  	s28 =	sadd.s32 $0x8, s28;
	[tilespmem:s2+$0x0] =	vst.add.f32.msk $0xffff, v4  }
0x285: {  	s26 =	sadd.s32 $0x400, s26;
	s2 =	sshll.u32 s28, $0x4;
	p0 =	slt.u32 s28, $0x3F8;
	[tilespmem:s31+$0x0] =	vst.add.f32.msk $0xffff, v1  }
0x286: {  	s3 =	sand.u32 $0x1C00, s26;
	s4 =	sshll.u32 s28, $0x1;
	s2 =	sand.u32 $0x2000, s2;
	[tilespmem:s0+$0x0] =	vst.add.f32.msk $0xffff, v3  }
0x287: {  	s0 =	sand.u32 $0x380, s4;
	s2 =	sor.u32 s3, s2;
	[tilespmem:s29+$0x0] =	vst.add.f32.msk $0xffff, v0  }
0x288: {  	s3 =	sor.u32 s0, s2;
	[tilespmem:s30+$0x0] =	vst.add.f32.msk $0xffff, v2  }
0x289: {  	s4 =	sor.u32 $0xC000, s3;
	s5 =	sor.u32 $0xC010, s3;
	s2 =	sor.u32 $0xC020, s3;
	v0 =	vld [tilespmem:s3+$0x18070]  }
0x28a: {  	s31 =	sor.u32 $0xC030, s3;
	s0 =	sor.u32 $0xC040, s3;
	s29 =	sor.u32 $0xC050, s3;
	v5 =	vld [tilespmem:s3+$0x18000]  }
0x28b: {  	s30 =	sor.u32 $0xC060, s3;
	v6 =	vld [tilespmem:s3+$0x18010]  }
0x28c: {  	v4 =	vld [tilespmem:s3+$0x18020]  }
0x28d: {  	s6 =	sor.u32 $0xC070, s3;
	v1 =	vld [tilespmem:s3+$0x18030]  }
0x28e: {  	[tilespmem:s6+$0x0] =	vst.add.f32.msk $0xffff, v0  }
.Ltmp13:
0x28f: {  	v3 =	vld [tilespmem:s3+$0x18040];
	(pc) =	sbr.rel @p0 .LBB2_28-.Ltmp13, $4  }
0x290: {  	v0 =	vld [tilespmem:s3+$0x18050]  }
0x291: {  	v2 =	vld [tilespmem:s3+$0x18060]  }
0x292: {  	[tilespmem:s4+$0x0] =	vst.add.f32.msk $0xffff, v5  }
0x293: {  	[tilespmem:s5+$0x0] =	vst.add.f32.msk $0xffff, v6  }
0x294: {  	[tilespmem:s2+$0x0] =	vst.add.f32.msk $0xffff, v4  }
0x295: {  	[tilespmem:s31+$0x0] =	vst.add.f32.msk $0xffff, v1  }
0x296: {  	[tilespmem:s0+$0x0] =	vst.add.f32.msk $0xffff, v3  }
0x297: {  	[tilespmem:s29+$0x0] =	vst.add.f32.msk $0xffff, v0  }
0x298: {  	[tilespmem:s30+$0x0] =	vst.add.f32.msk $0xffff, v2  }
0x299: {  	s0 =	sld [smem:$0x7FC];
	_ =	sdelay $0x1  }
0x29a: {  	s26 =	simm.s32 $0x0;
	s4 =	simm.s32 $0x0;
	s3 =	simm.s32 $0x0  }
0x29b: {  	[hbm4b:s0+s26] =	stream.linear.scatter [tilespmem:s15], [sflag:$0x9], $0x4000, $0x38;
	[tilespmem:$0x1C000] =	vst v63  }
0x29c: {  	s5 =	sand.u32 $0x1C00, s26;
	s0 =	sand.u32 $0x2000, s4;
	_ =	swait.ge [sflag:s23], $0x4000  }
0x29d: {  	s3 =	sand.u32 $0x380, s3;
	s0 =	sor.u32 s5, s0;
	[sflag:s23] =	ssyncset.done $0x0  }
0x29e: {  	s3 =	sor.u32 s3, s0;
	[sflag:s23] =	ssyncadd.s32 $0xFFFFC000  }
0x29f: {  	v0 =	vld [tilespmem:s3+$0x18070]  }
0x2a0: {  	v5 =	vld [tilespmem:s3+$0x18000]  }
0x2a1: {  	v6 =	vld [tilespmem:s3+$0x18010]  }
0x2a2: {  	v4 =	vld [tilespmem:s3+$0x18020]  }
0x2a3: {  	v1 =	vld [tilespmem:s3+$0x18030]  }
0x2a4: {  	v3 =	vld [tilespmem:s3+$0x18040]  }
0x2a5: {  	s0 =	sor.u32 $0x10070, s3;
	v2 =	vld [tilespmem:s3+$0x18060]  }
0x2a6: {  	[tilespmem:s0+$0x0] =	vst.add.f32.msk $0xffff, v0  }
0x2a7: {  	s28 =	simm.s32 $0x0;
	s6 =	sor.u32 $0x10000, s3;
	v0 =	vld [tilespmem:s3+$0x18050]  }
0x2a8: {  	s4 =	sor.u32 $0x10010, s3;
	s2 =	sor.u32 $0x10020, s3;
	s31 =	sor.u32 $0x10030, s3;
	[tilespmem:s6+$0x0] =	vst.add.f32.msk $0xffff, v5  }
0x2a9: {  	s29 =	sor.u32 $0x10050, s3;
	s30 =	sor.u32 $0x10060, s3;
	s0 =	sor.u32 $0x10040, s3;
	[tilespmem:s4+$0x0] =	vst.add.f32.msk $0xffff, v6  }
.LBB2_30:
0x2aa: {  	s28 =	sadd.s32 $0x8, s28;
	[tilespmem:s2+$0x0] =	vst.add.f32.msk $0xffff, v4  }
0x2ab: {  	s26 =	sadd.s32 $0x400, s26;
	s2 =	sshll.u32 s28, $0x4;
	p0 =	slt.u32 s28, $0x3F8;
	[tilespmem:s31+$0x0] =	vst.add.f32.msk $0xffff, v1  }
0x2ac: {  	s3 =	sand.u32 $0x1C00, s26;
	s4 =	sshll.u32 s28, $0x1;
	s2 =	sand.u32 $0x2000, s2;
	[tilespmem:s0+$0x0] =	vst.add.f32.msk $0xffff, v3  }
0x2ad: {  	s0 =	sand.u32 $0x380, s4;
	s2 =	sor.u32 s3, s2;
	[tilespmem:s29+$0x0] =	vst.add.f32.msk $0xffff, v0  }
0x2ae: {  	s3 =	sor.u32 s0, s2;
	[tilespmem:s30+$0x0] =	vst.add.f32.msk $0xffff, v2  }
0x2af: {  	s4 =	sor.u32 $0x10000, s3;
	s5 =	sor.u32 $0x10010, s3;
	s2 =	sor.u32 $0x10020, s3;
	v0 =	vld [tilespmem:s3+$0x18070]  }
0x2b0: {  	s31 =	sor.u32 $0x10030, s3;
	s0 =	sor.u32 $0x10040, s3;
	s29 =	sor.u32 $0x10050, s3;
	v5 =	vld [tilespmem:s3+$0x18000]  }
0x2b1: {  	s30 =	sor.u32 $0x10060, s3;
	v6 =	vld [tilespmem:s3+$0x18010]  }
0x2b2: {  	v4 =	vld [tilespmem:s3+$0x18020]  }
0x2b3: {  	s6 =	sor.u32 $0x10070, s3;
	v1 =	vld [tilespmem:s3+$0x18030]  }
0x2b4: {  	[tilespmem:s6+$0x0] =	vst.add.f32.msk $0xffff, v0  }
.Ltmp14:
0x2b5: {  	v3 =	vld [tilespmem:s3+$0x18040];
	(pc) =	sbr.rel @p0 .LBB2_30-.Ltmp14, $4  }
0x2b6: {  	v0 =	vld [tilespmem:s3+$0x18050]  }
0x2b7: {  	v2 =	vld [tilespmem:s3+$0x18060]  }
0x2b8: {  	[tilespmem:s4+$0x0] =	vst.add.f32.msk $0xffff, v5  }
0x2b9: {  	[tilespmem:s5+$0x0] =	vst.add.f32.msk $0xffff, v6  }
0x2ba: {  	[tilespmem:s2+$0x0] =	vst.add.f32.msk $0xffff, v4  }
0x2bb: {  	[tilespmem:s31+$0x0] =	vst.add.f32.msk $0xffff, v1  }
0x2bc: {  	[tilespmem:s0+$0x0] =	vst.add.f32.msk $0xffff, v3  }
0x2bd: {  	[tilespmem:s29+$0x0] =	vst.add.f32.msk $0xffff, v0  }
0x2be: {  	[tilespmem:s30+$0x0] =	vst.add.f32.msk $0xffff, v2  }
0x2bf: {  	s0 =	sld [smem:$0x7FD];
	_ =	sdelay $0x1  }
0x2c0: {  	s26 =	simm.s32 $0x0;
	s5 =	simm.s32 $0x0;
	s3 =	simm.s32 $0x0  }
0x2c1: {  	[hbm4b:s0+s26] =	stream.linear.scatter [tilespmem:s17], [sflag:$0xA], $0x4000, $0x38;
	[tilespmem:$0x1C000] =	vst v63  }
0x2c2: {  	s6 =	sand.u32 $0x1C00, s26;
	s0 =	sand.u32 $0x2000, s5;
	_ =	swait.ge [sflag:s14], $0x4000  }
0x2c3: {  	s3 =	sand.u32 $0x380, s3;
	s0 =	sor.u32 s6, s0;
	[sflag:s14] =	ssyncset.done $0x0  }
0x2c4: {  	s3 =	sor.u32 s3, s0;
	[sflag:s14] =	ssyncadd.s32 $0xFFFFC000  }
0x2c5: {  	v0 =	vld [tilespmem:s3+$0x18070]  }
0x2c6: {  	v5 =	vld [tilespmem:s3+$0x18000]  }
0x2c7: {  	v6 =	vld [tilespmem:s3+$0x18010]  }
0x2c8: {  	v4 =	vld [tilespmem:s3+$0x18020]  }
0x2c9: {  	v2 =	vld [tilespmem:s3+$0x18030]  }
0x2ca: {  	v3 =	vld [tilespmem:s3+$0x18040]  }
0x2cb: {  	s0 =	sor.u32 $0x70, s3;
	v1 =	vld [tilespmem:s3+$0x18060]  }
0x2cc: {  	[tilespmem:s0+$0x0] =	vst.add.f32.msk $0xffff, v0  }
0x2cd: {  	s28 =	simm.s32 $0x0;
	v0 =	vld [tilespmem:s3+$0x18050]  }
0x2ce: {  	s4 =	sor.u32 $0x10, s3;
	s2 =	sor.u32 $0x20, s3;
	s31 =	sor.u32 $0x30, s3;
	[tilespmem:s3+$0x0] =	vst.add.f32.msk $0xffff, v5  }
0x2cf: {  	s30 =	sor.u32 $0x50, s3;
	s29 =	sor.u32 $0x60, s3;
	s0 =	sor.u32 $0x40, s3;
	[tilespmem:s4+$0x0] =	vst.add.f32.msk $0xffff, v6  }
.LBB2_32:
0x2d0: {  	s28 =	sadd.s32 $0x8, s28;
	[tilespmem:s2+$0x0] =	vst.add.f32.msk $0xffff, v4  }
0x2d1: {  	s26 =	sadd.s32 $0x400, s26;
	s2 =	sshll.u32 s28, $0x4;
	p0 =	slt.u32 s28, $0x3F8;
	[tilespmem:s31+$0x0] =	vst.add.f32.msk $0xffff, v2  }
0x2d2: {  	s3 =	sand.u32 $0x1C00, s26;
	s4 =	sshll.u32 s28, $0x1;
	s2 =	sand.u32 $0x2000, s2;
	[tilespmem:s0+$0x0] =	vst.add.f32.msk $0xffff, v3  }
0x2d3: {  	s0 =	sand.u32 $0x380, s4;
	s2 =	sor.u32 s3, s2;
	[tilespmem:s30+$0x0] =	vst.add.f32.msk $0xffff, v0  }
0x2d4: {  	s3 =	sor.u32 s0, s2;
	[tilespmem:s29+$0x0] =	vst.add.f32.msk $0xffff, v1  }
0x2d5: {  	s4 =	sor.u32 $0x10, s3;
	s2 =	sor.u32 $0x20, s3;
	s31 =	sor.u32 $0x30, s3;
	v0 =	vld [tilespmem:s3+$0x18070]  }
0x2d6: {  	s0 =	sor.u32 $0x40, s3;
	s30 =	sor.u32 $0x50, s3;
	s29 =	sor.u32 $0x60, s3;
	v5 =	vld [tilespmem:s3+$0x18000]  }
0x2d7: {  	v6 =	vld [tilespmem:s3+$0x18010]  }
0x2d8: {  	v4 =	vld [tilespmem:s3+$0x18020]  }
0x2d9: {  	s5 =	sor.u32 $0x70, s3;
	v2 =	vld [tilespmem:s3+$0x18030]  }
0x2da: {  	[tilespmem:s5+$0x0] =	vst.add.f32.msk $0xffff, v0  }
.Ltmp15:
0x2db: {  	v3 =	vld [tilespmem:s3+$0x18040];
	(pc) =	sbr.rel @p0 .LBB2_32-.Ltmp15, $4  }
0x2dc: {  	v0 =	vld [tilespmem:s3+$0x18050]  }
0x2dd: {  	v1 =	vld [tilespmem:s3+$0x18060]  }
0x2de: {  	[tilespmem:s3+$0x0] =	vst.add.f32.msk $0xffff, v5  }
0x2df: {  	[tilespmem:s4+$0x0] =	vst.add.f32.msk $0xffff, v6  }
0x2e0: {  	[tilespmem:s2+$0x0] =	vst.add.f32.msk $0xffff, v4  }
0x2e1: {  	[tilespmem:s31+$0x0] =	vst.add.f32.msk $0xffff, v2  }
0x2e2: {  	[tilespmem:s0+$0x0] =	vst.add.f32.msk $0xffff, v3  }
0x2e3: {  	[tilespmem:s30+$0x0] =	vst.add.f32.msk $0xffff, v0  }
0x2e4: {  	[tilespmem:s29+$0x0] =	vst.add.f32.msk $0xffff, v1  }
0x2e5: {  	[hbm4b:s7+s1] =	stream.linear.scatter [tilespmem:s1], [sflag:$0x6], $0x4000, $0x38;
	[tilespmem:$0x1C000] =	vst v63  }
0x2e6: {  	_ =	swait.ge [sflag:s21], $0x4000  }
0x2e7: {  	[sflag:s21] =	ssyncset.done $0x0  }
0x2e8: {  	[sflag:s21] =	ssyncadd.s32 $0xFFFFC000  }
0x2e9: {  	_ =	swait.ge [sflag:s11], $0x4000  }
0x2ea: {  	[sflag:s11] =	ssyncset.done $0x0  }
0x2eb: {  	[sflag:s11] =	ssyncadd.s32 $0xFFFFC000  }
0x2ec: {  	_ =	swait.ge [sflag:s12], $0x4000  }
0x2ed: {  	[sflag:s12] =	ssyncset.done $0x0  }
0x2ee: {  	s25 =	sadd.s32 $0x1, s25;
	[sflag:s12] =	ssyncadd.s32 $0xFFFFC000  }
0x2ef: {  	p0 =	sne.s32 s25, s8;
	_ =	swait.ge [sflag:s24], $0x4000  }
.Ltmp16:
0x2f0: {  	[sflag:s24] =	ssyncset.done $0x0;
	(pc) =	sbr.rel @p0 .LBB2_1-.Ltmp16, $4  }
0x2f1: {  	[sflag:s24] =	ssyncadd.s32 $0xFFFFC000  }
0x2f2: {  	_ =	swait.ge [sflag:s19], $0x4000  }
0x2f3: {  	[sflag:s19] =	ssyncset.done $0x0  }
0x2f4: {  	[sflag:s19] =	ssyncadd.s32 $0xFFFFC000  }
0x2f5: {  	_ =	sfence.sel $0x180000  }
0x2f6: {  	[bflag:$0x0] =	sbarrier.arrive $0xFFFF  }
0x2f7: {  	_ =	strace $0x90000047  }
0x2f8: {  	s0 =	stileid.u32;
	[bflag:$0x2] =	sbarrier.arrive $0xFFFF  }
0x2f9: {  	p0 =	sne.s32 s0, $0x0;
	s0 =	rddreg [dreg:$0x3]  }
0x2fa: {  	s0 =	sadd.s32 @!p0 $0x100000, s0  }
0x2fb: {  	[sflag:s0] =	ssyncadd.tile.s32 @!p0 $0x1;
	_ =	shalt  }
.Lfunc_end2:
_tile_overlayer_lowered:
.L_overlay_start_2:
0x2fc: {  	(tag) =	ssettag $0x2  }
0x2fd: {  	s0 =	rddreg [dreg:$0x0];
	s2 =	stileid.u32  }
0x2fe: {  	s1 =	rddreg [dreg:$0x1];
	p0 =	sne.s32 s2, $0x0  }
0x2ff: {  	s3 =	rddreg [dreg:$0x2];
	[bflag:$0x3] =	sbarrier.arrive $0xFFFF;
	s2 =	simm.s32 @!p0 $0x1C0D  }
0x300: {  	[timem:s3], [sflag:s2] =	dma.local @!p0 [hbm:s0], s1  }
0x301: {  	s0 =	simm.s32 @!p0 $0xD  }
0x302: {  	_ =	swait.ge @!p0 [sflag:s0], s1  }
0x303: {  	s1 =	ssub.s32 @!p0 $0x0, s1;
	[sflag:s0] =	ssyncset.done @!p0 $0x0  }
0x304: {  	[sflag:s0] =	ssyncadd.s32 @!p0 s1  }
0x305: {  	[bflag:$0x3] =	sbarrier.arrive $0xFFFF  }
0x306: {  	_ =	shalt  }

</sc_bundles>
